<compile_context>
chip_gen: v7x
topology: tpu7x:2x2x1
jax: 0.10.2.dev20260603
libtpu: 0.0.44.dev20260713+nightly
codegen_flags: <defaults>
</compile_context>

<pallas_src>
import functools

import jax
import jax.numpy as jnp
from jax import lax
from jax.experimental import pallas as pl
from jax.experimental.pallas import tpu as pltpu
from jax.experimental.pallas import tpu_sc as plsc


def _table_transform_body(emb_ref, w1_ref, b1_ref, w2_ref, b2_ref, out_ref):
    h = jnp.dot(emb_ref[...], w1_ref[...], preferred_element_type=jnp.float32)
    h = jnp.maximum(h + b1_ref[...][None, :], 0.0)
    h = jnp.dot(h, w2_ref[...], preferred_element_type=jnp.float32)
    h = jnp.maximum(h + b2_ref[...][None, :], 0.0)
    out_ref[...] = h


def _table_transform(emb_table, w1, b1, w2, b2):
    v, d = emb_table.shape[0], w2.shape[1]
    return pl.pallas_call(
        _table_transform_body,
        out_shape=jax.ShapeDtypeStruct((v, d), jnp.float32),
    )(emb_table, w1, b1, w2, b2)


def _graph_readout_body(p_ref, r2_ref, o_ref):
    counts = p_ref[0] + p_ref[1]
    o_ref[...] = jnp.dot(counts, r2_ref[...],
                         precision=jax.lax.Precision.HIGHEST,
                         preferred_element_type=jnp.float32)


def _graph_readout(partials, r2):
    _, g, v = partials.shape
    d = r2.shape[1]
    return pl.pallas_call(
        _graph_readout_body,
        out_shape=jax.ShapeDtypeStruct((g, d), jnp.float32),
    )(partials, r2)


_CHUNK = 128


_K = 4


@functools.lru_cache(maxsize=None)
def _make_sc_kernel(n, v, d, g):
    info = plsc.get_sparse_core_info()
    nc, ns = info.num_cores, info.num_subcores
    nw = nc * ns

    full = n // _CHUNK
    rem = n - full * _CHUNK
    rem_owner = nw - 1
    base_trips = full // nw
    extra = full - base_trips * nw
    gv = g * v
    zc = gv // ns
    n_super = base_trips // _K
    tail_lo = n_super * _K
    assert gv % (16 * ns) == 0 and d % 16 == 0 and rem % 16 == 0

    mesh = plsc.VectorSubcoreMesh(core_axis_name="c", subcore_axis_name="s")

    scratch = [
        pltpu.VMEM((base_trips + 1, _CHUNK), jnp.int32),
        pltpu.VMEM((base_trips + 1, _CHUNK), jnp.int32),
        pltpu.VMEM((_K, _CHUNK, d), jnp.float32),
        pltpu.VMEM((max(rem, 8),), jnp.int32),
        pltpu.VMEM((max(rem, 8),), jnp.int32),
        pltpu.VMEM((max(rem, 8), d), jnp.float32),
        pltpu.VMEM((max(rem, 16),), jnp.int32),
        pltpu.VMEM((_K, _CHUNK), jnp.int32),
        pltpu.VMEM((_CHUNK,), jnp.float32),
        pltpu.VMEM((zc,), jnp.float32),
        pltpu.VMEM((v // ns, d), jnp.float32),
        pltpu.VMEM_SHARED((gv,), jnp.float32),
        pltpu.VMEM_SHARED((v, d), jnp.float32),
        pltpu.SemaphoreType.DMA,
        [pltpu.SemaphoreType.DMA] * _K,
        [pltpu.SemaphoreType.DMA] * _K,
        [pltpu.SemaphoreType.DMA] * _K,
    ]

    @functools.partial(
        pl.kernel,
        out_type=[
            jax.ShapeDtypeStruct((n, d), jnp.float32),
            jax.ShapeDtypeStruct((nc, g, v), jnp.float32),
        ],
        mesh=mesh,
        scratch_types=scratch,
    )
    def sc_kernel(r2_hbm, ut_hbm, n2g_hbm, out_hbm, part_hbm,
                  idx_blk, g_blk, rows, idx_r, g_r, rows_r, pidx_r, pidx,
                  ones_v, zeros_v, r2_stage, acc, r2_sp,
                  sem_i, sem_g, sem_st, sem_sc):
        cid = lax.axis_index("c")
        sid = lax.axis_index("s")
        wid = sid * nc + cid
        has_extra = wid < extra
        lo = wid * base_trips + jnp.minimum(wid, extra)

        def chunk_base(r):
            return pl.multiple_of((lo + r) * _CHUNK, 8)

        @pl.loop(0, base_trips)
        def _(r):
            pltpu.async_copy(ut_hbm.at[pl.ds(chunk_base(r), _CHUNK)],
                             idx_blk.at[r], sem_i)
            pltpu.async_copy(n2g_hbm.at[pl.ds(chunk_base(r), _CHUNK)],
                             g_blk.at[r], sem_i)

        @pl.when(has_extra)
        def _():
            pltpu.async_copy(ut_hbm.at[pl.ds(chunk_base(base_trips), _CHUNK)],
                             idx_blk.at[base_trips], sem_i)
            pltpu.async_copy(n2g_hbm.at[pl.ds(chunk_base(base_trips), _CHUNK)],
                             g_blk.at[base_trips], sem_i)

        @pl.loop(0, zc // 16)
        def _(i):
            zeros_v[pl.ds(i * 16, 16)] = jnp.zeros((16,), jnp.float32)

        @pl.loop(0, _CHUNK // 16)
        def _(i):
            ones_v[pl.ds(i * 16, 16)] = jnp.ones((16,), jnp.float32)

        pltpu.sync_copy(zeros_v, acc.at[pl.ds(sid * zc, zc)])

        tv = v // ns
        pltpu.sync_copy(r2_hbm.at[pl.ds(sid * tv, tv)], r2_stage)
        pltpu.sync_copy(r2_stage, r2_sp.at[pl.ds(sid * tv, tv)])
        plsc.subcore_barrier()

        @pl.loop(0, base_trips)
        def _(r):
            pltpu.make_async_copy(ut_hbm.at[pl.ds(chunk_base(r), _CHUNK)],
                                  idx_blk.at[r], sem_i).wait()
            pltpu.make_async_copy(n2g_hbm.at[pl.ds(chunk_base(r), _CHUNK)],
                                  g_blk.at[r], sem_i).wait()

        @pl.when(has_extra)
        def _():
            pltpu.make_async_copy(ut_hbm.at[pl.ds(chunk_base(base_trips), _CHUNK)],
                                  idx_blk.at[base_trips], sem_i).wait()
            pltpu.make_async_copy(n2g_hbm.at[pl.ds(chunk_base(base_trips), _CHUNK)],
                                  g_blk.at[base_trips], sem_i).wait()

        def gather(r, u):
            return pltpu.async_copy(r2_sp.at[idx_blk.at[r]], rows.at[u],
                                    sem_g[u])

        def store_scatter(r, u):
            st = pltpu.async_copy(rows.at[u],
                                  out_hbm.at[pl.ds(chunk_base(r), _CHUNK)],
                                  sem_st[u])
            for c0 in range(_CHUNK // 16):
                s = pl.ds(c0 * 16, 16)
                pidx[u, s] = g_blk[r, s] * v + idx_blk[r, s]
            sc = pltpu.async_copy(ones_v, acc.at[pidx.at[u]], sem_sc[u],
                                  add=True)
            return st, sc

        def wait_store_scatter(r, u):
            pltpu.make_async_copy(rows.at[u],
                                  out_hbm.at[pl.ds(chunk_base(r), _CHUNK)],
                                  sem_st[u]).wait()
            pltpu.make_async_copy(ones_v, acc.at[pidx.at[u]],
                                  sem_sc[u]).wait()

        @pl.loop(0, n_super)
        def _(p):
            r0 = p * _K
            gd = []
            for u in range(_K):
                @pl.when(p > 0)
                def _(u=u):
                    wait_store_scatter(r0 + u - _K, u)

                gd.append(gather(r0 + u, u))
            for u in range(_K):
                gd[u].wait()
                store_scatter(r0 + u, u)

        if n_super > 0:
            for u in range(_K):
                wait_store_scatter((n_super - 1) * _K + u, u)

        for r in range(tail_lo, base_trips):
            u = r - tail_lo
            gd = gather(r, u)
            gd.wait()
            st, sc = store_scatter(r, u)
            st.wait()
            sc.wait()

        @pl.when(has_extra)
        def _():
            gd = gather(base_trips, 0)
            gd.wait()
            st, sc = store_scatter(base_trips, 0)
            st.wait()
            sc.wait()

        if rem:
            @pl.when(wid == rem_owner)
            def _():
                base = full * _CHUNK
                pltpu.sync_copy(ut_hbm.at[pl.ds(base, rem)], idx_r)
                pltpu.sync_copy(n2g_hbm.at[pl.ds(base, rem)], g_r)
                pltpu.sync_copy(r2_sp.at[idx_r], rows_r)
                pltpu.sync_copy(rows_r, out_hbm.at[pl.ds(base, rem)])
                for c0 in range(rem // 16):
                    s = pl.ds(c0 * 16, 16)
                    pidx_r[s] = g_r[s] * v + idx_r[s]
                pltpu.sync_copy(ones_v.at[pl.ds(0, rem)], acc.at[pidx_r],
                                add=True)

        plsc.subcore_barrier()
        g_per_tile = g // ns
        for rr in range(g_per_tile):
            pltpu.async_copy(
                acc.at[pl.ds((sid * g_per_tile + rr) * v, v)],
                part_hbm.at[cid, sid * g_per_tile + rr], sem_i)
        for rr in range(g_per_tile):
            pltpu.make_async_copy(
                acc.at[pl.ds((sid * g_per_tile + rr) * v, v)],
                part_hbm.at[cid, sid * g_per_tile + rr], sem_i).wait()

    return sc_kernel


def kernel(input, unit_type, node2graph, emb_table, W1, b1, W2, b2):
    del input
    n = unit_type.shape[0]
    d = W2.shape[1]
    v = emb_table.shape[0]
    g = 256

    r2 = _table_transform(emb_table, W1, b1, W2, b2)
    sc = _make_sc_kernel(n, v, d, g)
    node_feature, counts = sc(
        r2, unit_type.astype(jnp.int32), node2graph.astype(jnp.int32)
    )
    graph_feature = _graph_readout(counts, r2)
    return graph_feature, node_feature

# --- scband reference (transcript-rebuilt; emitter-appended) ---
"""Pipeline reference for scband-glycan-comp-gcn-34995393527945 (READ-ONLY COPY).

The authoritative reference and input builder live on the scoring server;
editing this copy changes nothing except your own understanding.
"""

import jax, jax.numpy as jnp
import numpy as np

N = 100000
D_IN = 128
H1 = 128
H2 = 128
NUM_UNIT = 512
NUM_GRAPHS = 256


def setup_inputs(seed: int = 0) -> dict:
    key = jax.random.key(seed)
    ks = jax.random.split(key, 8)
    inputs = {}
    # forward args per input_specs
    inputs['input'] = jax.random.normal(ks[0], (N, D_IN), dtype=jnp.float32)
    inputs['unit_type'] = jax.random.randint(ks[1], (N,), 0, NUM_UNIT, dtype=jnp.int64) if jax.config.jax_enable_x64 else jax.random.randint(ks[1], (N,), 0, NUM_UNIT).astype(jnp.int32)
    inputs['node2graph'] = jnp.sort(jax.random.randint(ks[2], (N,), 0, NUM_GRAPHS).astype(jnp.int32))
    # learned parameters
    inputs['emb_table'] = jax.random.normal(ks[3], (NUM_UNIT, D_IN), dtype=jnp.float32) * 0.02
    inputs['W1'] = jax.random.normal(ks[4], (D_IN, H1), dtype=jnp.float32) * (1.0 / np.sqrt(D_IN))
    inputs['b1'] = jnp.zeros((H1,), dtype=jnp.float32)
    inputs['W2'] = jax.random.normal(ks[5], (H1, H2), dtype=jnp.float32) * (1.0 / np.sqrt(H1))
    inputs['b2'] = jnp.zeros((H2,), dtype=jnp.float32)
    return inputs


def reference(input, unit_type, node2graph, emb_table, W1, b1, W2, b2):
    # embedding_init: lookup per-node unit type (SparseCore gather)
    layer_input = jnp.take(emb_table, unit_type, axis=0)
    # layer 1: Linear + ReLU (CompGCNConv simplified forward)
    h = jax.nn.relu(layer_input @ W1 + b1)
    # layer 2: Linear + ReLU
    h = jax.nn.relu(h @ W2 + b2)
    node_feature = h  # concat_hidden=False -> last hidden
    # SumReadout: scatter-add node features into per-graph buckets
    graph_feature = jax.ops.segment_sum(node_feature, node2graph, num_segments=NUM_GRAPHS)
    return (graph_feature, node_feature)

if __name__ == "__main__":
    import jax
    _d = setup_inputs()
    print(jax.jit(kernel)(*tuple(_d.values())))

</pallas_src>

<mosaic_0001>
#map = affine_map<(d0, d1) -> (0, 0)>
#map1 = affine_map<(d0, d1) -> (0)>
#map2 = affine_map<(d0, d1) -> (0, 0, 0)>
module attributes {stable_mosaic.version = 14 : i64} {
  func.func @sc_kernel(%arg0: i32, %arg1: i32, %arg2: memref<512x128xf32, #tpu.memory_space<hbm>>, %arg3: memref<100000xi32, #tpu.memory_space<hbm>>, %arg4: memref<100000xi32, #tpu.memory_space<hbm>>, %arg5: memref<100000x128xf32, #tpu.memory_space<hbm>>, %arg6: memref<2x256x512xf32, #tpu.memory_space<hbm>>, %arg7: memref<25x128xi32, #tpu.memory_space<vmem>>, %arg8: memref<25x128xi32, #tpu.memory_space<vmem>>, %arg9: memref<4x128x128xf32, #tpu.memory_space<vmem>>, %arg10: memref<32xi32, #tpu.memory_space<vmem>>, %arg11: memref<32xi32, #tpu.memory_space<vmem>>, %arg12: memref<32x128xf32, #tpu.memory_space<vmem>>, %arg13: memref<32xi32, #tpu.memory_space<vmem>>, %arg14: memref<4x128xi32, #tpu.memory_space<vmem>>, %arg15: memref<128xf32, #tpu.memory_space<vmem>>, %arg16: memref<8192xf32, #tpu.memory_space<vmem>>, %arg17: memref<32x128xf32, #tpu.memory_space<vmem>>, %arg18: memref<131072xf32, #tpu.memory_space<vmem_shared>>, %arg19: memref<512x128xf32, #tpu.memory_space<vmem_shared>>, %arg20: memref<!tpu.dma_semaphore, #tpu.memory_space<semaphore_mem>>, %arg21: memref<!tpu.dma_semaphore, #tpu.memory_space<semaphore_mem>>, %arg22: memref<!tpu.dma_semaphore, #tpu.memory_space<semaphore_mem>>, %arg23: memref<!tpu.dma_semaphore, #tpu.memory_space<semaphore_mem>>, %arg24: memref<!tpu.dma_semaphore, #tpu.memory_space<semaphore_mem>>, %arg25: memref<!tpu.dma_semaphore, #tpu.memory_space<semaphore_mem>>, %arg26: memref<!tpu.dma_semaphore, #tpu.memory_space<semaphore_mem>>, %arg27: memref<!tpu.dma_semaphore, #tpu.memory_space<semaphore_mem>>, %arg28: memref<!tpu.dma_semaphore, #tpu.memory_space<semaphore_mem>>, %arg29: memref<!tpu.dma_semaphore, #tpu.memory_space<semaphore_mem>>, %arg30: memref<!tpu.dma_semaphore, #tpu.memory_space<semaphore_mem>>, %arg31: memref<!tpu.dma_semaphore, #tpu.memory_space<semaphore_mem>>, %arg32: memref<!tpu.dma_semaphore, #tpu.memory_space<semaphore_mem>>) attributes {dimension_semantics = [#tpu.dimension_semantics<core_parallel>, #tpu.dimension_semantics<subcore_parallel>], iteration_bounds = array<i64: 2, 16>, scalar_prefetch = 0 : i64, scratch_operands = 26 : i64, tpu.core_type = #tpu.core_type<sc_vector_subcore>, window_params = [{transform_indices = #map}, {transform_indices = #map1}, {transform_indices = #map1}, {transform_indices = #map}, {transform_indices = #map2}]} {
    %mul3A = arith.constant 2 : i32
    %mul3A_0 = arith.muli %arg1, %mul3A : i32
    %add3A = arith.addi %mul3A_0, %arg0 : i32
    %lt3A = arith.constant 13 : i32
    %lt3A_1 = arith.cmpi slt, %add3A, %lt3A : i32
    %mul3A_2 = arith.constant 24 : i32
    %mul3A_3 = arith.muli %add3A, %mul3A_2 : i32
    %min3A = arith.constant 13 : i32
    %min3A_4 = arith.minsi %add3A, %min3A : i32
    %add3A_5 = arith.addi %mul3A_3, %min3A_4 : i32
    %scan3A = arith.constant 0 : i32
    %scan3A_6 = arith.constant 24 : i32
    %scan3A_7 = arith.addi %scan3A, %scan3A_6 : i32
    %scan3A_8 = arith.constant 1 : i32
    scf.for %scan3A_589 = %scan3A to %scan3A_7 step %scan3A_8  : i32 {
      %mul3A_590 = arith.constant 1 : i32
      %mul3A_591 = arith.muli %scan3A_589, %mul3A_590 : i32
      %add3A_592 = arith.constant 0 : i32
      %add3A_593 = arith.addi %add3A_592, %mul3A_591 : i32
      %add3A_594 = arith.addi %add3A_5, %add3A_593 : i32
      %mul3A_595 = arith.constant 128 : i32
      %mul3A_596 = arith.muli %add3A_594, %mul3A_595 : i32
      %multiple_of3A_597 = tpu.assume_multiple %mul3A_596, 8 : i32
      %dma_start3A_598 = arith.constant 0 : i32
      %dma_start3A_599 = tpu.memref_slice %arg7[%add3A_593, %dma_start3A_598] : memref<25x128xi32, #tpu.memory_space<vmem>> -> memref<1x128xi32, #tpu.memory_space<vmem>>
      %dma_start3A_600 = tpu.memref_squeeze %dma_start3A_599 : memref<1x128xi32, #tpu.memory_space<vmem>> -> memref<128xi32, #tpu.memory_space<vmem>>
      %dma_start3A_601 = tpu.memref_slice %arg3[%multiple_of3A_597] : memref<100000xi32, #tpu.memory_space<hbm>> -> memref<128xi32, #tpu.memory_space<hbm>>
      %dma_start3A_602 = arith.constant 0 : i32
      %dma_start3A_603 = tpu.memref_slice %arg7[%add3A_593, %dma_start3A_602] : memref<25x128xi32, #tpu.memory_space<vmem>> -> memref<1x128xi32, #tpu.memory_space<vmem>>
      %dma_start3A_604 = tpu.memref_squeeze %dma_start3A_603 : memref<1x128xi32, #tpu.memory_space<vmem>> -> memref<128xi32, #tpu.memory_space<vmem>>
      %dma_start3A_605 = tpu.memref_slice %arg3[%multiple_of3A_597] : memref<100000xi32, #tpu.memory_space<hbm>> -> memref<128xi32, #tpu.memory_space<hbm>>
      tpu.enqueue_dma source(%dma_start3A_605 : memref<128xi32, #tpu.memory_space<hbm>>) target(%dma_start3A_604 : memref<128xi32, #tpu.memory_space<vmem>>) target_semaphore(%arg20 : memref<!tpu.dma_semaphore, #tpu.memory_space<semaphore_mem>>)
      %add3A_606 = arith.addi %add3A_5, %add3A_593 : i32
      %mul3A_607 = arith.constant 128 : i32
      %mul3A_608 = arith.muli %add3A_606, %mul3A_607 : i32
      %multiple_of3A_609 = tpu.assume_multiple %mul3A_608, 8 : i32
      %dma_start3A_610 = arith.constant 0 : i32
      %dma_start3A_611 = tpu.memref_slice %arg8[%add3A_593, %dma_start3A_610] : memref<25x128xi32, #tpu.memory_space<vmem>> -> memref<1x128xi32, #tpu.memory_space<vmem>>
      %dma_start3A_612 = tpu.memref_squeeze %dma_start3A_611 : memref<1x128xi32, #tpu.memory_space<vmem>> -> memref<128xi32, #tpu.memory_space<vmem>>
      %dma_start3A_613 = tpu.memref_slice %arg4[%multiple_of3A_609] : memref<100000xi32, #tpu.memory_space<hbm>> -> memref<128xi32, #tpu.memory_space<hbm>>
      %dma_start3A_614 = arith.constant 0 : i32
      %dma_start3A_615 = tpu.memref_slice %arg8[%add3A_593, %dma_start3A_614] : memref<25x128xi32, #tpu.memory_space<vmem>> -> memref<1x128xi32, #tpu.memory_space<vmem>>
      %dma_start3A_616 = tpu.memref_squeeze %dma_start3A_615 : memref<1x128xi32, #tpu.memory_space<vmem>> -> memref<128xi32, #tpu.memory_space<vmem>>
      %dma_start3A_617 = tpu.memref_slice %arg4[%multiple_of3A_609] : memref<100000xi32, #tpu.memory_space<hbm>> -> memref<128xi32, #tpu.memory_space<hbm>>
      tpu.enqueue_dma source(%dma_start3A_617 : memref<128xi32, #tpu.memory_space<hbm>>) target(%dma_start3A_616 : memref<128xi32, #tpu.memory_space<vmem>>) target_semaphore(%arg20 : memref<!tpu.dma_semaphore, #tpu.memory_space<semaphore_mem>>)
    }
    %scan3A_9 = arith.constant 24 : i32
    %convert_element_type3A = arith.extui %lt3A_1 : i1 to i32
    %cond3A = arith.constant 0 : i32
    %cond3A_10 = arith.cmpi ne, %convert_element_type3A, %cond3A : i32
    scf.if %cond3A_10 {
      %add3A_589 = arith.constant 24 : i32
      %add3A_590 = arith.addi %add3A_5, %add3A_589 : i32
      %mul3A_591 = arith.constant 128 : i32
      %mul3A_592 = arith.muli %add3A_590, %mul3A_591 : i32
      %multiple_of3A_593 = tpu.assume_multiple %mul3A_592, 8 : i32
      %dma_start3A_594 = arith.constant 24 : i32
      %dma_start3A_595 = arith.constant 0 : i32
      %dma_start3A_596 = tpu.memref_slice %arg7[%dma_start3A_594, %dma_start3A_595] : memref<25x128xi32, #tpu.memory_space<vmem>> -> memref<1x128xi32, #tpu.memory_space<vmem>>
      %dma_start3A_597 = tpu.memref_squeeze %dma_start3A_596 : memref<1x128xi32, #tpu.memory_space<vmem>> -> memref<128xi32, #tpu.memory_space<vmem>>
      %dma_start3A_598 = tpu.memref_slice %arg3[%multiple_of3A_593] : memref<100000xi32, #tpu.memory_space<hbm>> -> memref<128xi32, #tpu.memory_space<hbm>>
      %dma_start3A_599 = arith.constant 0 : i32
      %dma_start3A_600 = tpu.memref_slice %arg7[%dma_start3A_594, %dma_start3A_599] : memref<25x128xi32, #tpu.memory_space<vmem>> -> memref<1x128xi32, #tpu.memory_space<vmem>>
      %dma_start3A_601 = tpu.memref_squeeze %dma_start3A_600 : memref<1x128xi32, #tpu.memory_space<vmem>> -> memref<128xi32, #tpu.memory_space<vmem>>
      %dma_start3A_602 = tpu.memref_slice %arg3[%multiple_of3A_593] : memref<100000xi32, #tpu.memory_space<hbm>> -> memref<128xi32, #tpu.memory_space<hbm>>
      tpu.enqueue_dma source(%dma_start3A_602 : memref<128xi32, #tpu.memory_space<hbm>>) target(%dma_start3A_601 : memref<128xi32, #tpu.memory_space<vmem>>) target_semaphore(%arg20 : memref<!tpu.dma_semaphore, #tpu.memory_space<semaphore_mem>>)
      %add3A_603 = arith.constant 24 : i32
      %add3A_604 = arith.addi %add3A_5, %add3A_603 : i32
      %mul3A_605 = arith.constant 128 : i32
      %mul3A_606 = arith.muli %add3A_604, %mul3A_605 : i32
      %multiple_of3A_607 = tpu.assume_multiple %mul3A_606, 8 : i32
      %dma_start3A_608 = arith.constant 24 : i32
      %dma_start3A_609 = arith.constant 0 : i32
      %dma_start3A_610 = tpu.memref_slice %arg8[%dma_start3A_608, %dma_start3A_609] : memref<25x128xi32, #tpu.memory_space<vmem>> -> memref<1x128xi32, #tpu.memory_space<vmem>>
      %dma_start3A_611 = tpu.memref_squeeze %dma_start3A_610 : memref<1x128xi32, #tpu.memory_space<vmem>> -> memref<128xi32, #tpu.memory_space<vmem>>
      %dma_start3A_612 = tpu.memref_slice %arg4[%multiple_of3A_607] : memref<100000xi32, #tpu.memory_space<hbm>> -> memref<128xi32, #tpu.memory_space<hbm>>
      %dma_start3A_613 = arith.constant 0 : i32
      %dma_start3A_614 = tpu.memref_slice %arg8[%dma_start3A_608, %dma_start3A_613] : memref<25x128xi32, #tpu.memory_space<vmem>> -> memref<1x128xi32, #tpu.memory_space<vmem>>
      %dma_start3A_615 = tpu.memref_squeeze %dma_start3A_614 : memref<1x128xi32, #tpu.memory_space<vmem>> -> memref<128xi32, #tpu.memory_space<vmem>>
      %dma_start3A_616 = tpu.memref_slice %arg4[%multiple_of3A_607] : memref<100000xi32, #tpu.memory_space<hbm>> -> memref<128xi32, #tpu.memory_space<hbm>>
      tpu.enqueue_dma source(%dma_start3A_616 : memref<128xi32, #tpu.memory_space<hbm>>) target(%dma_start3A_615 : memref<128xi32, #tpu.memory_space<vmem>>) target_semaphore(%arg20 : memref<!tpu.dma_semaphore, #tpu.memory_space<semaphore_mem>>)
    } else {
    }
    %scan3A_11 = arith.constant 0 : i32
    %scan3A_12 = arith.constant 512 : i32
    %scan3A_13 = arith.addi %scan3A_11, %scan3A_12 : i32
    %scan3A_14 = arith.constant 1 : i32
    scf.for %scan3A_589 = %scan3A_11 to %scan3A_13 step %scan3A_14  : i32 {
      %mul3A_590 = arith.constant 1 : i32
      %mul3A_591 = arith.muli %scan3A_589, %mul3A_590 : i32
      %add3A_592 = arith.constant 0 : i32
      %add3A_593 = arith.addi %add3A_592, %mul3A_591 : i32
      %broadcast_in_dim3A = arith.constant 0.000000e+00 : f32
      %broadcast_in_dim3A_594 = vector.broadcast %broadcast_in_dim3A : f32 to vector<16xf32>
      %mul3A_595 = arith.constant 16 : i32
      %mul3A_596 = arith.muli %add3A_593, %mul3A_595 : i32
      %swap3A = arith.index_cast %mul3A_596 : i32 to index
      %swap3A_597 = tpu.vector_load %arg16[%swap3A] {strides = array<i32>} : memref<8192xf32, #tpu.memory_space<vmem>>, vector<16xf32>,
      %swap3A_598 = vector.shape_cast %swap3A_597 : vector<16xf32> to vector<16xf32>
      %swap3A_599 = vector.shape_cast %broadcast_in_dim3A_594 : vector<16xf32> to vector<16xf32>
      tpu.vector_store %arg16[%swap3A], %swap3A_599 {strides = array<i32>} : memref<8192xf32, #tpu.memory_space<vmem>>, vector<16xf32>,
    }
    %scan3A_15 = arith.constant 512 : i32
    %scan3A_16 = arith.constant 0 : i32
    %scan3A_17 = arith.constant 8 : i32
    %scan3A_18 = arith.addi %scan3A_16, %scan3A_17 : i32
    %scan3A_19 = arith.constant 1 : i32
    scf.for %scan3A_589 = %scan3A_16 to %scan3A_18 step %scan3A_19  : i32 {
      %mul3A_590 = arith.constant 1 : i32
      %mul3A_591 = arith.muli %scan3A_589, %mul3A_590 : i32
      %add3A_592 = arith.constant 0 : i32
      %add3A_593 = arith.addi %add3A_592, %mul3A_591 : i32
      %broadcast_in_dim3A = arith.constant 1.000000e+00 : f32
      %broadcast_in_dim3A_594 = vector.broadcast %broadcast_in_dim3A : f32 to vector<16xf32>
      %mul3A_595 = arith.constant 16 : i32
      %mul3A_596 = arith.muli %add3A_593, %mul3A_595 : i32
      %swap3A = arith.index_cast %mul3A_596 : i32 to index
      %swap3A_597 = tpu.vector_load %arg15[%swap3A] {strides = array<i32>} : memref<128xf32, #tpu.memory_space<vmem>>, vector<16xf32>,
      %swap3A_598 = vector.shape_cast %swap3A_597 : vector<16xf32> to vector<16xf32>
      %swap3A_599 = vector.shape_cast %broadcast_in_dim3A_594 : vector<16xf32> to vector<16xf32>
      tpu.vector_store %arg15[%swap3A], %swap3A_599 {strides = array<i32>} : memref<128xf32, #tpu.memory_space<vmem>>, vector<16xf32>,
    }
    %scan3A_20 = arith.constant 8 : i32
    %mul3A_21 = arith.constant 8192 : i32
    %mul3A_22 = arith.muli %arg1, %mul3A_21 : i32
    "tpu.region"() ({
      %run_scoped3A = tpu.sem_alloc : memref<!tpu.dma_semaphore, #tpu.memory_space<semaphore_mem>>
      %dma_start3A_589 = tpu.memref_slice %arg18[%mul3A_22] : memref<131072xf32, #tpu.memory_space<vmem_shared>> -> memref<8192xf32, #tpu.memory_space<vmem_shared>>
      %dma_start3A_590 = tpu.memref_slice %arg18[%mul3A_22] : memref<131072xf32, #tpu.memory_space<vmem_shared>> -> memref<8192xf32, #tpu.memory_space<vmem_shared>>
      tpu.enqueue_dma source(%arg16 : memref<8192xf32, #tpu.memory_space<vmem>>) target(%dma_start3A_590 : memref<8192xf32, #tpu.memory_space<vmem_shared>>) target_semaphore(%run_scoped3A : memref<!tpu.dma_semaphore, #tpu.memory_space<semaphore_mem>>)
      %dma_wait3A_591 = tpu.memref_slice %arg18[%mul3A_22] : memref<131072xf32, #tpu.memory_space<vmem_shared>> -> memref<8192xf32, #tpu.memory_space<vmem_shared>>
      %dma_wait3A_592 = tpu.memref_slice %arg18[%mul3A_22] : memref<131072xf32, #tpu.memory_space<vmem_shared>> -> memref<8192xf32, #tpu.memory_space<vmem_shared>>
      tpu.wait_dma2 semaphore(%run_scoped3A : memref<!tpu.dma_semaphore, #tpu.memory_space<semaphore_mem>>) src(%arg16 : memref<8192xf32, #tpu.memory_space<vmem>>) dst(%dma_wait3A_592 : memref<8192xf32, #tpu.memory_space<vmem_shared>>)
      tpu.yield
    }) : () -> ()
    %mul3A_23 = arith.constant 32 : i32
    %mul3A_24 = arith.muli %arg1, %mul3A_23 : i32
    "tpu.region"() ({
      %run_scoped3A = tpu.sem_alloc : memref<!tpu.dma_semaphore, #tpu.memory_space<semaphore_mem>>
      %dma_start3A_589 = arith.constant 0 : i32
      %dma_start3A_590 = tpu.memref_slice %arg2[%mul3A_24, %dma_start3A_589] : memref<512x128xf32, #tpu.memory_space<hbm>> -> memref<32x128xf32, #tpu.memory_space<hbm>>
      %dma_start3A_591 = arith.constant 0 : i32
      %dma_start3A_592 = tpu.memref_slice %arg2[%mul3A_24, %dma_start3A_591] : memref<512x128xf32, #tpu.memory_space<hbm>> -> memref<32x128xf32, #tpu.memory_space<hbm>>
      tpu.enqueue_dma source(%dma_start3A_592 : memref<32x128xf32, #tpu.memory_space<hbm>>) target(%arg17 : memref<32x128xf32, #tpu.memory_space<vmem>>) target_semaphore(%run_scoped3A : memref<!tpu.dma_semaphore, #tpu.memory_space<semaphore_mem>>)
      %dma_wait3A_593 = arith.constant 0 : i32
      %dma_wait3A_594 = tpu.memref_slice %arg2[%mul3A_24, %dma_wait3A_593] : memref<512x128xf32, #tpu.memory_space<hbm>> -> memref<32x128xf32, #tpu.memory_space<hbm>>
      %dma_wait3A_595 = arith.constant 0 : i32
      %dma_wait3A_596 = tpu.memref_slice %arg2[%mul3A_24, %dma_wait3A_595] : memref<512x128xf32, #tpu.memory_space<hbm>> -> memref<32x128xf32, #tpu.memory_space<hbm>>
      tpu.wait_dma2 semaphore(%run_scoped3A : memref<!tpu.dma_semaphore, #tpu.memory_space<semaphore_mem>>) src(%dma_wait3A_596 : memref<32x128xf32, #tpu.memory_space<hbm>>) dst(%arg17 : memref<32x128xf32, #tpu.memory_space<vmem>>)
      tpu.yield
    }) : () -> ()
    %mul3A_25 = arith.constant 32 : i32
    %mul3A_26 = arith.muli %arg1, %mul3A_25 : i32
    "tpu.region"() ({
      %run_scoped3A = tpu.sem_alloc : memref<!tpu.dma_semaphore, #tpu.memory_space<semaphore_mem>>
      %dma_start3A_589 = arith.constant 0 : i32
      %dma_start3A_590 = tpu.memref_slice %arg19[%mul3A_26, %dma_start3A_589] : memref<512x128xf32, #tpu.memory_space<vmem_shared>> -> memref<32x128xf32, #tpu.memory_space<vmem_shared>>
      %dma_start3A_591 = arith.constant 0 : i32
      %dma_start3A_592 = tpu.memref_slice %arg19[%mul3A_26, %dma_start3A_591] : memref<512x128xf32, #tpu.memory_space<vmem_shared>> -> memref<32x128xf32, #tpu.memory_space<vmem_shared>>
      tpu.enqueue_dma source(%arg17 : memref<32x128xf32, #tpu.memory_space<vmem>>) target(%dma_start3A_592 : memref<32x128xf32, #tpu.memory_space<vmem_shared>>) target_semaphore(%run_scoped3A : memref<!tpu.dma_semaphore, #tpu.memory_space<semaphore_mem>>)
      %dma_wait3A_593 = arith.constant 0 : i32
      %dma_wait3A_594 = tpu.memref_slice %arg19[%mul3A_26, %dma_wait3A_593] : memref<512x128xf32, #tpu.memory_space<vmem_shared>> -> memref<32x128xf32, #tpu.memory_space<vmem_shared>>
      %dma_wait3A_595 = arith.constant 0 : i32
      %dma_wait3A_596 = tpu.memref_slice %arg19[%mul3A_26, %dma_wait3A_595] : memref<512x128xf32, #tpu.memory_space<vmem_shared>> -> memref<32x128xf32, #tpu.memory_space<vmem_shared>>
      tpu.wait_dma2 semaphore(%run_scoped3A : memref<!tpu.dma_semaphore, #tpu.memory_space<semaphore_mem>>) src(%arg17 : memref<32x128xf32, #tpu.memory_space<vmem>>) dst(%dma_wait3A_596 : memref<32x128xf32, #tpu.memory_space<vmem_shared>>)
      tpu.yield
    }) : () -> ()
    %barrier3A = arith.constant 0 : index
    tpu.barrier barrier_id(%barrier3A)
    %scan3A_27 = arith.constant 0 : i32
    %scan3A_28 = arith.constant 24 : i32
    %scan3A_29 = arith.addi %scan3A_27, %scan3A_28 : i32
    %scan3A_30 = arith.constant 1 : i32
    scf.for %scan3A_589 = %scan3A_27 to %scan3A_29 step %scan3A_30  : i32 {
      %mul3A_590 = arith.constant 1 : i32
      %mul3A_591 = arith.muli %scan3A_589, %mul3A_590 : i32
      %add3A_592 = arith.constant 0 : i32
      %add3A_593 = arith.addi %add3A_592, %mul3A_591 : i32
      %add3A_594 = arith.addi %add3A_5, %add3A_593 : i32
      %mul3A_595 = arith.constant 128 : i32
      %mul3A_596 = arith.muli %add3A_594, %mul3A_595 : i32
      %multiple_of3A_597 = tpu.assume_multiple %mul3A_596, 8 : i32
      %dma_wait3A_598 = arith.constant 0 : i32
      %dma_wait3A_599 = tpu.memref_slice %arg7[%add3A_593, %dma_wait3A_598] : memref<25x128xi32, #tpu.memory_space<vmem>> -> memref<1x128xi32, #tpu.memory_space<vmem>>
      %dma_wait3A_600 = tpu.memref_squeeze %dma_wait3A_599 : memref<1x128xi32, #tpu.memory_space<vmem>> -> memref<128xi32, #tpu.memory_space<vmem>>
      %dma_wait3A_601 = tpu.memref_slice %arg3[%multiple_of3A_597] : memref<100000xi32, #tpu.memory_space<hbm>> -> memref<128xi32, #tpu.memory_space<hbm>>
      %dma_wait3A_602 = arith.constant 0 : i32
      %dma_wait3A_603 = tpu.memref_slice %arg7[%add3A_593, %dma_wait3A_602] : memref<25x128xi32, #tpu.memory_space<vmem>> -> memref<1x128xi32, #tpu.memory_space<vmem>>
      %dma_wait3A_604 = tpu.memref_squeeze %dma_wait3A_603 : memref<1x128xi32, #tpu.memory_space<vmem>> -> memref<128xi32, #tpu.memory_space<vmem>>
      %dma_wait3A_605 = tpu.memref_slice %arg3[%multiple_of3A_597] : memref<100000xi32, #tpu.memory_space<hbm>> -> memref<128xi32, #tpu.memory_space<hbm>>
      tpu.wait_dma2 semaphore(%arg20 : memref<!tpu.dma_semaphore, #tpu.memory_space<semaphore_mem>>) src(%dma_wait3A_605 : memref<128xi32, #tpu.memory_space<hbm>>) dst(%dma_wait3A_604 : memref<128xi32, #tpu.memory_space<vmem>>)
      %add3A_606 = arith.addi %add3A_5, %add3A_593 : i32
      %mul3A_607 = arith.constant 128 : i32
      %mul3A_608 = arith.muli %add3A_606, %mul3A_607 : i32
      %multiple_of3A_609 = tpu.assume_multiple %mul3A_608, 8 : i32
      %dma_wait3A_610 = arith.constant 0 : i32
      %dma_wait3A_611 = tpu.memref_slice %arg8[%add3A_593, %dma_wait3A_610] : memref<25x128xi32, #tpu.memory_space<vmem>> -> memref<1x128xi32, #tpu.memory_space<vmem>>
      %dma_wait3A_612 = tpu.memref_squeeze %dma_wait3A_611 : memref<1x128xi32, #tpu.memory_space<vmem>> -> memref<128xi32, #tpu.memory_space<vmem>>
      %dma_wait3A_613 = tpu.memref_slice %arg4[%multiple_of3A_609] : memref<100000xi32, #tpu.memory_space<hbm>> -> memref<128xi32, #tpu.memory_space<hbm>>
      %dma_wait3A_614 = arith.constant 0 : i32
      %dma_wait3A_615 = tpu.memref_slice %arg8[%add3A_593, %dma_wait3A_614] : memref<25x128xi32, #tpu.memory_space<vmem>> -> memref<1x128xi32, #tpu.memory_space<vmem>>
      %dma_wait3A_616 = tpu.memref_squeeze %dma_wait3A_615 : memref<1x128xi32, #tpu.memory_space<vmem>> -> memref<128xi32, #tpu.memory_space<vmem>>
      %dma_wait3A_617 = tpu.memref_slice %arg4[%multiple_of3A_609] : memref<100000xi32, #tpu.memory_space<hbm>> -> memref<128xi32, #tpu.memory_space<hbm>>
      tpu.wait_dma2 semaphore(%arg20 : memref<!tpu.dma_semaphore, #tpu.memory_space<semaphore_mem>>) src(%dma_wait3A_617 : memref<128xi32, #tpu.memory_space<hbm>>) dst(%dma_wait3A_616 : memref<128xi32, #tpu.memory_space<vmem>>)
    }
    %scan3A_31 = arith.constant 24 : i32
    %convert_element_type3A_32 = arith.extui %lt3A_1 : i1 to i32
    %cond3A_33 = arith.constant 0 : i32
    %cond3A_34 = arith.cmpi ne, %convert_element_type3A_32, %cond3A_33 : i32
    scf.if %cond3A_34 {
      %add3A_589 = arith.constant 24 : i32
      %add3A_590 = arith.addi %add3A_5, %add3A_589 : i32
      %mul3A_591 = arith.constant 128 : i32
      %mul3A_592 = arith.muli %add3A_590, %mul3A_591 : i32
      %multiple_of3A_593 = tpu.assume_multiple %mul3A_592, 8 : i32
      %dma_wait3A_594 = arith.constant 24 : i32
      %dma_wait3A_595 = arith.constant 0 : i32
      %dma_wait3A_596 = tpu.memref_slice %arg7[%dma_wait3A_594, %dma_wait3A_595] : memref<25x128xi32, #tpu.memory_space<vmem>> -> memref<1x128xi32, #tpu.memory_space<vmem>>
      %dma_wait3A_597 = tpu.memref_squeeze %dma_wait3A_596 : memref<1x128xi32, #tpu.memory_space<vmem>> -> memref<128xi32, #tpu.memory_space<vmem>>
      %dma_wait3A_598 = tpu.memref_slice %arg3[%multiple_of3A_593] : memref<100000xi32, #tpu.memory_space<hbm>> -> memref<128xi32, #tpu.memory_space<hbm>>
      %dma_wait3A_599 = arith.constant 0 : i32
      %dma_wait3A_600 = tpu.memref_slice %arg7[%dma_wait3A_594, %dma_wait3A_599] : memref<25x128xi32, #tpu.memory_space<vmem>> -> memref<1x128xi32, #tpu.memory_space<vmem>>
      %dma_wait3A_601 = tpu.memref_squeeze %dma_wait3A_600 : memref<1x128xi32, #tpu.memory_space<vmem>> -> memref<128xi32, #tpu.memory_space<vmem>>
      %dma_wait3A_602 = tpu.memref_slice %arg3[%multiple_of3A_593] : memref<100000xi32, #tpu.memory_space<hbm>> -> memref<128xi32, #tpu.memory_space<hbm>>
      tpu.wait_dma2 semaphore(%arg20 : memref<!tpu.dma_semaphore, #tpu.memory_space<semaphore_mem>>) src(%dma_wait3A_602 : memref<128xi32, #tpu.memory_space<hbm>>) dst(%dma_wait3A_601 : memref<128xi32, #tpu.memory_space<vmem>>)
      %add3A_603 = arith.constant 24 : i32
      %add3A_604 = arith.addi %add3A_5, %add3A_603 : i32
      %mul3A_605 = arith.constant 128 : i32
      %mul3A_606 = arith.muli %add3A_604, %mul3A_605 : i32
      %multiple_of3A_607 = tpu.assume_multiple %mul3A_606, 8 : i32
      %dma_wait3A_608 = arith.constant 24 : i32
      %dma_wait3A_609 = arith.constant 0 : i32
      %dma_wait3A_610 = tpu.memref_slice %arg8[%dma_wait3A_608, %dma_wait3A_609] : memref<25x128xi32, #tpu.memory_space<vmem>> -> memref<1x128xi32, #tpu.memory_space<vmem>>
      %dma_wait3A_611 = tpu.memref_squeeze %dma_wait3A_610 : memref<1x128xi32, #tpu.memory_space<vmem>> -> memref<128xi32, #tpu.memory_space<vmem>>
      %dma_wait3A_612 = tpu.memref_slice %arg4[%multiple_of3A_607] : memref<100000xi32, #tpu.memory_space<hbm>> -> memref<128xi32, #tpu.memory_space<hbm>>
      %dma_wait3A_613 = arith.constant 0 : i32
      %dma_wait3A_614 = tpu.memref_slice %arg8[%dma_wait3A_608, %dma_wait3A_613] : memref<25x128xi32, #tpu.memory_space<vmem>> -> memref<1x128xi32, #tpu.memory_space<vmem>>
      %dma_wait3A_615 = tpu.memref_squeeze %dma_wait3A_614 : memref<1x128xi32, #tpu.memory_space<vmem>> -> memref<128xi32, #tpu.memory_space<vmem>>
      %dma_wait3A_616 = tpu.memref_slice %arg4[%multiple_of3A_607] : memref<100000xi32, #tpu.memory_space<hbm>> -> memref<128xi32, #tpu.memory_space<hbm>>
      tpu.wait_dma2 semaphore(%arg20 : memref<!tpu.dma_semaphore, #tpu.memory_space<semaphore_mem>>) src(%dma_wait3A_616 : memref<128xi32, #tpu.memory_space<hbm>>) dst(%dma_wait3A_615 : memref<128xi32, #tpu.memory_space<vmem>>)
    } else {
    }
    %scan3A_35 = arith.constant 0 : i32
    %scan3A_36 = arith.constant 6 : i32
    %scan3A_37 = arith.addi %scan3A_35, %scan3A_36 : i32
    %scan3A_38 = arith.constant 1 : i32
    scf.for %scan3A_589 = %scan3A_35 to %scan3A_37 step %scan3A_38  : i32 {
      %mul3A_590 = arith.constant 1 : i32
      %mul3A_591 = arith.muli %scan3A_589, %mul3A_590 : i32
      %add3A_592 = arith.constant 0 : i32
      %add3A_593 = arith.addi %add3A_592, %mul3A_591 : i32
      %mul3A_594 = arith.constant 4 : i32
      %mul3A_595 = arith.muli %add3A_593, %mul3A_594 : i32
      %gt3A = arith.constant 0 : i32
      %gt3A_596 = arith.cmpi sgt, %add3A_593, %gt3A : i32
      %convert_element_type3A_597 = arith.extui %gt3A_596 : i1 to i32
      %cond3A_598 = arith.constant 0 : i32
      %cond3A_599 = arith.cmpi ne, %convert_element_type3A_597, %cond3A_598 : i32
      scf.if %cond3A_599 {
        %add3A_1385 = arith.constant 0 : i32
        %add3A_1386 = arith.addi %mul3A_595, %add3A_1385 : i32
        %sub3A = arith.constant 4 : i32
        %sub3A_1387 = arith.subi %add3A_1386, %sub3A : i32
        %add3A_1388 = arith.addi %add3A_5, %sub3A_1387 : i32
        %mul3A_1389 = arith.constant 128 : i32
        %mul3A_1390 = arith.muli %add3A_1388, %mul3A_1389 : i32
        %multiple_of3A_1391 = tpu.assume_multiple %mul3A_1390, 8 : i32
        %dma_wait3A_1392 = arith.constant 0 : i32
        %dma_wait3A_1393 = arith.constant 0 : i32
        %dma_wait3A_1394 = arith.constant 0 : i32
        %dma_wait3A_1395 = tpu.memref_slice %arg9[%dma_wait3A_1392, %dma_wait3A_1393, %dma_wait3A_1394] : memref<4x128x128xf32, #tpu.memory_space<vmem>> -> memref<1x128x128xf32, #tpu.memory_space<vmem>>
        %dma_wait3A_1396 = tpu.memref_squeeze %dma_wait3A_1395 : memref<1x128x128xf32, #tpu.memory_space<vmem>> -> memref<128x128xf32, #tpu.memory_space<vmem>>
        %dma_wait3A_1397 = arith.constant 0 : i32
        %dma_wait3A_1398 = tpu.memref_slice %arg5[%multiple_of3A_1391, %dma_wait3A_1397] : memref<100000x128xf32, #tpu.memory_space<hbm>> -> memref<128x128xf32, #tpu.memory_space<hbm>>
        %dma_wait3A_1399 = arith.constant 0 : i32
        %dma_wait3A_1400 = tpu.memref_slice %arg5[%multiple_of3A_1391, %dma_wait3A_1399] : memref<100000x128xf32, #tpu.memory_space<hbm>> -> memref<128x128xf32, #tpu.memory_space<hbm>>
        %dma_wait3A_1401 = arith.constant 0 : i32
        %dma_wait3A_1402 = arith.constant 0 : i32
        %dma_wait3A_1403 = tpu.memref_slice %arg9[%dma_wait3A_1392, %dma_wait3A_1401, %dma_wait3A_1402] : memref<4x128x128xf32, #tpu.memory_space<vmem>> -> memref<1x128x128xf32, #tpu.memory_space<vmem>>
        %dma_wait3A_1404 = tpu.memref_squeeze %dma_wait3A_1403 : memref<1x128x128xf32, #tpu.memory_space<vmem>> -> memref<128x128xf32, #tpu.memory_space<vmem>>
        tpu.wait_dma2 semaphore(%arg25 : memref<!tpu.dma_semaphore, #tpu.memory_space<semaphore_mem>>) src(%dma_wait3A_1404 : memref<128x128xf32, #tpu.memory_space<vmem>>) dst(%dma_wait3A_1400 : memref<128x128xf32, #tpu.memory_space<hbm>>)
        %dma_wait3A_1405 = arith.constant 0 : i32
        %dma_wait3A_1406 = arith.constant 0 : i32
        %dma_wait3A_1407 = tpu.memref_slice %arg14[%dma_wait3A_1405, %dma_wait3A_1406] : memref<4x128xi32, #tpu.memory_space<vmem>> -> memref<1x128xi32, #tpu.memory_space<vmem>>
        %dma_wait3A_1408 = tpu.memref_squeeze %dma_wait3A_1407 : memref<1x128xi32, #tpu.memory_space<vmem>> -> memref<128xi32, #tpu.memory_space<vmem>>
        %dma_wait3A_1409 = arith.constant 0 : i32
        %dma_wait3A_1410 = tpu.memref_slice %arg18[%dma_wait3A_1409] : memref<131072xf32, #tpu.memory_space<vmem_shared>> -> memref<131072xf32, #tpu.memory_space<vmem_shared>>
        tpu.wait_indirect_dma semaphore(%arg29 : memref<!tpu.dma_semaphore, #tpu.memory_space<semaphore_mem>>) src(%arg15 : memref<128xf32, #tpu.memory_space<vmem>>) dst(%dma_wait3A_1410 : memref<131072xf32, #tpu.memory_space<vmem_shared>>)
      } else {
      }
      %add3A_600 = arith.constant 0 : i32
      %add3A_601 = arith.addi %mul3A_595, %add3A_600 : i32
      %dma_start3A_602 = arith.constant 0 : i32
      %dma_start3A_603 = arith.constant 0 : i32
      %dma_start3A_604 = arith.constant 0 : i32
      %dma_start3A_605 = tpu.memref_slice %arg9[%dma_start3A_602, %dma_start3A_603, %dma_start3A_604] : memref<4x128x128xf32, #tpu.memory_space<vmem>> -> memref<1x128x128xf32, #tpu.memory_space<vmem>>
      %dma_start3A_606 = tpu.memref_squeeze %dma_start3A_605 : memref<1x128x128xf32, #tpu.memory_space<vmem>> -> memref<128x128xf32, #tpu.memory_space<vmem>>
      %dma_start3A_607 = arith.constant 0 : i32
      %dma_start3A_608 = tpu.memref_slice %arg7[%add3A_601, %dma_start3A_607] : memref<25x128xi32, #tpu.memory_space<vmem>> -> memref<1x128xi32, #tpu.memory_space<vmem>>
      %dma_start3A_609 = tpu.memref_squeeze %dma_start3A_608 : memref<1x128xi32, #tpu.memory_space<vmem>> -> memref<128xi32, #tpu.memory_space<vmem>>
      %dma_start3A_610 = arith.constant 0 : i32
      %dma_start3A_611 = arith.constant 0 : i32
      %dma_start3A_612 = tpu.memref_slice %arg19[%dma_start3A_610, %dma_start3A_611] : memref<512x128xf32, #tpu.memory_space<vmem_shared>> -> memref<512x128xf32, #tpu.memory_space<vmem_shared>>
      tpu.enqueue_indirect_dma source(%dma_start3A_612 : memref<512x128xf32, #tpu.memory_space<vmem_shared>>) target(%dma_start3A_606 : memref<128x128xf32, #tpu.memory_space<vmem>>) offsets(%dma_start3A_609 : memref<128xi32, #tpu.memory_space<vmem>>) semaphore(%arg21 : memref<!tpu.dma_semaphore, #tpu.memory_space<semaphore_mem>>)
      %gt3A_613 = arith.constant 0 : i32
      %gt3A_614 = arith.cmpi sgt, %add3A_593, %gt3A_613 : i32
      %convert_element_type3A_615 = arith.extui %gt3A_614 : i1 to i32
      %cond3A_616 = arith.constant 0 : i32
      %cond3A_617 = arith.cmpi ne, %convert_element_type3A_615, %cond3A_616 : i32
      scf.if %cond3A_617 {
        %add3A_1385 = arith.constant 1 : i32
        %add3A_1386 = arith.addi %mul3A_595, %add3A_1385 : i32
        %sub3A = arith.constant 4 : i32
        %sub3A_1387 = arith.subi %add3A_1386, %sub3A : i32
        %add3A_1388 = arith.addi %add3A_5, %sub3A_1387 : i32
        %mul3A_1389 = arith.constant 128 : i32
        %mul3A_1390 = arith.muli %add3A_1388, %mul3A_1389 : i32
        %multiple_of3A_1391 = tpu.assume_multiple %mul3A_1390, 8 : i32
        %dma_wait3A_1392 = arith.constant 1 : i32
        %dma_wait3A_1393 = arith.constant 0 : i32
        %dma_wait3A_1394 = arith.constant 0 : i32
        %dma_wait3A_1395 = tpu.memref_slice %arg9[%dma_wait3A_1392, %dma_wait3A_1393, %dma_wait3A_1394] : memref<4x128x128xf32, #tpu.memory_space<vmem>> -> memref<1x128x128xf32, #tpu.memory_space<vmem>>
        %dma_wait3A_1396 = tpu.memref_squeeze %dma_wait3A_1395 : memref<1x128x128xf32, #tpu.memory_space<vmem>> -> memref<128x128xf32, #tpu.memory_space<vmem>>
        %dma_wait3A_1397 = arith.constant 0 : i32
        %dma_wait3A_1398 = tpu.memref_slice %arg5[%multiple_of3A_1391, %dma_wait3A_1397] : memref<100000x128xf32, #tpu.memory_space<hbm>> -> memref<128x128xf32, #tpu.memory_space<hbm>>
        %dma_wait3A_1399 = arith.constant 0 : i32
        %dma_wait3A_1400 = tpu.memref_slice %arg5[%multiple_of3A_1391, %dma_wait3A_1399] : memref<100000x128xf32, #tpu.memory_space<hbm>> -> memref<128x128xf32, #tpu.memory_space<hbm>>
        %dma_wait3A_1401 = arith.constant 0 : i32
        %dma_wait3A_1402 = arith.constant 0 : i32
        %dma_wait3A_1403 = tpu.memref_slice %arg9[%dma_wait3A_1392, %dma_wait3A_1401, %dma_wait3A_1402] : memref<4x128x128xf32, #tpu.memory_space<vmem>> -> memref<1x128x128xf32, #tpu.memory_space<vmem>>
        %dma_wait3A_1404 = tpu.memref_squeeze %dma_wait3A_1403 : memref<1x128x128xf32, #tpu.memory_space<vmem>> -> memref<128x128xf32, #tpu.memory_space<vmem>>
        tpu.wait_dma2 semaphore(%arg26 : memref<!tpu.dma_semaphore, #tpu.memory_space<semaphore_mem>>) src(%dma_wait3A_1404 : memref<128x128xf32, #tpu.memory_space<vmem>>) dst(%dma_wait3A_1400 : memref<128x128xf32, #tpu.memory_space<hbm>>)
        %dma_wait3A_1405 = arith.constant 1 : i32
        %dma_wait3A_1406 = arith.constant 0 : i32
        %dma_wait3A_1407 = tpu.memref_slice %arg14[%dma_wait3A_1405, %dma_wait3A_1406] : memref<4x128xi32, #tpu.memory_space<vmem>> -> memref<1x128xi32, #tpu.memory_space<vmem>>
        %dma_wait3A_1408 = tpu.memref_squeeze %dma_wait3A_1407 : memref<1x128xi32, #tpu.memory_space<vmem>> -> memref<128xi32, #tpu.memory_space<vmem>>
        %dma_wait3A_1409 = arith.constant 0 : i32
        %dma_wait3A_1410 = tpu.memref_slice %arg18[%dma_wait3A_1409] : memref<131072xf32, #tpu.memory_space<vmem_shared>> -> memref<131072xf32, #tpu.memory_space<vmem_shared>>
        tpu.wait_indirect_dma semaphore(%arg30 : memref<!tpu.dma_semaphore, #tpu.memory_space<semaphore_mem>>) src(%arg15 : memref<128xf32, #tpu.memory_space<vmem>>) dst(%dma_wait3A_1410 : memref<131072xf32, #tpu.memory_space<vmem_shared>>)
      } else {
      }
      %add3A_618 = arith.constant 1 : i32
      %add3A_619 = arith.addi %mul3A_595, %add3A_618 : i32
      %dma_start3A_620 = arith.constant 1 : i32
      %dma_start3A_621 = arith.constant 0 : i32
      %dma_start3A_622 = arith.constant 0 : i32
      %dma_start3A_623 = tpu.memref_slice %arg9[%dma_start3A_620, %dma_start3A_621, %dma_start3A_622] : memref<4x128x128xf32, #tpu.memory_space<vmem>> -> memref<1x128x128xf32, #tpu.memory_space<vmem>>
      %dma_start3A_624 = tpu.memref_squeeze %dma_start3A_623 : memref<1x128x128xf32, #tpu.memory_space<vmem>> -> memref<128x128xf32, #tpu.memory_space<vmem>>
      %dma_start3A_625 = arith.constant 0 : i32
      %dma_start3A_626 = tpu.memref_slice %arg7[%add3A_619, %dma_start3A_625] : memref<25x128xi32, #tpu.memory_space<vmem>> -> memref<1x128xi32, #tpu.memory_space<vmem>>
      %dma_start3A_627 = tpu.memref_squeeze %dma_start3A_626 : memref<1x128xi32, #tpu.memory_space<vmem>> -> memref<128xi32, #tpu.memory_space<vmem>>
      %dma_start3A_628 = arith.constant 0 : i32
      %dma_start3A_629 = arith.constant 0 : i32
      %dma_start3A_630 = tpu.memref_slice %arg19[%dma_start3A_628, %dma_start3A_629] : memref<512x128xf32, #tpu.memory_space<vmem_shared>> -> memref<512x128xf32, #tpu.memory_space<vmem_shared>>
      tpu.enqueue_indirect_dma source(%dma_start3A_630 : memref<512x128xf32, #tpu.memory_space<vmem_shared>>) target(%dma_start3A_624 : memref<128x128xf32, #tpu.memory_space<vmem>>) offsets(%dma_start3A_627 : memref<128xi32, #tpu.memory_space<vmem>>) semaphore(%arg22 : memref<!tpu.dma_semaphore, #tpu.memory_space<semaphore_mem>>)
      %gt3A_631 = arith.constant 0 : i32
      %gt3A_632 = arith.cmpi sgt, %add3A_593, %gt3A_631 : i32
      %convert_element_type3A_633 = arith.extui %gt3A_632 : i1 to i32
      %cond3A_634 = arith.constant 0 : i32
      %cond3A_635 = arith.cmpi ne, %convert_element_type3A_633, %cond3A_634 : i32
      scf.if %cond3A_635 {
        %add3A_1385 = arith.constant 2 : i32
        %add3A_1386 = arith.addi %mul3A_595, %add3A_1385 : i32
        %sub3A = arith.constant 4 : i32
        %sub3A_1387 = arith.subi %add3A_1386, %sub3A : i32
        %add3A_1388 = arith.addi %add3A_5, %sub3A_1387 : i32
        %mul3A_1389 = arith.constant 128 : i32
        %mul3A_1390 = arith.muli %add3A_1388, %mul3A_1389 : i32
        %multiple_of3A_1391 = tpu.assume_multiple %mul3A_1390, 8 : i32
        %dma_wait3A_1392 = arith.constant 2 : i32
        %dma_wait3A_1393 = arith.constant 0 : i32
        %dma_wait3A_1394 = arith.constant 0 : i32
        %dma_wait3A_1395 = tpu.memref_slice %arg9[%dma_wait3A_1392, %dma_wait3A_1393, %dma_wait3A_1394] : memref<4x128x128xf32, #tpu.memory_space<vmem>> -> memref<1x128x128xf32, #tpu.memory_space<vmem>>
        %dma_wait3A_1396 = tpu.memref_squeeze %dma_wait3A_1395 : memref<1x128x128xf32, #tpu.memory_space<vmem>> -> memref<128x128xf32, #tpu.memory_space<vmem>>
        %dma_wait3A_1397 = arith.constant 0 : i32
        %dma_wait3A_1398 = tpu.memref_slice %arg5[%multiple_of3A_1391, %dma_wait3A_1397] : memref<100000x128xf32, #tpu.memory_space<hbm>> -> memref<128x128xf32, #tpu.memory_space<hbm>>
        %dma_wait3A_1399 = arith.constant 0 : i32
        %dma_wait3A_1400 = tpu.memref_slice %arg5[%multiple_of3A_1391, %dma_wait3A_1399] : memref<100000x128xf32, #tpu.memory_space<hbm>> -> memref<128x128xf32, #tpu.memory_space<hbm>>
        %dma_wait3A_1401 = arith.constant 0 : i32
        %dma_wait3A_1402 = arith.constant 0 : i32
        %dma_wait3A_1403 = tpu.memref_slice %arg9[%dma_wait3A_1392, %dma_wait3A_1401, %dma_wait3A_1402] : memref<4x128x128xf32, #tpu.memory_space<vmem>> -> memref<1x128x128xf32, #tpu.memory_space<vmem>>
        %dma_wait3A_1404 = tpu.memref_squeeze %dma_wait3A_1403 : memref<1x128x128xf32, #tpu.memory_space<vmem>> -> memref<128x128xf32, #tpu.memory_space<vmem>>
        tpu.wait_dma2 semaphore(%arg27 : memref<!tpu.dma_semaphore, #tpu.memory_space<semaphore_mem>>) src(%dma_wait3A_1404 : memref<128x128xf32, #tpu.memory_space<vmem>>) dst(%dma_wait3A_1400 : memref<128x128xf32, #tpu.memory_space<hbm>>)
        %dma_wait3A_1405 = arith.constant 2 : i32
        %dma_wait3A_1406 = arith.constant 0 : i32
        %dma_wait3A_1407 = tpu.memref_slice %arg14[%dma_wait3A_1405, %dma_wait3A_1406] : memref<4x128xi32, #tpu.memory_space<vmem>> -> memref<1x128xi32, #tpu.memory_space<vmem>>
        %dma_wait3A_1408 = tpu.memref_squeeze %dma_wait3A_1407 : memref<1x128xi32, #tpu.memory_space<vmem>> -> memref<128xi32, #tpu.memory_space<vmem>>
        %dma_wait3A_1409 = arith.constant 0 : i32
        %dma_wait3A_1410 = tpu.memref_slice %arg18[%dma_wait3A_1409] : memref<131072xf32, #tpu.memory_space<vmem_shared>> -> memref<131072xf32, #tpu.memory_space<vmem_shared>>
        tpu.wait_indirect_dma semaphore(%arg31 : memref<!tpu.dma_semaphore, #tpu.memory_space<semaphore_mem>>) src(%arg15 : memref<128xf32, #tpu.memory_space<vmem>>) dst(%dma_wait3A_1410 : memref<131072xf32, #tpu.memory_space<vmem_shared>>)
      } else {
      }
      %add3A_636 = arith.constant 2 : i32
      %add3A_637 = arith.addi %mul3A_595, %add3A_636 : i32
      %dma_start3A_638 = arith.constant 2 : i32
      %dma_start3A_639 = arith.constant 0 : i32
      %dma_start3A_640 = arith.constant 0 : i32
      %dma_start3A_641 = tpu.memref_slice %arg9[%dma_start3A_638, %dma_start3A_639, %dma_start3A_640] : memref<4x128x128xf32, #tpu.memory_space<vmem>> -> memref<1x128x128xf32, #tpu.memory_space<vmem>>
      %dma_start3A_642 = tpu.memref_squeeze %dma_start3A_641 : memref<1x128x128xf32, #tpu.memory_space<vmem>> -> memref<128x128xf32, #tpu.memory_space<vmem>>
      %dma_start3A_643 = arith.constant 0 : i32
      %dma_start3A_644 = tpu.memref_slice %arg7[%add3A_637, %dma_start3A_643] : memref<25x128xi32, #tpu.memory_space<vmem>> -> memref<1x128xi32, #tpu.memory_space<vmem>>
      %dma_start3A_645 = tpu.memref_squeeze %dma_start3A_644 : memref<1x128xi32, #tpu.memory_space<vmem>> -> memref<128xi32, #tpu.memory_space<vmem>>
      %dma_start3A_646 = arith.constant 0 : i32
      %dma_start3A_647 = arith.constant 0 : i32
      %dma_start3A_648 = tpu.memref_slice %arg19[%dma_start3A_646, %dma_start3A_647] : memref<512x128xf32, #tpu.memory_space<vmem_shared>> -> memref<512x128xf32, #tpu.memory_space<vmem_shared>>
      tpu.enqueue_indirect_dma source(%dma_start3A_648 : memref<512x128xf32, #tpu.memory_space<vmem_shared>>) target(%dma_start3A_642 : memref<128x128xf32, #tpu.memory_space<vmem>>) offsets(%dma_start3A_645 : memref<128xi32, #tpu.memory_space<vmem>>) semaphore(%arg23 : memref<!tpu.dma_semaphore, #tpu.memory_space<semaphore_mem>>)
      %gt3A_649 = arith.constant 0 : i32
      %gt3A_650 = arith.cmpi sgt, %add3A_593, %gt3A_649 : i32
      %convert_element_type3A_651 = arith.extui %gt3A_650 : i1 to i32
      %cond3A_652 = arith.constant 0 : i32
      %cond3A_653 = arith.cmpi ne, %convert_element_type3A_651, %cond3A_652 : i32
      scf.if %cond3A_653 {
        %add3A_1385 = arith.constant 3 : i32
        %add3A_1386 = arith.addi %mul3A_595, %add3A_1385 : i32
        %sub3A = arith.constant 4 : i32
        %sub3A_1387 = arith.subi %add3A_1386, %sub3A : i32
        %add3A_1388 = arith.addi %add3A_5, %sub3A_1387 : i32
        %mul3A_1389 = arith.constant 128 : i32
        %mul3A_1390 = arith.muli %add3A_1388, %mul3A_1389 : i32
        %multiple_of3A_1391 = tpu.assume_multiple %mul3A_1390, 8 : i32
        %dma_wait3A_1392 = arith.constant 3 : i32
        %dma_wait3A_1393 = arith.constant 0 : i32
        %dma_wait3A_1394 = arith.constant 0 : i32
        %dma_wait3A_1395 = tpu.memref_slice %arg9[%dma_wait3A_1392, %dma_wait3A_1393, %dma_wait3A_1394] : memref<4x128x128xf32, #tpu.memory_space<vmem>> -> memref<1x128x128xf32, #tpu.memory_space<vmem>>
        %dma_wait3A_1396 = tpu.memref_squeeze %dma_wait3A_1395 : memref<1x128x128xf32, #tpu.memory_space<vmem>> -> memref<128x128xf32, #tpu.memory_space<vmem>>
        %dma_wait3A_1397 = arith.constant 0 : i32
        %dma_wait3A_1398 = tpu.memref_slice %arg5[%multiple_of3A_1391, %dma_wait3A_1397] : memref<100000x128xf32, #tpu.memory_space<hbm>> -> memref<128x128xf32, #tpu.memory_space<hbm>>
        %dma_wait3A_1399 = arith.constant 0 : i32
        %dma_wait3A_1400 = tpu.memref_slice %arg5[%multiple_of3A_1391, %dma_wait3A_1399] : memref<100000x128xf32, #tpu.memory_space<hbm>> -> memref<128x128xf32, #tpu.memory_space<hbm>>
        %dma_wait3A_1401 = arith.constant 0 : i32
        %dma_wait3A_1402 = arith.constant 0 : i32
        %dma_wait3A_1403 = tpu.memref_slice %arg9[%dma_wait3A_1392, %dma_wait3A_1401, %dma_wait3A_1402] : memref<4x128x128xf32, #tpu.memory_space<vmem>> -> memref<1x128x128xf32, #tpu.memory_space<vmem>>
        %dma_wait3A_1404 = tpu.memref_squeeze %dma_wait3A_1403 : memref<1x128x128xf32, #tpu.memory_space<vmem>> -> memref<128x128xf32, #tpu.memory_space<vmem>>
        tpu.wait_dma2 semaphore(%arg28 : memref<!tpu.dma_semaphore, #tpu.memory_space<semaphore_mem>>) src(%dma_wait3A_1404 : memref<128x128xf32, #tpu.memory_space<vmem>>) dst(%dma_wait3A_1400 : memref<128x128xf32, #tpu.memory_space<hbm>>)
        %dma_wait3A_1405 = arith.constant 3 : i32
        %dma_wait3A_1406 = arith.constant 0 : i32
        %dma_wait3A_1407 = tpu.memref_slice %arg14[%dma_wait3A_1405, %dma_wait3A_1406] : memref<4x128xi32, #tpu.memory_space<vmem>> -> memref<1x128xi32, #tpu.memory_space<vmem>>
        %dma_wait3A_1408 = tpu.memref_squeeze %dma_wait3A_1407 : memref<1x128xi32, #tpu.memory_space<vmem>> -> memref<128xi32, #tpu.memory_space<vmem>>
        %dma_wait3A_1409 = arith.constant 0 : i32
        %dma_wait3A_1410 = tpu.memref_slice %arg18[%dma_wait3A_1409] : memref<131072xf32, #tpu.memory_space<vmem_shared>> -> memref<131072xf32, #tpu.memory_space<vmem_shared>>
        tpu.wait_indirect_dma semaphore(%arg32 : memref<!tpu.dma_semaphore, #tpu.memory_space<semaphore_mem>>) src(%arg15 : memref<128xf32, #tpu.memory_space<vmem>>) dst(%dma_wait3A_1410 : memref<131072xf32, #tpu.memory_space<vmem_shared>>)
      } else {
      }
      %add3A_654 = arith.constant 3 : i32
      %add3A_655 = arith.addi %mul3A_595, %add3A_654 : i32
      %dma_start3A_656 = arith.constant 3 : i32
      %dma_start3A_657 = arith.constant 0 : i32
      %dma_start3A_658 = arith.constant 0 : i32
      %dma_start3A_659 = tpu.memref_slice %arg9[%dma_start3A_656, %dma_start3A_657, %dma_start3A_658] : memref<4x128x128xf32, #tpu.memory_space<vmem>> -> memref<1x128x128xf32, #tpu.memory_space<vmem>>
      %dma_start3A_660 = tpu.memref_squeeze %dma_start3A_659 : memref<1x128x128xf32, #tpu.memory_space<vmem>> -> memref<128x128xf32, #tpu.memory_space<vmem>>
      %dma_start3A_661 = arith.constant 0 : i32
      %dma_start3A_662 = tpu.memref_slice %arg7[%add3A_655, %dma_start3A_661] : memref<25x128xi32, #tpu.memory_space<vmem>> -> memref<1x128xi32, #tpu.memory_space<vmem>>
      %dma_start3A_663 = tpu.memref_squeeze %dma_start3A_662 : memref<1x128xi32, #tpu.memory_space<vmem>> -> memref<128xi32, #tpu.memory_space<vmem>>
      %dma_start3A_664 = arith.constant 0 : i32
      %dma_start3A_665 = arith.constant 0 : i32
      %dma_start3A_666 = tpu.memref_slice %arg19[%dma_start3A_664, %dma_start3A_665] : memref<512x128xf32, #tpu.memory_space<vmem_shared>> -> memref<512x128xf32, #tpu.memory_space<vmem_shared>>
      tpu.enqueue_indirect_dma source(%dma_start3A_666 : memref<512x128xf32, #tpu.memory_space<vmem_shared>>) target(%dma_start3A_660 : memref<128x128xf32, #tpu.memory_space<vmem>>) offsets(%dma_start3A_663 : memref<128xi32, #tpu.memory_space<vmem>>) semaphore(%arg24 : memref<!tpu.dma_semaphore, #tpu.memory_space<semaphore_mem>>)
      %dma_wait3A_667 = arith.constant 0 : i32
      %dma_wait3A_668 = arith.constant 0 : i32
      %dma_wait3A_669 = arith.constant 0 : i32
      %dma_wait3A_670 = tpu.memref_slice %arg9[%dma_wait3A_667, %dma_wait3A_668, %dma_wait3A_669] : memref<4x128x128xf32, #tpu.memory_space<vmem>> -> memref<1x128x128xf32, #tpu.memory_space<vmem>>
      %dma_wait3A_671 = tpu.memref_squeeze %dma_wait3A_670 : memref<1x128x128xf32, #tpu.memory_space<vmem>> -> memref<128x128xf32, #tpu.memory_space<vmem>>
      %dma_wait3A_672 = arith.constant 0 : i32
      %dma_wait3A_673 = tpu.memref_slice %arg7[%add3A_601, %dma_wait3A_672] : memref<25x128xi32, #tpu.memory_space<vmem>> -> memref<1x128xi32, #tpu.memory_space<vmem>>
      %dma_wait3A_674 = tpu.memref_squeeze %dma_wait3A_673 : memref<1x128xi32, #tpu.memory_space<vmem>> -> memref<128xi32, #tpu.memory_space<vmem>>
      %dma_wait3A_675 = arith.constant 0 : i32
      %dma_wait3A_676 = arith.constant 0 : i32
      %dma_wait3A_677 = tpu.memref_slice %arg19[%dma_wait3A_675, %dma_wait3A_676] : memref<512x128xf32, #tpu.memory_space<vmem_shared>> -> memref<512x128xf32, #tpu.memory_space<vmem_shared>>
      tpu.wait_indirect_dma semaphore(%arg21 : memref<!tpu.dma_semaphore, #tpu.memory_space<semaphore_mem>>) src(%dma_wait3A_677 : memref<512x128xf32, #tpu.memory_space<vmem_shared>>) dst(%dma_wait3A_671 : memref<128x128xf32, #tpu.memory_space<vmem>>)
      %add3A_678 = arith.constant 0 : i32
      %add3A_679 = arith.addi %mul3A_595, %add3A_678 : i32
      %add3A_680 = arith.addi %add3A_5, %add3A_679 : i32
      %mul3A_681 = arith.constant 128 : i32
      %mul3A_682 = arith.muli %add3A_680, %mul3A_681 : i32
      %multiple_of3A_683 = tpu.assume_multiple %mul3A_682, 8 : i32
      %dma_start3A_684 = arith.constant 0 : i32
      %dma_start3A_685 = arith.constant 0 : i32
      %dma_start3A_686 = arith.constant 0 : i32
      %dma_start3A_687 = tpu.memref_slice %arg9[%dma_start3A_684, %dma_start3A_685, %dma_start3A_686] : memref<4x128x128xf32, #tpu.memory_space<vmem>> -> memref<1x128x128xf32, #tpu.memory_space<vmem>>
      %dma_start3A_688 = tpu.memref_squeeze %dma_start3A_687 : memref<1x128x128xf32, #tpu.memory_space<vmem>> -> memref<128x128xf32, #tpu.memory_space<vmem>>
      %dma_start3A_689 = arith.constant 0 : i32
      %dma_start3A_690 = tpu.memref_slice %arg5[%multiple_of3A_683, %dma_start3A_689] : memref<100000x128xf32, #tpu.memory_space<hbm>> -> memref<128x128xf32, #tpu.memory_space<hbm>>
      %dma_start3A_691 = arith.constant 0 : i32
      %dma_start3A_692 = tpu.memref_slice %arg5[%multiple_of3A_683, %dma_start3A_691] : memref<100000x128xf32, #tpu.memory_space<hbm>> -> memref<128x128xf32, #tpu.memory_space<hbm>>
      %dma_start3A_693 = arith.constant 0 : i32
      %dma_start3A_694 = arith.constant 0 : i32
      %dma_start3A_695 = tpu.memref_slice %arg9[%dma_start3A_684, %dma_start3A_693, %dma_start3A_694] : memref<4x128x128xf32, #tpu.memory_space<vmem>> -> memref<1x128x128xf32, #tpu.memory_space<vmem>>
      %dma_start3A_696 = tpu.memref_squeeze %dma_start3A_695 : memref<1x128x128xf32, #tpu.memory_space<vmem>> -> memref<128x128xf32, #tpu.memory_space<vmem>>
      tpu.enqueue_dma source(%dma_start3A_696 : memref<128x128xf32, #tpu.memory_space<vmem>>) target(%dma_start3A_692 : memref<128x128xf32, #tpu.memory_space<hbm>>) target_semaphore(%arg25 : memref<!tpu.dma_semaphore, #tpu.memory_space<semaphore_mem>>)
      %get3A = arith.index_cast %add3A_679 : i32 to index
      %get3A_697 = arith.constant 0 : index
      %get3A_698 = tpu.vector_load %arg8[%get3A, %get3A_697] {strides = array<i32>} : memref<25x128xi32, #tpu.memory_space<vmem>>, vector<1x16xi32>,
      %get3A_699 = vector.shape_cast %get3A_698 : vector<1x16xi32> to vector<16xi32>
      %mul3A_700 = arith.constant 512 : i32
      %mul3A_701 = vector.broadcast %mul3A_700 : i32 to vector<16xi32>
      %mul3A_702 = arith.muli %get3A_699, %mul3A_701 : vector<16xi32>
      %get3A_703 = arith.index_cast %add3A_679 : i32 to index
      %get3A_704 = arith.constant 0 : index
      %get3A_705 = tpu.vector_load %arg7[%get3A_703, %get3A_704] {strides = array<i32>} : memref<25x128xi32, #tpu.memory_space<vmem>>, vector<1x16xi32>,
      %get3A_706 = vector.shape_cast %get3A_705 : vector<1x16xi32> to vector<16xi32>
      %add3A_707 = arith.addi %mul3A_702, %get3A_706 : vector<16xi32>
      %swap3A = arith.constant 0 : i32
      %swap3A_708 = arith.index_cast %swap3A : i32 to index
      %swap3A_709 = arith.constant 0 : index
      %swap3A_710 = tpu.vector_load %arg14[%swap3A_708, %swap3A_709] {strides = array<i32>} : memref<4x128xi32, #tpu.memory_space<vmem>>, vector<1x16xi32>,
      %swap3A_711 = vector.shape_cast %swap3A_710 : vector<1x16xi32> to vector<16xi32>
      %swap3A_712 = vector.shape_cast %add3A_707 : vector<16xi32> to vector<1x16xi32>
      tpu.vector_store %arg14[%swap3A_708, %swap3A_709], %swap3A_712 {strides = array<i32>} : memref<4x128xi32, #tpu.memory_space<vmem>>, vector<1x16xi32>,
      %get3A_713 = arith.index_cast %add3A_679 : i32 to index
      %get3A_714 = arith.constant 16 : index
      %get3A_715 = tpu.vector_load %arg8[%get3A_713, %get3A_714] {strides = array<i32>} : memref<25x128xi32, #tpu.memory_space<vmem>>, vector<1x16xi32>,
      %get3A_716 = vector.shape_cast %get3A_715 : vector<1x16xi32> to vector<16xi32>
      %mul3A_717 = arith.constant 512 : i32
      %mul3A_718 = vector.broadcast %mul3A_717 : i32 to vector<16xi32>
      %mul3A_719 = arith.muli %get3A_716, %mul3A_718 : vector<16xi32>
      %get3A_720 = arith.index_cast %add3A_679 : i32 to index
      %get3A_721 = arith.constant 16 : index
      %get3A_722 = tpu.vector_load %arg7[%get3A_720, %get3A_721] {strides = array<i32>} : memref<25x128xi32, #tpu.memory_space<vmem>>, vector<1x16xi32>,
      %get3A_723 = vector.shape_cast %get3A_722 : vector<1x16xi32> to vector<16xi32>
      %add3A_724 = arith.addi %mul3A_719, %get3A_723 : vector<16xi32>
      %swap3A_725 = arith.constant 0 : i32
      %swap3A_726 = arith.index_cast %swap3A_725 : i32 to index
      %swap3A_727 = arith.constant 16 : index
      %swap3A_728 = tpu.vector_load %arg14[%swap3A_726, %swap3A_727] {strides = array<i32>} : memref<4x128xi32, #tpu.memory_space<vmem>>, vector<1x16xi32>,
      %swap3A_729 = vector.shape_cast %swap3A_728 : vector<1x16xi32> to vector<16xi32>
      %swap3A_730 = vector.shape_cast %add3A_724 : vector<16xi32> to vector<1x16xi32>
      tpu.vector_store %arg14[%swap3A_726, %swap3A_727], %swap3A_730 {strides = array<i32>} : memref<4x128xi32, #tpu.memory_space<vmem>>, vector<1x16xi32>,
      %get3A_731 = arith.index_cast %add3A_679 : i32 to index
      %get3A_732 = arith.constant 32 : index
      %get3A_733 = tpu.vector_load %arg8[%get3A_731, %get3A_732] {strides = array<i32>} : memref<25x128xi32, #tpu.memory_space<vmem>>, vector<1x16xi32>,
      %get3A_734 = vector.shape_cast %get3A_733 : vector<1x16xi32> to vector<16xi32>
      %mul3A_735 = arith.constant 512 : i32
      %mul3A_736 = vector.broadcast %mul3A_735 : i32 to vector<16xi32>
      %mul3A_737 = arith.muli %get3A_734, %mul3A_736 : vector<16xi32>
      %get3A_738 = arith.index_cast %add3A_679 : i32 to index
      %get3A_739 = arith.constant 32 : index
      %get3A_740 = tpu.vector_load %arg7[%get3A_738, %get3A_739] {strides = array<i32>} : memref<25x128xi32, #tpu.memory_space<vmem>>, vector<1x16xi32>,
      %get3A_741 = vector.shape_cast %get3A_740 : vector<1x16xi32> to vector<16xi32>
      %add3A_742 = arith.addi %mul3A_737, %get3A_741 : vector<16xi32>
      %swap3A_743 = arith.constant 0 : i32
      %swap3A_744 = arith.index_cast %swap3A_743 : i32 to index
      %swap3A_745 = arith.constant 32 : index
      %swap3A_746 = tpu.vector_load %arg14[%swap3A_744, %swap3A_745] {strides = array<i32>} : memref<4x128xi32, #tpu.memory_space<vmem>>, vector<1x16xi32>,
      %swap3A_747 = vector.shape_cast %swap3A_746 : vector<1x16xi32> to vector<16xi32>
      %swap3A_748 = vector.shape_cast %add3A_742 : vector<16xi32> to vector<1x16xi32>
      tpu.vector_store %arg14[%swap3A_744, %swap3A_745], %swap3A_748 {strides = array<i32>} : memref<4x128xi32, #tpu.memory_space<vmem>>, vector<1x16xi32>,
      %get3A_749 = arith.index_cast %add3A_679 : i32 to index
      %get3A_750 = arith.constant 48 : index
      %get3A_751 = tpu.vector_load %arg8[%get3A_749, %get3A_750] {strides = array<i32>} : memref<25x128xi32, #tpu.memory_space<vmem>>, vector<1x16xi32>,
      %get3A_752 = vector.shape_cast %get3A_751 : vector<1x16xi32> to vector<16xi32>
      %mul3A_753 = arith.constant 512 : i32
      %mul3A_754 = vector.broadcast %mul3A_753 : i32 to vector<16xi32>
      %mul3A_755 = arith.muli %get3A_752, %mul3A_754 : vector<16xi32>
      %get3A_756 = arith.index_cast %add3A_679 : i32 to index
      %get3A_757 = arith.constant 48 : index
      %get3A_758 = tpu.vector_load %arg7[%get3A_756, %get3A_757] {strides = array<i32>} : memref<25x128xi32, #tpu.memory_space<vmem>>, vector<1x16xi32>,
      %get3A_759 = vector.shape_cast %get3A_758 : vector<1x16xi32> to vector<16xi32>
      %add3A_760 = arith.addi %mul3A_755, %get3A_759 : vector<16xi32>
      %swap3A_761 = arith.constant 0 : i32
      %swap3A_762 = arith.index_cast %swap3A_761 : i32 to index
      %swap3A_763 = arith.constant 48 : index
      %swap3A_764 = tpu.vector_load %arg14[%swap3A_762, %swap3A_763] {strides = array<i32>} : memref<4x128xi32, #tpu.memory_space<vmem>>, vector<1x16xi32>,
      %swap3A_765 = vector.shape_cast %swap3A_764 : vector<1x16xi32> to vector<16xi32>
      %swap3A_766 = vector.shape_cast %add3A_760 : vector<16xi32> to vector<1x16xi32>
      tpu.vector_store %arg14[%swap3A_762, %swap3A_763], %swap3A_766 {strides = array<i32>} : memref<4x128xi32, #tpu.memory_space<vmem>>, vector<1x16xi32>,
      %get3A_767 = arith.index_cast %add3A_679 : i32 to index
      %get3A_768 = arith.constant 64 : index
      %get3A_769 = tpu.vector_load %arg8[%get3A_767, %get3A_768] {strides = array<i32>} : memref<25x128xi32, #tpu.memory_space<vmem>>, vector<1x16xi32>,
      %get3A_770 = vector.shape_cast %get3A_769 : vector<1x16xi32> to vector<16xi32>
      %mul3A_771 = arith.constant 512 : i32
      %mul3A_772 = vector.broadcast %mul3A_771 : i32 to vector<16xi32>
      %mul3A_773 = arith.muli %get3A_770, %mul3A_772 : vector<16xi32>
      %get3A_774 = arith.index_cast %add3A_679 : i32 to index
      %get3A_775 = arith.constant 64 : index
      %get3A_776 = tpu.vector_load %arg7[%get3A_774, %get3A_775] {strides = array<i32>} : memref<25x128xi32, #tpu.memory_space<vmem>>, vector<1x16xi32>,
      %get3A_777 = vector.shape_cast %get3A_776 : vector<1x16xi32> to vector<16xi32>
      %add3A_778 = arith.addi %mul3A_773, %get3A_777 : vector<16xi32>
      %swap3A_779 = arith.constant 0 : i32
      %swap3A_780 = arith.index_cast %swap3A_779 : i32 to index
      %swap3A_781 = arith.constant 64 : index
      %swap3A_782 = tpu.vector_load %arg14[%swap3A_780, %swap3A_781] {strides = array<i32>} : memref<4x128xi32, #tpu.memory_space<vmem>>, vector<1x16xi32>,
      %swap3A_783 = vector.shape_cast %swap3A_782 : vector<1x16xi32> to vector<16xi32>
      %swap3A_784 = vector.shape_cast %add3A_778 : vector<16xi32> to vector<1x16xi32>
      tpu.vector_store %arg14[%swap3A_780, %swap3A_781], %swap3A_784 {strides = array<i32>} : memref<4x128xi32, #tpu.memory_space<vmem>>, vector<1x16xi32>,
      %get3A_785 = arith.index_cast %add3A_679 : i32 to index
      %get3A_786 = arith.constant 80 : index
      %get3A_787 = tpu.vector_load %arg8[%get3A_785, %get3A_786] {strides = array<i32>} : memref<25x128xi32, #tpu.memory_space<vmem>>, vector<1x16xi32>,
      %get3A_788 = vector.shape_cast %get3A_787 : vector<1x16xi32> to vector<16xi32>
      %mul3A_789 = arith.constant 512 : i32
      %mul3A_790 = vector.broadcast %mul3A_789 : i32 to vector<16xi32>
      %mul3A_791 = arith.muli %get3A_788, %mul3A_790 : vector<16xi32>
      %get3A_792 = arith.index_cast %add3A_679 : i32 to index
      %get3A_793 = arith.constant 80 : index
      %get3A_794 = tpu.vector_load %arg7[%get3A_792, %get3A_793] {strides = array<i32>} : memref<25x128xi32, #tpu.memory_space<vmem>>, vector<1x16xi32>,
      %get3A_795 = vector.shape_cast %get3A_794 : vector<1x16xi32> to vector<16xi32>
      %add3A_796 = arith.addi %mul3A_791, %get3A_795 : vector<16xi32>
      %swap3A_797 = arith.constant 0 : i32
      %swap3A_798 = arith.index_cast %swap3A_797 : i32 to index
      %swap3A_799 = arith.constant 80 : index
      %swap3A_800 = tpu.vector_load %arg14[%swap3A_798, %swap3A_799] {strides = array<i32>} : memref<4x128xi32, #tpu.memory_space<vmem>>, vector<1x16xi32>,
      %swap3A_801 = vector.shape_cast %swap3A_800 : vector<1x16xi32> to vector<16xi32>
      %swap3A_802 = vector.shape_cast %add3A_796 : vector<16xi32> to vector<1x16xi32>
      tpu.vector_store %arg14[%swap3A_798, %swap3A_799], %swap3A_802 {strides = array<i32>} : memref<4x128xi32, #tpu.memory_space<vmem>>, vector<1x16xi32>,
      %get3A_803 = arith.index_cast %add3A_679 : i32 to index
      %get3A_804 = arith.constant 96 : index
      %get3A_805 = tpu.vector_load %arg8[%get3A_803, %get3A_804] {strides = array<i32>} : memref<25x128xi32, #tpu.memory_space<vmem>>, vector<1x16xi32>,
      %get3A_806 = vector.shape_cast %get3A_805 : vector<1x16xi32> to vector<16xi32>
      %mul3A_807 = arith.constant 512 : i32
      %mul3A_808 = vector.broadcast %mul3A_807 : i32 to vector<16xi32>
      %mul3A_809 = arith.muli %get3A_806, %mul3A_808 : vector<16xi32>
      %get3A_810 = arith.index_cast %add3A_679 : i32 to index
      %get3A_811 = arith.constant 96 : index
      %get3A_812 = tpu.vector_load %arg7[%get3A_810, %get3A_811] {strides = array<i32>} : memref<25x128xi32, #tpu.memory_space<vmem>>, vector<1x16xi32>,
      %get3A_813 = vector.shape_cast %get3A_812 : vector<1x16xi32> to vector<16xi32>
      %add3A_814 = arith.addi %mul3A_809, %get3A_813 : vector<16xi32>
      %swap3A_815 = arith.constant 0 : i32
      %swap3A_816 = arith.index_cast %swap3A_815 : i32 to index
      %swap3A_817 = arith.constant 96 : index
      %swap3A_818 = tpu.vector_load %arg14[%swap3A_816, %swap3A_817] {strides = array<i32>} : memref<4x128xi32, #tpu.memory_space<vmem>>, vector<1x16xi32>,
      %swap3A_819 = vector.shape_cast %swap3A_818 : vector<1x16xi32> to vector<16xi32>
      %swap3A_820 = vector.shape_cast %add3A_814 : vector<16xi32> to vector<1x16xi32>
      tpu.vector_store %arg14[%swap3A_816, %swap3A_817], %swap3A_820 {strides = array<i32>} : memref<4x128xi32, #tpu.memory_space<vmem>>, vector<1x16xi32>,
      %get3A_821 = arith.index_cast %add3A_679 : i32 to index
      %get3A_822 = arith.constant 112 : index
      %get3A_823 = tpu.vector_load %arg8[%get3A_821, %get3A_822] {strides = array<i32>} : memref<25x128xi32, #tpu.memory_space<vmem>>, vector<1x16xi32>,
      %get3A_824 = vector.shape_cast %get3A_823 : vector<1x16xi32> to vector<16xi32>
      %mul3A_825 = arith.constant 512 : i32
      %mul3A_826 = vector.broadcast %mul3A_825 : i32 to vector<16xi32>
      %mul3A_827 = arith.muli %get3A_824, %mul3A_826 : vector<16xi32>
      %get3A_828 = arith.index_cast %add3A_679 : i32 to index
      %get3A_829 = arith.constant 112 : index
      %get3A_830 = tpu.vector_load %arg7[%get3A_828, %get3A_829] {strides = array<i32>} : memref<25x128xi32, #tpu.memory_space<vmem>>, vector<1x16xi32>,
      %get3A_831 = vector.shape_cast %get3A_830 : vector<1x16xi32> to vector<16xi32>
      %add3A_832 = arith.addi %mul3A_827, %get3A_831 : vector<16xi32>
      %swap3A_833 = arith.constant 0 : i32
      %swap3A_834 = arith.index_cast %swap3A_833 : i32 to index
      %swap3A_835 = arith.constant 112 : index
      %swap3A_836 = tpu.vector_load %arg14[%swap3A_834, %swap3A_835] {strides = array<i32>} : memref<4x128xi32, #tpu.memory_space<vmem>>, vector<1x16xi32>,
      %swap3A_837 = vector.shape_cast %swap3A_836 : vector<1x16xi32> to vector<16xi32>
      %swap3A_838 = vector.shape_cast %add3A_832 : vector<16xi32> to vector<1x16xi32>
      tpu.vector_store %arg14[%swap3A_834, %swap3A_835], %swap3A_838 {strides = array<i32>} : memref<4x128xi32, #tpu.memory_space<vmem>>, vector<1x16xi32>,
      %dma_start3A_839 = arith.constant 0 : i32
      %dma_start3A_840 = arith.constant 0 : i32
      %dma_start3A_841 = tpu.memref_slice %arg14[%dma_start3A_839, %dma_start3A_840] : memref<4x128xi32, #tpu.memory_space<vmem>> -> memref<1x128xi32, #tpu.memory_space<vmem>>
      %dma_start3A_842 = tpu.memref_squeeze %dma_start3A_841 : memref<1x128xi32, #tpu.memory_space<vmem>> -> memref<128xi32, #tpu.memory_space<vmem>>
      %dma_start3A_843 = arith.constant 0 : i32
      %dma_start3A_844 = tpu.memref_slice %arg18[%dma_start3A_843] : memref<131072xf32, #tpu.memory_space<vmem_shared>> -> memref<131072xf32, #tpu.memory_space<vmem_shared>>
      tpu.enqueue_indirect_dma source(%arg15 : memref<128xf32, #tpu.memory_space<vmem>>) target(%dma_start3A_844 : memref<131072xf32, #tpu.memory_space<vmem_shared>>) offsets(%dma_start3A_842 : memref<128xi32, #tpu.memory_space<vmem>>) semaphore(%arg29 : memref<!tpu.dma_semaphore, #tpu.memory_space<semaphore_mem>>) {add = true}
      %dma_wait3A_845 = arith.constant 1 : i32
      %dma_wait3A_846 = arith.constant 0 : i32
      %dma_wait3A_847 = arith.constant 0 : i32
      %dma_wait3A_848 = tpu.memref_slice %arg9[%dma_wait3A_845, %dma_wait3A_846, %dma_wait3A_847] : memref<4x128x128xf32, #tpu.memory_space<vmem>> -> memref<1x128x128xf32, #tpu.memory_space<vmem>>
      %dma_wait3A_849 = tpu.memref_squeeze %dma_wait3A_848 : memref<1x128x128xf32, #tpu.memory_space<vmem>> -> memref<128x128xf32, #tpu.memory_space<vmem>>
      %dma_wait3A_850 = arith.constant 0 : i32
      %dma_wait3A_851 = tpu.memref_slice %arg7[%add3A_619, %dma_wait3A_850] : memref<25x128xi32, #tpu.memory_space<vmem>> -> memref<1x128xi32, #tpu.memory_space<vmem>>
      %dma_wait3A_852 = tpu.memref_squeeze %dma_wait3A_851 : memref<1x128xi32, #tpu.memory_space<vmem>> -> memref<128xi32, #tpu.memory_space<vmem>>
      %dma_wait3A_853 = arith.constant 0 : i32
      %dma_wait3A_854 = arith.constant 0 : i32
      %dma_wait3A_855 = tpu.memref_slice %arg19[%dma_wait3A_853, %dma_wait3A_854] : memref<512x128xf32, #tpu.memory_space<vmem_shared>> -> memref<512x128xf32, #tpu.memory_space<vmem_shared>>
      tpu.wait_indirect_dma semaphore(%arg22 : memref<!tpu.dma_semaphore, #tpu.memory_space<semaphore_mem>>) src(%dma_wait3A_855 : memref<512x128xf32, #tpu.memory_space<vmem_shared>>) dst(%dma_wait3A_849 : memref<128x128xf32, #tpu.memory_space<vmem>>)
      %add3A_856 = arith.constant 1 : i32
      %add3A_857 = arith.addi %mul3A_595, %add3A_856 : i32
      %add3A_858 = arith.addi %add3A_5, %add3A_857 : i32
      %mul3A_859 = arith.constant 128 : i32
      %mul3A_860 = arith.muli %add3A_858, %mul3A_859 : i32
      %multiple_of3A_861 = tpu.assume_multiple %mul3A_860, 8 : i32
      %dma_start3A_862 = arith.constant 1 : i32
      %dma_start3A_863 = arith.constant 0 : i32
      %dma_start3A_864 = arith.constant 0 : i32
      %dma_start3A_865 = tpu.memref_slice %arg9[%dma_start3A_862, %dma_start3A_863, %dma_start3A_864] : memref<4x128x128xf32, #tpu.memory_space<vmem>> -> memref<1x128x128xf32, #tpu.memory_space<vmem>>
      %dma_start3A_866 = tpu.memref_squeeze %dma_start3A_865 : memref<1x128x128xf32, #tpu.memory_space<vmem>> -> memref<128x128xf32, #tpu.memory_space<vmem>>
      %dma_start3A_867 = arith.constant 0 : i32
      %dma_start3A_868 = tpu.memref_slice %arg5[%multiple_of3A_861, %dma_start3A_867] : memref<100000x128xf32, #tpu.memory_space<hbm>> -> memref<128x128xf32, #tpu.memory_space<hbm>>
      %dma_start3A_869 = arith.constant 0 : i32
      %dma_start3A_870 = tpu.memref_slice %arg5[%multiple_of3A_861, %dma_start3A_869] : memref<100000x128xf32, #tpu.memory_space<hbm>> -> memref<128x128xf32, #tpu.memory_space<hbm>>
      %dma_start3A_871 = arith.constant 0 : i32
      %dma_start3A_872 = arith.constant 0 : i32
      %dma_start3A_873 = tpu.memref_slice %arg9[%dma_start3A_862, %dma_start3A_871, %dma_start3A_872] : memref<4x128x128xf32, #tpu.memory_space<vmem>> -> memref<1x128x128xf32, #tpu.memory_space<vmem>>
      %dma_start3A_874 = tpu.memref_squeeze %dma_start3A_873 : memref<1x128x128xf32, #tpu.memory_space<vmem>> -> memref<128x128xf32, #tpu.memory_space<vmem>>
      tpu.enqueue_dma source(%dma_start3A_874 : memref<128x128xf32, #tpu.memory_space<vmem>>) target(%dma_start3A_870 : memref<128x128xf32, #tpu.memory_space<hbm>>) target_semaphore(%arg26 : memref<!tpu.dma_semaphore, #tpu.memory_space<semaphore_mem>>)
      %get3A_875 = arith.index_cast %add3A_857 : i32 to index
      %get3A_876 = arith.constant 0 : index
      %get3A_877 = tpu.vector_load %arg8[%get3A_875, %get3A_876] {strides = array<i32>} : memref<25x128xi32, #tpu.memory_space<vmem>>, vector<1x16xi32>,
      %get3A_878 = vector.shape_cast %get3A_877 : vector<1x16xi32> to vector<16xi32>
      %mul3A_879 = arith.constant 512 : i32
      %mul3A_880 = vector.broadcast %mul3A_879 : i32 to vector<16xi32>
      %mul3A_881 = arith.muli %get3A_878, %mul3A_880 : vector<16xi32>
      %get3A_882 = arith.index_cast %add3A_857 : i32 to index
      %get3A_883 = arith.constant 0 : index
      %get3A_884 = tpu.vector_load %arg7[%get3A_882, %get3A_883] {strides = array<i32>} : memref<25x128xi32, #tpu.memory_space<vmem>>, vector<1x16xi32>,
      %get3A_885 = vector.shape_cast %get3A_884 : vector<1x16xi32> to vector<16xi32>
      %add3A_886 = arith.addi %mul3A_881, %get3A_885 : vector<16xi32>
      %swap3A_887 = arith.constant 1 : i32
      %swap3A_888 = arith.index_cast %swap3A_887 : i32 to index
      %swap3A_889 = arith.constant 0 : index
      %swap3A_890 = tpu.vector_load %arg14[%swap3A_888, %swap3A_889] {strides = array<i32>} : memref<4x128xi32, #tpu.memory_space<vmem>>, vector<1x16xi32>,
      %swap3A_891 = vector.shape_cast %swap3A_890 : vector<1x16xi32> to vector<16xi32>
      %swap3A_892 = vector.shape_cast %add3A_886 : vector<16xi32> to vector<1x16xi32>
      tpu.vector_store %arg14[%swap3A_888, %swap3A_889], %swap3A_892 {strides = array<i32>} : memref<4x128xi32, #tpu.memory_space<vmem>>, vector<1x16xi32>,
      %get3A_893 = arith.index_cast %add3A_857 : i32 to index
      %get3A_894 = arith.constant 16 : index
      %get3A_895 = tpu.vector_load %arg8[%get3A_893, %get3A_894] {strides = array<i32>} : memref<25x128xi32, #tpu.memory_space<vmem>>, vector<1x16xi32>,
      %get3A_896 = vector.shape_cast %get3A_895 : vector<1x16xi32> to vector<16xi32>
      %mul3A_897 = arith.constant 512 : i32
      %mul3A_898 = vector.broadcast %mul3A_897 : i32 to vector<16xi32>
      %mul3A_899 = arith.muli %get3A_896, %mul3A_898 : vector<16xi32>
      %get3A_900 = arith.index_cast %add3A_857 : i32 to index
      %get3A_901 = arith.constant 16 : index
      %get3A_902 = tpu.vector_load %arg7[%get3A_900, %get3A_901] {strides = array<i32>} : memref<25x128xi32, #tpu.memory_space<vmem>>, vector<1x16xi32>,
      %get3A_903 = vector.shape_cast %get3A_902 : vector<1x16xi32> to vector<16xi32>
      %add3A_904 = arith.addi %mul3A_899, %get3A_903 : vector<16xi32>
      %swap3A_905 = arith.constant 1 : i32
      %swap3A_906 = arith.index_cast %swap3A_905 : i32 to index
      %swap3A_907 = arith.constant 16 : index
      %swap3A_908 = tpu.vector_load %arg14[%swap3A_906, %swap3A_907] {strides = array<i32>} : memref<4x128xi32, #tpu.memory_space<vmem>>, vector<1x16xi32>,
      %swap3A_909 = vector.shape_cast %swap3A_908 : vector<1x16xi32> to vector<16xi32>
      %swap3A_910 = vector.shape_cast %add3A_904 : vector<16xi32> to vector<1x16xi32>
      tpu.vector_store %arg14[%swap3A_906, %swap3A_907], %swap3A_910 {strides = array<i32>} : memref<4x128xi32, #tpu.memory_space<vmem>>, vector<1x16xi32>,
      %get3A_911 = arith.index_cast %add3A_857 : i32 to index
      %get3A_912 = arith.constant 32 : index
      %get3A_913 = tpu.vector_load %arg8[%get3A_911, %get3A_912] {strides = array<i32>} : memref<25x128xi32, #tpu.memory_space<vmem>>, vector<1x16xi32>,
      %get3A_914 = vector.shape_cast %get3A_913 : vector<1x16xi32> to vector<16xi32>
      %mul3A_915 = arith.constant 512 : i32
      %mul3A_916 = vector.broadcast %mul3A_915 : i32 to vector<16xi32>
      %mul3A_917 = arith.muli %get3A_914, %mul3A_916 : vector<16xi32>
      %get3A_918 = arith.index_cast %add3A_857 : i32 to index
      %get3A_919 = arith.constant 32 : index
      %get3A_920 = tpu.vector_load %arg7[%get3A_918, %get3A_919] {strides = array<i32>} : memref<25x128xi32, #tpu.memory_space<vmem>>, vector<1x16xi32>,
      %get3A_921 = vector.shape_cast %get3A_920 : vector<1x16xi32> to vector<16xi32>
      %add3A_922 = arith.addi %mul3A_917, %get3A_921 : vector<16xi32>
      %swap3A_923 = arith.constant 1 : i32
      %swap3A_924 = arith.index_cast %swap3A_923 : i32 to index
      %swap3A_925 = arith.constant 32 : index
      %swap3A_926 = tpu.vector_load %arg14[%swap3A_924, %swap3A_925] {strides = array<i32>} : memref<4x128xi32, #tpu.memory_space<vmem>>, vector<1x16xi32>,
      %swap3A_927 = vector.shape_cast %swap3A_926 : vector<1x16xi32> to vector<16xi32>
      %swap3A_928 = vector.shape_cast %add3A_922 : vector<16xi32> to vector<1x16xi32>
      tpu.vector_store %arg14[%swap3A_924, %swap3A_925], %swap3A_928 {strides = array<i32>} : memref<4x128xi32, #tpu.memory_space<vmem>>, vector<1x16xi32>,
      %get3A_929 = arith.index_cast %add3A_857 : i32 to index
      %get3A_930 = arith.constant 48 : index
      %get3A_931 = tpu.vector_load %arg8[%get3A_929, %get3A_930] {strides = array<i32>} : memref<25x128xi32, #tpu.memory_space<vmem>>, vector<1x16xi32>,
      %get3A_932 = vector.shape_cast %get3A_931 : vector<1x16xi32> to vector<16xi32>
      %mul3A_933 = arith.constant 512 : i32
      %mul3A_934 = vector.broadcast %mul3A_933 : i32 to vector<16xi32>
      %mul3A_935 = arith.muli %get3A_932, %mul3A_934 : vector<16xi32>
      %get3A_936 = arith.index_cast %add3A_857 : i32 to index
      %get3A_937 = arith.constant 48 : index
      %get3A_938 = tpu.vector_load %arg7[%get3A_936, %get3A_937] {strides = array<i32>} : memref<25x128xi32, #tpu.memory_space<vmem>>, vector<1x16xi32>,
      %get3A_939 = vector.shape_cast %get3A_938 : vector<1x16xi32> to vector<16xi32>
      %add3A_940 = arith.addi %mul3A_935, %get3A_939 : vector<16xi32>
      %swap3A_941 = arith.constant 1 : i32
      %swap3A_942 = arith.index_cast %swap3A_941 : i32 to index
      %swap3A_943 = arith.constant 48 : index
      %swap3A_944 = tpu.vector_load %arg14[%swap3A_942, %swap3A_943] {strides = array<i32>} : memref<4x128xi32, #tpu.memory_space<vmem>>, vector<1x16xi32>,
      %swap3A_945 = vector.shape_cast %swap3A_944 : vector<1x16xi32> to vector<16xi32>
      %swap3A_946 = vector.shape_cast %add3A_940 : vector<16xi32> to vector<1x16xi32>
      tpu.vector_store %arg14[%swap3A_942, %swap3A_943], %swap3A_946 {strides = array<i32>} : memref<4x128xi32, #tpu.memory_space<vmem>>, vector<1x16xi32>,
      %get3A_947 = arith.index_cast %add3A_857 : i32 to index
      %get3A_948 = arith.constant 64 : index
      %get3A_949 = tpu.vector_load %arg8[%get3A_947, %get3A_948] {strides = array<i32>} : memref<25x128xi32, #tpu.memory_space<vmem>>, vector<1x16xi32>,
      %get3A_950 = vector.shape_cast %get3A_949 : vector<1x16xi32> to vector<16xi32>
      %mul3A_951 = arith.constant 512 : i32
      %mul3A_952 = vector.broadcast %mul3A_951 : i32 to vector<16xi32>
      %mul3A_953 = arith.muli %get3A_950, %mul3A_952 : vector<16xi32>
      %get3A_954 = arith.index_cast %add3A_857 : i32 to index
      %get3A_955 = arith.constant 64 : index
      %get3A_956 = tpu.vector_load %arg7[%get3A_954, %get3A_955] {strides = array<i32>} : memref<25x128xi32, #tpu.memory_space<vmem>>, vector<1x16xi32>,
      %get3A_957 = vector.shape_cast %get3A_956 : vector<1x16xi32> to vector<16xi32>
      %add3A_958 = arith.addi %mul3A_953, %get3A_957 : vector<16xi32>
      %swap3A_959 = arith.constant 1 : i32
      %swap3A_960 = arith.index_cast %swap3A_959 : i32 to index
      %swap3A_961 = arith.constant 64 : index
      %swap3A_962 = tpu.vector_load %arg14[%swap3A_960, %swap3A_961] {strides = array<i32>} : memref<4x128xi32, #tpu.memory_space<vmem>>, vector<1x16xi32>,
      %swap3A_963 = vector.shape_cast %swap3A_962 : vector<1x16xi32> to vector<16xi32>
      %swap3A_964 = vector.shape_cast %add3A_958 : vector<16xi32> to vector<1x16xi32>
      tpu.vector_store %arg14[%swap3A_960, %swap3A_961], %swap3A_964 {strides = array<i32>} : memref<4x128xi32, #tpu.memory_space<vmem>>, vector<1x16xi32>,
      %get3A_965 = arith.index_cast %add3A_857 : i32 to index
      %get3A_966 = arith.constant 80 : index
      %get3A_967 = tpu.vector_load %arg8[%get3A_965, %get3A_966] {strides = array<i32>} : memref<25x128xi32, #tpu.memory_space<vmem>>, vector<1x16xi32>,
      %get3A_968 = vector.shape_cast %get3A_967 : vector<1x16xi32> to vector<16xi32>
      %mul3A_969 = arith.constant 512 : i32
      %mul3A_970 = vector.broadcast %mul3A_969 : i32 to vector<16xi32>
      %mul3A_971 = arith.muli %get3A_968, %mul3A_970 : vector<16xi32>
      %get3A_972 = arith.index_cast %add3A_857 : i32 to index
      %get3A_973 = arith.constant 80 : index
      %get3A_974 = tpu.vector_load %arg7[%get3A_972, %get3A_973] {strides = array<i32>} : memref<25x128xi32, #tpu.memory_space<vmem>>, vector<1x16xi32>,
      %get3A_975 = vector.shape_cast %get3A_974 : vector<1x16xi32> to vector<16xi32>
      %add3A_976 = arith.addi %mul3A_971, %get3A_975 : vector<16xi32>
      %swap3A_977 = arith.constant 1 : i32
      %swap3A_978 = arith.index_cast %swap3A_977 : i32 to index
      %swap3A_979 = arith.constant 80 : index
      %swap3A_980 = tpu.vector_load %arg14[%swap3A_978, %swap3A_979] {strides = array<i32>} : memref<4x128xi32, #tpu.memory_space<vmem>>, vector<1x16xi32>,
      %swap3A_981 = vector.shape_cast %swap3A_980 : vector<1x16xi32> to vector<16xi32>
      %swap3A_982 = vector.shape_cast %add3A_976 : vector<16xi32> to vector<1x16xi32>
      tpu.vector_store %arg14[%swap3A_978, %swap3A_979], %swap3A_982 {strides = array<i32>} : memref<4x128xi32, #tpu.memory_space<vmem>>, vector<1x16xi32>,
      %get3A_983 = arith.index_cast %add3A_857 : i32 to index
      %get3A_984 = arith.constant 96 : index
      %get3A_985 = tpu.vector_load %arg8[%get3A_983, %get3A_984] {strides = array<i32>} : memref<25x128xi32, #tpu.memory_space<vmem>>, vector<1x16xi32>,
      %get3A_986 = vector.shape_cast %get3A_985 : vector<1x16xi32> to vector<16xi32>
      %mul3A_987 = arith.constant 512 : i32
      %mul3A_988 = vector.broadcast %mul3A_987 : i32 to vector<16xi32>
      %mul3A_989 = arith.muli %get3A_986, %mul3A_988 : vector<16xi32>
      %get3A_990 = arith.index_cast %add3A_857 : i32 to index
      %get3A_991 = arith.constant 96 : index
      %get3A_992 = tpu.vector_load %arg7[%get3A_990, %get3A_991] {strides = array<i32>} : memref<25x128xi32, #tpu.memory_space<vmem>>, vector<1x16xi32>,
      %get3A_993 = vector.shape_cast %get3A_992 : vector<1x16xi32> to vector<16xi32>
      %add3A_994 = arith.addi %mul3A_989, %get3A_993 : vector<16xi32>
      %swap3A_995 = arith.constant 1 : i32
      %swap3A_996 = arith.index_cast %swap3A_995 : i32 to index
      %swap3A_997 = arith.constant 96 : index
      %swap3A_998 = tpu.vector_load %arg14[%swap3A_996, %swap3A_997] {strides = array<i32>} : memref<4x128xi32, #tpu.memory_space<vmem>>, vector<1x16xi32>,
      %swap3A_999 = vector.shape_cast %swap3A_998 : vector<1x16xi32> to vector<16xi32>
      %swap3A_1000 = vector.shape_cast %add3A_994 : vector<16xi32> to vector<1x16xi32>
      tpu.vector_store %arg14[%swap3A_996, %swap3A_997], %swap3A_1000 {strides = array<i32>} : memref<4x128xi32, #tpu.memory_space<vmem>>, vector<1x16xi32>,
      %get3A_1001 = arith.index_cast %add3A_857 : i32 to index
      %get3A_1002 = arith.constant 112 : index
      %get3A_1003 = tpu.vector_load %arg8[%get3A_1001, %get3A_1002] {strides = array<i32>} : memref<25x128xi32, #tpu.memory_space<vmem>>, vector<1x16xi32>,
      %get3A_1004 = vector.shape_cast %get3A_1003 : vector<1x16xi32> to vector<16xi32>
      %mul3A_1005 = arith.constant 512 : i32
      %mul3A_1006 = vector.broadcast %mul3A_1005 : i32 to vector<16xi32>
      %mul3A_1007 = arith.muli %get3A_1004, %mul3A_1006 : vector<16xi32>
      %get3A_1008 = arith.index_cast %add3A_857 : i32 to index
      %get3A_1009 = arith.constant 112 : index
      %get3A_1010 = tpu.vector_load %arg7[%get3A_1008, %get3A_1009] {strides = array<i32>} : memref<25x128xi32, #tpu.memory_space<vmem>>, vector<1x16xi32>,
      %get3A_1011 = vector.shape_cast %get3A_1010 : vector<1x16xi32> to vector<16xi32>
      %add3A_1012 = arith.addi %mul3A_1007, %get3A_1011 : vector<16xi32>
      %swap3A_1013 = arith.constant 1 : i32
      %swap3A_1014 = arith.index_cast %swap3A_1013 : i32 to index
      %swap3A_1015 = arith.constant 112 : index
      %swap3A_1016 = tpu.vector_load %arg14[%swap3A_1014, %swap3A_1015] {strides = array<i32>} : memref<4x128xi32, #tpu.memory_space<vmem>>, vector<1x16xi32>,
      %swap3A_1017 = vector.shape_cast %swap3A_1016 : vector<1x16xi32> to vector<16xi32>
      %swap3A_1018 = vector.shape_cast %add3A_1012 : vector<16xi32> to vector<1x16xi32>
      tpu.vector_store %arg14[%swap3A_1014, %swap3A_1015], %swap3A_1018 {strides = array<i32>} : memref<4x128xi32, #tpu.memory_space<vmem>>, vector<1x16xi32>,
      %dma_start3A_1019 = arith.constant 1 : i32
      %dma_start3A_1020 = arith.constant 0 : i32
      %dma_start3A_1021 = tpu.memref_slice %arg14[%dma_start3A_1019, %dma_start3A_1020] : memref<4x128xi32, #tpu.memory_space<vmem>> -> memref<1x128xi32, #tpu.memory_space<vmem>>
      %dma_start3A_1022 = tpu.memref_squeeze %dma_start3A_1021 : memref<1x128xi32, #tpu.memory_space<vmem>> -> memref<128xi32, #tpu.memory_space<vmem>>
      %dma_start3A_1023 = arith.constant 0 : i32
      %dma_start3A_1024 = tpu.memref_slice %arg18[%dma_start3A_1023] : memref<131072xf32, #tpu.memory_space<vmem_shared>> -> memref<131072xf32, #tpu.memory_space<vmem_shared>>
      tpu.enqueue_indirect_dma source(%arg15 : memref<128xf32, #tpu.memory_space<vmem>>) target(%dma_start3A_1024 : memref<131072xf32, #tpu.memory_space<vmem_shared>>) offsets(%dma_start3A_1022 : memref<128xi32, #tpu.memory_space<vmem>>) semaphore(%arg30 : memref<!tpu.dma_semaphore, #tpu.memory_space<semaphore_mem>>) {add = true}
      %dma_wait3A_1025 = arith.constant 2 : i32
      %dma_wait3A_1026 = arith.constant 0 : i32
      %dma_wait3A_1027 = arith.constant 0 : i32
      %dma_wait3A_1028 = tpu.memref_slice %arg9[%dma_wait3A_1025, %dma_wait3A_1026, %dma_wait3A_1027] : memref<4x128x128xf32, #tpu.memory_space<vmem>> -> memref<1x128x128xf32, #tpu.memory_space<vmem>>
      %dma_wait3A_1029 = tpu.memref_squeeze %dma_wait3A_1028 : memref<1x128x128xf32, #tpu.memory_space<vmem>> -> memref<128x128xf32, #tpu.memory_space<vmem>>
      %dma_wait3A_1030 = arith.constant 0 : i32
      %dma_wait3A_1031 = tpu.memref_slice %arg7[%add3A_637, %dma_wait3A_1030] : memref<25x128xi32, #tpu.memory_space<vmem>> -> memref<1x128xi32, #tpu.memory_space<vmem>>
      %dma_wait3A_1032 = tpu.memref_squeeze %dma_wait3A_1031 : memref<1x128xi32, #tpu.memory_space<vmem>> -> memref<128xi32, #tpu.memory_space<vmem>>
      %dma_wait3A_1033 = arith.constant 0 : i32
      %dma_wait3A_1034 = arith.constant 0 : i32
      %dma_wait3A_1035 = tpu.memref_slice %arg19[%dma_wait3A_1033, %dma_wait3A_1034] : memref<512x128xf32, #tpu.memory_space<vmem_shared>> -> memref<512x128xf32, #tpu.memory_space<vmem_shared>>
      tpu.wait_indirect_dma semaphore(%arg23 : memref<!tpu.dma_semaphore, #tpu.memory_space<semaphore_mem>>) src(%dma_wait3A_1035 : memref<512x128xf32, #tpu.memory_space<vmem_shared>>) dst(%dma_wait3A_1029 : memref<128x128xf32, #tpu.memory_space<vmem>>)
      %add3A_1036 = arith.constant 2 : i32
      %add3A_1037 = arith.addi %mul3A_595, %add3A_1036 : i32
      %add3A_1038 = arith.addi %add3A_5, %add3A_1037 : i32
      %mul3A_1039 = arith.constant 128 : i32
      %mul3A_1040 = arith.muli %add3A_1038, %mul3A_1039 : i32
      %multiple_of3A_1041 = tpu.assume_multiple %mul3A_1040, 8 : i32
      %dma_start3A_1042 = arith.constant 2 : i32
      %dma_start3A_1043 = arith.constant 0 : i32
      %dma_start3A_1044 = arith.constant 0 : i32
      %dma_start3A_1045 = tpu.memref_slice %arg9[%dma_start3A_1042, %dma_start3A_1043, %dma_start3A_1044] : memref<4x128x128xf32, #tpu.memory_space<vmem>> -> memref<1x128x128xf32, #tpu.memory_space<vmem>>
      %dma_start3A_1046 = tpu.memref_squeeze %dma_start3A_1045 : memref<1x128x128xf32, #tpu.memory_space<vmem>> -> memref<128x128xf32, #tpu.memory_space<vmem>>
      %dma_start3A_1047 = arith.constant 0 : i32
      %dma_start3A_1048 = tpu.memref_slice %arg5[%multiple_of3A_1041, %dma_start3A_1047] : memref<100000x128xf32, #tpu.memory_space<hbm>> -> memref<128x128xf32, #tpu.memory_space<hbm>>
      %dma_start3A_1049 = arith.constant 0 : i32
      %dma_start3A_1050 = tpu.memref_slice %arg5[%multiple_of3A_1041, %dma_start3A_1049] : memref<100000x128xf32, #tpu.memory_space<hbm>> -> memref<128x128xf32, #tpu.memory_space<hbm>>
      %dma_start3A_1051 = arith.constant 0 : i32
      %dma_start3A_1052 = arith.constant 0 : i32
      %dma_start3A_1053 = tpu.memref_slice %arg9[%dma_start3A_1042, %dma_start3A_1051, %dma_start3A_1052] : memref<4x128x128xf32, #tpu.memory_space<vmem>> -> memref<1x128x128xf32, #tpu.memory_space<vmem>>
      %dma_start3A_1054 = tpu.memref_squeeze %dma_start3A_1053 : memref<1x128x128xf32, #tpu.memory_space<vmem>> -> memref<128x128xf32, #tpu.memory_space<vmem>>
      tpu.enqueue_dma source(%dma_start3A_1054 : memref<128x128xf32, #tpu.memory_space<vmem>>) target(%dma_start3A_1050 : memref<128x128xf32, #tpu.memory_space<hbm>>) target_semaphore(%arg27 : memref<!tpu.dma_semaphore, #tpu.memory_space<semaphore_mem>>)
      %get3A_1055 = arith.index_cast %add3A_1037 : i32 to index
      %get3A_1056 = arith.constant 0 : index
      %get3A_1057 = tpu.vector_load %arg8[%get3A_1055, %get3A_1056] {strides = array<i32>} : memref<25x128xi32, #tpu.memory_space<vmem>>, vector<1x16xi32>,
      %get3A_1058 = vector.shape_cast %get3A_1057 : vector<1x16xi32> to vector<16xi32>
      %mul3A_1059 = arith.constant 512 : i32
      %mul3A_1060 = vector.broadcast %mul3A_1059 : i32 to vector<16xi32>
      %mul3A_1061 = arith.muli %get3A_1058, %mul3A_1060 : vector<16xi32>
      %get3A_1062 = arith.index_cast %add3A_1037 : i32 to index
      %get3A_1063 = arith.constant 0 : index
      %get3A_1064 = tpu.vector_load %arg7[%get3A_1062, %get3A_1063] {strides = array<i32>} : memref<25x128xi32, #tpu.memory_space<vmem>>, vector<1x16xi32>,
      %get3A_1065 = vector.shape_cast %get3A_1064 : vector<1x16xi32> to vector<16xi32>
      %add3A_1066 = arith.addi %mul3A_1061, %get3A_1065 : vector<16xi32>
      %swap3A_1067 = arith.constant 2 : i32
      %swap3A_1068 = arith.index_cast %swap3A_1067 : i32 to index
      %swap3A_1069 = arith.constant 0 : index
      %swap3A_1070 = tpu.vector_load %arg14[%swap3A_1068, %swap3A_1069] {strides = array<i32>} : memref<4x128xi32, #tpu.memory_space<vmem>>, vector<1x16xi32>,
      %swap3A_1071 = vector.shape_cast %swap3A_1070 : vector<1x16xi32> to vector<16xi32>
      %swap3A_1072 = vector.shape_cast %add3A_1066 : vector<16xi32> to vector<1x16xi32>
      tpu.vector_store %arg14[%swap3A_1068, %swap3A_1069], %swap3A_1072 {strides = array<i32>} : memref<4x128xi32, #tpu.memory_space<vmem>>, vector<1x16xi32>,
      %get3A_1073 = arith.index_cast %add3A_1037 : i32 to index
      %get3A_1074 = arith.constant 16 : index
      %get3A_1075 = tpu.vector_load %arg8[%get3A_1073, %get3A_1074] {strides = array<i32>} : memref<25x128xi32, #tpu.memory_space<vmem>>, vector<1x16xi32>,
      %get3A_1076 = vector.shape_cast %get3A_1075 : vector<1x16xi32> to vector<16xi32>
      %mul3A_1077 = arith.constant 512 : i32
      %mul3A_1078 = vector.broadcast %mul3A_1077 : i32 to vector<16xi32>
      %mul3A_1079 = arith.muli %get3A_1076, %mul3A_1078 : vector<16xi32>
      %get3A_1080 = arith.index_cast %add3A_1037 : i32 to index
      %get3A_1081 = arith.constant 16 : index
      %get3A_1082 = tpu.vector_load %arg7[%get3A_1080, %get3A_1081] {strides = array<i32>} : memref<25x128xi32, #tpu.memory_space<vmem>>, vector<1x16xi32>,
      %get3A_1083 = vector.shape_cast %get3A_1082 : vector<1x16xi32> to vector<16xi32>
      %add3A_1084 = arith.addi %mul3A_1079, %get3A_1083 : vector<16xi32>
      %swap3A_1085 = arith.constant 2 : i32
      %swap3A_1086 = arith.index_cast %swap3A_1085 : i32 to index
      %swap3A_1087 = arith.constant 16 : index
      %swap3A_1088 = tpu.vector_load %arg14[%swap3A_1086, %swap3A_1087] {strides = array<i32>} : memref<4x128xi32, #tpu.memory_space<vmem>>, vector<1x16xi32>,
      %swap3A_1089 = vector.shape_cast %swap3A_1088 : vector<1x16xi32> to vector<16xi32>
      %swap3A_1090 = vector.shape_cast %add3A_1084 : vector<16xi32> to vector<1x16xi32>
      tpu.vector_store %arg14[%swap3A_1086, %swap3A_1087], %swap3A_1090 {strides = array<i32>} : memref<4x128xi32, #tpu.memory_space<vmem>>, vector<1x16xi32>,
      %get3A_1091 = arith.index_cast %add3A_1037 : i32 to index
      %get3A_1092 = arith.constant 32 : index
      %get3A_1093 = tpu.vector_load %arg8[%get3A_1091, %get3A_1092] {strides = array<i32>} : memref<25x128xi32, #tpu.memory_space<vmem>>, vector<1x16xi32>,
      %get3A_1094 = vector.shape_cast %get3A_1093 : vector<1x16xi32> to vector<16xi32>
      %mul3A_1095 = arith.constant 512 : i32
      %mul3A_1096 = vector.broadcast %mul3A_1095 : i32 to vector<16xi32>
      %mul3A_1097 = arith.muli %get3A_1094, %mul3A_1096 : vector<16xi32>
      %get3A_1098 = arith.index_cast %add3A_1037 : i32 to index
      %get3A_1099 = arith.constant 32 : index
      %get3A_1100 = tpu.vector_load %arg7[%get3A_1098, %get3A_1099] {strides = array<i32>} : memref<25x128xi32, #tpu.memory_space<vmem>>, vector<1x16xi32>,
      %get3A_1101 = vector.shape_cast %get3A_1100 : vector<1x16xi32> to vector<16xi32>
      %add3A_1102 = arith.addi %mul3A_1097, %get3A_1101 : vector<16xi32>
      %swap3A_1103 = arith.constant 2 : i32
      %swap3A_1104 = arith.index_cast %swap3A_1103 : i32 to index
      %swap3A_1105 = arith.constant 32 : index
      %swap3A_1106 = tpu.vector_load %arg14[%swap3A_1104, %swap3A_1105] {strides = array<i32>} : memref<4x128xi32, #tpu.memory_space<vmem>>, vector<1x16xi32>,
      %swap3A_1107 = vector.shape_cast %swap3A_1106 : vector<1x16xi32> to vector<16xi32>
      %swap3A_1108 = vector.shape_cast %add3A_1102 : vector<16xi32> to vector<1x16xi32>
      tpu.vector_store %arg14[%swap3A_1104, %swap3A_1105], %swap3A_1108 {strides = array<i32>} : memref<4x128xi32, #tpu.memory_space<vmem>>, vector<1x16xi32>,
      %get3A_1109 = arith.index_cast %add3A_1037 : i32 to index
      %get3A_1110 = arith.constant 48 : index
      %get3A_1111 = tpu.vector_load %arg8[%get3A_1109, %get3A_1110] {strides = array<i32>} : memref<25x128xi32, #tpu.memory_space<vmem>>, vector<1x16xi32>,
      %get3A_1112 = vector.shape_cast %get3A_1111 : vector<1x16xi32> to vector<16xi32>
      %mul3A_1113 = arith.constant 512 : i32
      %mul3A_1114 = vector.broadcast %mul3A_1113 : i32 to vector<16xi32>
      %mul3A_1115 = arith.muli %get3A_1112, %mul3A_1114 : vector<16xi32>
      %get3A_1116 = arith.index_cast %add3A_1037 : i32 to index
      %get3A_1117 = arith.constant 48 : index
      %get3A_1118 = tpu.vector_load %arg7[%get3A_1116, %get3A_1117] {strides = array<i32>} : memref<25x128xi32, #tpu.memory_space<vmem>>, vector<1x16xi32>,
      %get3A_1119 = vector.shape_cast %get3A_1118 : vector<1x16xi32> to vector<16xi32>
      %add3A_1120 = arith.addi %mul3A_1115, %get3A_1119 : vector<16xi32>
      %swap3A_1121 = arith.constant 2 : i32
      %swap3A_1122 = arith.index_cast %swap3A_1121 : i32 to index
      %swap3A_1123 = arith.constant 48 : index
      %swap3A_1124 = tpu.vector_load %arg14[%swap3A_1122, %swap3A_1123] {strides = array<i32>} : memref<4x128xi32, #tpu.memory_space<vmem>>, vector<1x16xi32>,
      %swap3A_1125 = vector.shape_cast %swap3A_1124 : vector<1x16xi32> to vector<16xi32>
      %swap3A_1126 = vector.shape_cast %add3A_1120 : vector<16xi32> to vector<1x16xi32>
      tpu.vector_store %arg14[%swap3A_1122, %swap3A_1123], %swap3A_1126 {strides = array<i32>} : memref<4x128xi32, #tpu.memory_space<vmem>>, vector<1x16xi32>,
      %get3A_1127 = arith.index_cast %add3A_1037 : i32 to index
      %get3A_1128 = arith.constant 64 : index
      %get3A_1129 = tpu.vector_load %arg8[%get3A_1127, %get3A_1128] {strides = array<i32>} : memref<25x128xi32, #tpu.memory_space<vmem>>, vector<1x16xi32>,
      %get3A_1130 = vector.shape_cast %get3A_1129 : vector<1x16xi32> to vector<16xi32>
      %mul3A_1131 = arith.constant 512 : i32
      %mul3A_1132 = vector.broadcast %mul3A_1131 : i32 to vector<16xi32>
      %mul3A_1133 = arith.muli %get3A_1130, %mul3A_1132 : vector<16xi32>
      %get3A_1134 = arith.index_cast %add3A_1037 : i32 to index
      %get3A_1135 = arith.constant 64 : index
      %get3A_1136 = tpu.vector_load %arg7[%get3A_1134, %get3A_1135] {strides = array<i32>} : memref<25x128xi32, #tpu.memory_space<vmem>>, vector<1x16xi32>,
      %get3A_1137 = vector.shape_cast %get3A_1136 : vector<1x16xi32> to vector<16xi32>
      %add3A_1138 = arith.addi %mul3A_1133, %get3A_1137 : vector<16xi32>
      %swap3A_1139 = arith.constant 2 : i32
      %swap3A_1140 = arith.index_cast %swap3A_1139 : i32 to index
      %swap3A_1141 = arith.constant 64 : index
      %swap3A_1142 = tpu.vector_load %arg14[%swap3A_1140, %swap3A_1141] {strides = array<i32>} : memref<4x128xi32, #tpu.memory_space<vmem>>, vector<1x16xi32>,
      %swap3A_1143 = vector.shape_cast %swap3A_1142 : vector<1x16xi32> to vector<16xi32>
      %swap3A_1144 = vector.shape_cast %add3A_1138 : vector<16xi32> to vector<1x16xi32>
      tpu.vector_store %arg14[%swap3A_1140, %swap3A_1141], %swap3A_1144 {strides = array<i32>} : memref<4x128xi32, #tpu.memory_space<vmem>>, vector<1x16xi32>,
      %get3A_1145 = arith.index_cast %add3A_1037 : i32 to index
      %get3A_1146 = arith.constant 80 : index
      %get3A_1147 = tpu.vector_load %arg8[%get3A_1145, %get3A_1146] {strides = array<i32>} : memref<25x128xi32, #tpu.memory_space<vmem>>, vector<1x16xi32>,
      %get3A_1148 = vector.shape_cast %get3A_1147 : vector<1x16xi32> to vector<16xi32>
      %mul3A_1149 = arith.constant 512 : i32
      %mul3A_1150 = vector.broadcast %mul3A_1149 : i32 to vector<16xi32>
      %mul3A_1151 = arith.muli %get3A_1148, %mul3A_1150 : vector<16xi32>
      %get3A_1152 = arith.index_cast %add3A_1037 : i32 to index
      %get3A_1153 = arith.constant 80 : index
      %get3A_1154 = tpu.vector_load %arg7[%get3A_1152, %get3A_1153] {strides = array<i32>} : memref<25x128xi32, #tpu.memory_space<vmem>>, vector<1x16xi32>,
      %get3A_1155 = vector.shape_cast %get3A_1154 : vector<1x16xi32> to vector<16xi32>
      %add3A_1156 = arith.addi %mul3A_1151, %get3A_1155 : vector<16xi32>
      %swap3A_1157 = arith.constant 2 : i32
      %swap3A_1158 = arith.index_cast %swap3A_1157 : i32 to index
      %swap3A_1159 = arith.constant 80 : index
      %swap3A_1160 = tpu.vector_load %arg14[%swap3A_1158, %swap3A_1159] {strides = array<i32>} : memref<4x128xi32, #tpu.memory_space<vmem>>, vector<1x16xi32>,
      %swap3A_1161 = vector.shape_cast %swap3A_1160 : vector<1x16xi32> to vector<16xi32>
      %swap3A_1162 = vector.shape_cast %add3A_1156 : vector<16xi32> to vector<1x16xi32>
      tpu.vector_store %arg14[%swap3A_1158, %swap3A_1159], %swap3A_1162 {strides = array<i32>} : memref<4x128xi32, #tpu.memory_space<vmem>>, vector<1x16xi32>,
      %get3A_1163 = arith.index_cast %add3A_1037 : i32 to index
      %get3A_1164 = arith.constant 96 : index
      %get3A_1165 = tpu.vector_load %arg8[%get3A_1163, %get3A_1164] {strides = array<i32>} : memref<25x128xi32, #tpu.memory_space<vmem>>, vector<1x16xi32>,
      %get3A_1166 = vector.shape_cast %get3A_1165 : vector<1x16xi32> to vector<16xi32>
      %mul3A_1167 = arith.constant 512 : i32
      %mul3A_1168 = vector.broadcast %mul3A_1167 : i32 to vector<16xi32>
      %mul3A_1169 = arith.muli %get3A_1166, %mul3A_1168 : vector<16xi32>
      %get3A_1170 = arith.index_cast %add3A_1037 : i32 to index
      %get3A_1171 = arith.constant 96 : index
      %get3A_1172 = tpu.vector_load %arg7[%get3A_1170, %get3A_1171] {strides = array<i32>} : memref<25x128xi32, #tpu.memory_space<vmem>>, vector<1x16xi32>,
      %get3A_1173 = vector.shape_cast %get3A_1172 : vector<1x16xi32> to vector<16xi32>
      %add3A_1174 = arith.addi %mul3A_1169, %get3A_1173 : vector<16xi32>
      %swap3A_1175 = arith.constant 2 : i32
      %swap3A_1176 = arith.index_cast %swap3A_1175 : i32 to index
      %swap3A_1177 = arith.constant 96 : index
      %swap3A_1178 = tpu.vector_load %arg14[%swap3A_1176, %swap3A_1177] {strides = array<i32>} : memref<4x128xi32, #tpu.memory_space<vmem>>, vector<1x16xi32>,
      %swap3A_1179 = vector.shape_cast %swap3A_1178 : vector<1x16xi32> to vector<16xi32>
      %swap3A_1180 = vector.shape_cast %add3A_1174 : vector<16xi32> to vector<1x16xi32>
      tpu.vector_store %arg14[%swap3A_1176, %swap3A_1177], %swap3A_1180 {strides = array<i32>} : memref<4x128xi32, #tpu.memory_space<vmem>>, vector<1x16xi32>,
      %get3A_1181 = arith.index_cast %add3A_1037 : i32 to index
      %get3A_1182 = arith.constant 112 : index
      %get3A_1183 = tpu.vector_load %arg8[%get3A_1181, %get3A_1182] {strides = array<i32>} : memref<25x128xi32, #tpu.memory_space<vmem>>, vector<1x16xi32>,
      %get3A_1184 = vector.shape_cast %get3A_1183 : vector<1x16xi32> to vector<16xi32>
      %mul3A_1185 = arith.constant 512 : i32
      %mul3A_1186 = vector.broadcast %mul3A_1185 : i32 to vector<16xi32>
      %mul3A_1187 = arith.muli %get3A_1184, %mul3A_1186 : vector<16xi32>
      %get3A_1188 = arith.index_cast %add3A_1037 : i32 to index
      %get3A_1189 = arith.constant 112 : index
      %get3A_1190 = tpu.vector_load %arg7[%get3A_1188, %get3A_1189] {strides = array<i32>} : memref<25x128xi32, #tpu.memory_space<vmem>>, vector<1x16xi32>,
      %get3A_1191 = vector.shape_cast %get3A_1190 : vector<1x16xi32> to vector<16xi32>
      %add3A_1192 = arith.addi %mul3A_1187, %get3A_1191 : vector<16xi32>
      %swap3A_1193 = arith.constant 2 : i32
      %swap3A_1194 = arith.index_cast %swap3A_1193 : i32 to index
      %swap3A_1195 = arith.constant 112 : index
      %swap3A_1196 = tpu.vector_load %arg14[%swap3A_1194, %swap3A_1195] {strides = array<i32>} : memref<4x128xi32, #tpu.memory_space<vmem>>, vector<1x16xi32>,
      %swap3A_1197 = vector.shape_cast %swap3A_1196 : vector<1x16xi32> to vector<16xi32>
      %swap3A_1198 = vector.shape_cast %add3A_1192 : vector<16xi32> to vector<1x16xi32>
      tpu.vector_store %arg14[%swap3A_1194, %swap3A_1195], %swap3A_1198 {strides = array<i32>} : memref<4x128xi32, #tpu.memory_space<vmem>>, vector<1x16xi32>,
      %dma_start3A_1199 = arith.constant 2 : i32
      %dma_start3A_1200 = arith.constant 0 : i32
      %dma_start3A_1201 = tpu.memref_slice %arg14[%dma_start3A_1199, %dma_start3A_1200] : memref<4x128xi32, #tpu.memory_space<vmem>> -> memref<1x128xi32, #tpu.memory_space<vmem>>
      %dma_start3A_1202 = tpu.memref_squeeze %dma_start3A_1201 : memref<1x128xi32, #tpu.memory_space<vmem>> -> memref<128xi32, #tpu.memory_space<vmem>>
      %dma_start3A_1203 = arith.constant 0 : i32
      %dma_start3A_1204 = tpu.memref_slice %arg18[%dma_start3A_1203] : memref<131072xf32, #tpu.memory_space<vmem_shared>> -> memref<131072xf32, #tpu.memory_space<vmem_shared>>
      tpu.enqueue_indirect_dma source(%arg15 : memref<128xf32, #tpu.memory_space<vmem>>) target(%dma_start3A_1204 : memref<131072xf32, #tpu.memory_space<vmem_shared>>) offsets(%dma_start3A_1202 : memref<128xi32, #tpu.memory_space<vmem>>) semaphore(%arg31 : memref<!tpu.dma_semaphore, #tpu.memory_space<semaphore_mem>>) {add = true}
      %dma_wait3A_1205 = arith.constant 3 : i32
      %dma_wait3A_1206 = arith.constant 0 : i32
      %dma_wait3A_1207 = arith.constant 0 : i32
      %dma_wait3A_1208 = tpu.memref_slice %arg9[%dma_wait3A_1205, %dma_wait3A_1206, %dma_wait3A_1207] : memref<4x128x128xf32, #tpu.memory_space<vmem>> -> memref<1x128x128xf32, #tpu.memory_space<vmem>>
      %dma_wait3A_1209 = tpu.memref_squeeze %dma_wait3A_1208 : memref<1x128x128xf32, #tpu.memory_space<vmem>> -> memref<128x128xf32, #tpu.memory_space<vmem>>
      %dma_wait3A_1210 = arith.constant 0 : i32
      %dma_wait3A_1211 = tpu.memref_slice %arg7[%add3A_655, %dma_wait3A_1210] : memref<25x128xi32, #tpu.memory_space<vmem>> -> memref<1x128xi32, #tpu.memory_space<vmem>>
      %dma_wait3A_1212 = tpu.memref_squeeze %dma_wait3A_1211 : memref<1x128xi32, #tpu.memory_space<vmem>> -> memref<128xi32, #tpu.memory_space<vmem>>
      %dma_wait3A_1213 = arith.constant 0 : i32
      %dma_wait3A_1214 = arith.constant 0 : i32
      %dma_wait3A_1215 = tpu.memref_slice %arg19[%dma_wait3A_1213, %dma_wait3A_1214] : memref<512x128xf32, #tpu.memory_space<vmem_shared>> -> memref<512x128xf32, #tpu.memory_space<vmem_shared>>
      tpu.wait_indirect_dma semaphore(%arg24 : memref<!tpu.dma_semaphore, #tpu.memory_space<semaphore_mem>>) src(%dma_wait3A_1215 : memref<512x128xf32, #tpu.memory_space<vmem_shared>>) dst(%dma_wait3A_1209 : memref<128x128xf32, #tpu.memory_space<vmem>>)
      %add3A_1216 = arith.constant 3 : i32
      %add3A_1217 = arith.addi %mul3A_595, %add3A_1216 : i32
      %add3A_1218 = arith.addi %add3A_5, %add3A_1217 : i32
      %mul3A_1219 = arith.constant 128 : i32
      %mul3A_1220 = arith.muli %add3A_1218, %mul3A_1219 : i32
      %multiple_of3A_1221 = tpu.assume_multiple %mul3A_1220, 8 : i32
      %dma_start3A_1222 = arith.constant 3 : i32
      %dma_start3A_1223 = arith.constant 0 : i32
      %dma_start3A_1224 = arith.constant 0 : i32
      %dma_start3A_1225 = tpu.memref_slice %arg9[%dma_start3A_1222, %dma_start3A_1223, %dma_start3A_1224] : memref<4x128x128xf32, #tpu.memory_space<vmem>> -> memref<1x128x128xf32, #tpu.memory_space<vmem>>
      %dma_start3A_1226 = tpu.memref_squeeze %dma_start3A_1225 : memref<1x128x128xf32, #tpu.memory_space<vmem>> -> memref<128x128xf32, #tpu.memory_space<vmem>>
      %dma_start3A_1227 = arith.constant 0 : i32
      %dma_start3A_1228 = tpu.memref_slice %arg5[%multiple_of3A_1221, %dma_start3A_1227] : memref<100000x128xf32, #tpu.memory_space<hbm>> -> memref<128x128xf32, #tpu.memory_space<hbm>>
      %dma_start3A_1229 = arith.constant 0 : i32
      %dma_start3A_1230 = tpu.memref_slice %arg5[%multiple_of3A_1221, %dma_start3A_1229] : memref<100000x128xf32, #tpu.memory_space<hbm>> -> memref<128x128xf32, #tpu.memory_space<hbm>>
      %dma_start3A_1231 = arith.constant 0 : i32
      %dma_start3A_1232 = arith.constant 0 : i32
      %dma_start3A_1233 = tpu.memref_slice %arg9[%dma_start3A_1222, %dma_start3A_1231, %dma_start3A_1232] : memref<4x128x128xf32, #tpu.memory_space<vmem>> -> memref<1x128x128xf32, #tpu.memory_space<vmem>>
      %dma_start3A_1234 = tpu.memref_squeeze %dma_start3A_1233 : memref<1x128x128xf32, #tpu.memory_space<vmem>> -> memref<128x128xf32, #tpu.memory_space<vmem>>
      tpu.enqueue_dma source(%dma_start3A_1234 : memref<128x128xf32, #tpu.memory_space<vmem>>) target(%dma_start3A_1230 : memref<128x128xf32, #tpu.memory_space<hbm>>) target_semaphore(%arg28 : memref<!tpu.dma_semaphore, #tpu.memory_space<semaphore_mem>>)
      %get3A_1235 = arith.index_cast %add3A_1217 : i32 to index
      %get3A_1236 = arith.constant 0 : index
      %get3A_1237 = tpu.vector_load %arg8[%get3A_1235, %get3A_1236] {strides = array<i32>} : memref<25x128xi32, #tpu.memory_space<vmem>>, vector<1x16xi32>,
      %get3A_1238 = vector.shape_cast %get3A_1237 : vector<1x16xi32> to vector<16xi32>
      %mul3A_1239 = arith.constant 512 : i32
      %mul3A_1240 = vector.broadcast %mul3A_1239 : i32 to vector<16xi32>
      %mul3A_1241 = arith.muli %get3A_1238, %mul3A_1240 : vector<16xi32>
      %get3A_1242 = arith.index_cast %add3A_1217 : i32 to index
      %get3A_1243 = arith.constant 0 : index
      %get3A_1244 = tpu.vector_load %arg7[%get3A_1242, %get3A_1243] {strides = array<i32>} : memref<25x128xi32, #tpu.memory_space<vmem>>, vector<1x16xi32>,
      %get3A_1245 = vector.shape_cast %get3A_1244 : vector<1x16xi32> to vector<16xi32>
      %add3A_1246 = arith.addi %mul3A_1241, %get3A_1245 : vector<16xi32>
      %swap3A_1247 = arith.constant 3 : i32
      %swap3A_1248 = arith.index_cast %swap3A_1247 : i32 to index
      %swap3A_1249 = arith.constant 0 : index
      %swap3A_1250 = tpu.vector_load %arg14[%swap3A_1248, %swap3A_1249] {strides = array<i32>} : memref<4x128xi32, #tpu.memory_space<vmem>>, vector<1x16xi32>,
      %swap3A_1251 = vector.shape_cast %swap3A_1250 : vector<1x16xi32> to vector<16xi32>
      %swap3A_1252 = vector.shape_cast %add3A_1246 : vector<16xi32> to vector<1x16xi32>
      tpu.vector_store %arg14[%swap3A_1248, %swap3A_1249], %swap3A_1252 {strides = array<i32>} : memref<4x128xi32, #tpu.memory_space<vmem>>, vector<1x16xi32>,
      %get3A_1253 = arith.index_cast %add3A_1217 : i32 to index
      %get3A_1254 = arith.constant 16 : index
      %get3A_1255 = tpu.vector_load %arg8[%get3A_1253, %get3A_1254] {strides = array<i32>} : memref<25x128xi32, #tpu.memory_space<vmem>>, vector<1x16xi32>,
      %get3A_1256 = vector.shape_cast %get3A_1255 : vector<1x16xi32> to vector<16xi32>
      %mul3A_1257 = arith.constant 512 : i32
      %mul3A_1258 = vector.broadcast %mul3A_1257 : i32 to vector<16xi32>
      %mul3A_1259 = arith.muli %get3A_1256, %mul3A_1258 : vector<16xi32>
      %get3A_1260 = arith.index_cast %add3A_1217 : i32 to index
      %get3A_1261 = arith.constant 16 : index
      %get3A_1262 = tpu.vector_load %arg7[%get3A_1260, %get3A_1261] {strides = array<i32>} : memref<25x128xi32, #tpu.memory_space<vmem>>, vector<1x16xi32>,
      %get3A_1263 = vector.shape_cast %get3A_1262 : vector<1x16xi32> to vector<16xi32>
      %add3A_1264 = arith.addi %mul3A_1259, %get3A_1263 : vector<16xi32>
      %swap3A_1265 = arith.constant 3 : i32
      %swap3A_1266 = arith.index_cast %swap3A_1265 : i32 to index
      %swap3A_1267 = arith.constant 16 : index
      %swap3A_1268 = tpu.vector_load %arg14[%swap3A_1266, %swap3A_1267] {strides = array<i32>} : memref<4x128xi32, #tpu.memory_space<vmem>>, vector<1x16xi32>,
      %swap3A_1269 = vector.shape_cast %swap3A_1268 : vector<1x16xi32> to vector<16xi32>
      %swap3A_1270 = vector.shape_cast %add3A_1264 : vector<16xi32> to vector<1x16xi32>
      tpu.vector_store %arg14[%swap3A_1266, %swap3A_1267], %swap3A_1270 {strides = array<i32>} : memref<4x128xi32, #tpu.memory_space<vmem>>, vector<1x16xi32>,
      %get3A_1271 = arith.index_cast %add3A_1217 : i32 to index
      %get3A_1272 = arith.constant 32 : index
      %get3A_1273 = tpu.vector_load %arg8[%get3A_1271, %get3A_1272] {strides = array<i32>} : memref<25x128xi32, #tpu.memory_space<vmem>>, vector<1x16xi32>,
      %get3A_1274 = vector.shape_cast %get3A_1273 : vector<1x16xi32> to vector<16xi32>
      %mul3A_1275 = arith.constant 512 : i32
      %mul3A_1276 = vector.broadcast %mul3A_1275 : i32 to vector<16xi32>
      %mul3A_1277 = arith.muli %get3A_1274, %mul3A_1276 : vector<16xi32>
      %get3A_1278 = arith.index_cast %add3A_1217 : i32 to index
      %get3A_1279 = arith.constant 32 : index
      %get3A_1280 = tpu.vector_load %arg7[%get3A_1278, %get3A_1279] {strides = array<i32>} : memref<25x128xi32, #tpu.memory_space<vmem>>, vector<1x16xi32>,
      %get3A_1281 = vector.shape_cast %get3A_1280 : vector<1x16xi32> to vector<16xi32>
      %add3A_1282 = arith.addi %mul3A_1277, %get3A_1281 : vector<16xi32>
      %swap3A_1283 = arith.constant 3 : i32
      %swap3A_1284 = arith.index_cast %swap3A_1283 : i32 to index
      %swap3A_1285 = arith.constant 32 : index
      %swap3A_1286 = tpu.vector_load %arg14[%swap3A_1284, %swap3A_1285] {strides = array<i32>} : memref<4x128xi32, #tpu.memory_space<vmem>>, vector<1x16xi32>,
      %swap3A_1287 = vector.shape_cast %swap3A_1286 : vector<1x16xi32> to vector<16xi32>
      %swap3A_1288 = vector.shape_cast %add3A_1282 : vector<16xi32> to vector<1x16xi32>
      tpu.vector_store %arg14[%swap3A_1284, %swap3A_1285], %swap3A_1288 {strides = array<i32>} : memref<4x128xi32, #tpu.memory_space<vmem>>, vector<1x16xi32>,
      %get3A_1289 = arith.index_cast %add3A_1217 : i32 to index
      %get3A_1290 = arith.constant 48 : index
      %get3A_1291 = tpu.vector_load %arg8[%get3A_1289, %get3A_1290] {strides = array<i32>} : memref<25x128xi32, #tpu.memory_space<vmem>>, vector<1x16xi32>,
      %get3A_1292 = vector.shape_cast %get3A_1291 : vector<1x16xi32> to vector<16xi32>
      %mul3A_1293 = arith.constant 512 : i32
      %mul3A_1294 = vector.broadcast %mul3A_1293 : i32 to vector<16xi32>
      %mul3A_1295 = arith.muli %get3A_1292, %mul3A_1294 : vector<16xi32>
      %get3A_1296 = arith.index_cast %add3A_1217 : i32 to index
      %get3A_1297 = arith.constant 48 : index
      %get3A_1298 = tpu.vector_load %arg7[%get3A_1296, %get3A_1297] {strides = array<i32>} : memref<25x128xi32, #tpu.memory_space<vmem>>, vector<1x16xi32>,
      %get3A_1299 = vector.shape_cast %get3A_1298 : vector<1x16xi32> to vector<16xi32>
      %add3A_1300 = arith.addi %mul3A_1295, %get3A_1299 : vector<16xi32>
      %swap3A_1301 = arith.constant 3 : i32
      %swap3A_1302 = arith.index_cast %swap3A_1301 : i32 to index
      %swap3A_1303 = arith.constant 48 : index
      %swap3A_1304 = tpu.vector_load %arg14[%swap3A_1302, %swap3A_1303] {strides = array<i32>} : memref<4x128xi32, #tpu.memory_space<vmem>>, vector<1x16xi32>,
      %swap3A_1305 = vector.shape_cast %swap3A_1304 : vector<1x16xi32> to vector<16xi32>
      %swap3A_1306 = vector.shape_cast %add3A_1300 : vector<16xi32> to vector<1x16xi32>
      tpu.vector_store %arg14[%swap3A_1302, %swap3A_1303], %swap3A_1306 {strides = array<i32>} : memref<4x128xi32, #tpu.memory_space<vmem>>, vector<1x16xi32>,
      %get3A_1307 = arith.index_cast %add3A_1217 : i32 to index
      %get3A_1308 = arith.constant 64 : index
      %get3A_1309 = tpu.vector_load %arg8[%get3A_1307, %get3A_1308] {strides = array<i32>} : memref<25x128xi32, #tpu.memory_space<vmem>>, vector<1x16xi32>,
      %get3A_1310 = vector.shape_cast %get3A_1309 : vector<1x16xi32> to vector<16xi32>
      %mul3A_1311 = arith.constant 512 : i32
      %mul3A_1312 = vector.broadcast %mul3A_1311 : i32 to vector<16xi32>
      %mul3A_1313 = arith.muli %get3A_1310, %mul3A_1312 : vector<16xi32>
      %get3A_1314 = arith.index_cast %add3A_1217 : i32 to index
      %get3A_1315 = arith.constant 64 : index
      %get3A_1316 = tpu.vector_load %arg7[%get3A_1314, %get3A_1315] {strides = array<i32>} : memref<25x128xi32, #tpu.memory_space<vmem>>, vector<1x16xi32>,
      %get3A_1317 = vector.shape_cast %get3A_1316 : vector<1x16xi32> to vector<16xi32>
      %add3A_1318 = arith.addi %mul3A_1313, %get3A_1317 : vector<16xi32>
      %swap3A_1319 = arith.constant 3 : i32
      %swap3A_1320 = arith.index_cast %swap3A_1319 : i32 to index
      %swap3A_1321 = arith.constant 64 : index
      %swap3A_1322 = tpu.vector_load %arg14[%swap3A_1320, %swap3A_1321] {strides = array<i32>} : memref<4x128xi32, #tpu.memory_space<vmem>>, vector<1x16xi32>,
      %swap3A_1323 = vector.shape_cast %swap3A_1322 : vector<1x16xi32> to vector<16xi32>
      %swap3A_1324 = vector.shape_cast %add3A_1318 : vector<16xi32> to vector<1x16xi32>
      tpu.vector_store %arg14[%swap3A_1320, %swap3A_1321], %swap3A_1324 {strides = array<i32>} : memref<4x128xi32, #tpu.memory_space<vmem>>, vector<1x16xi32>,
      %get3A_1325 = arith.index_cast %add3A_1217 : i32 to index
      %get3A_1326 = arith.constant 80 : index
      %get3A_1327 = tpu.vector_load %arg8[%get3A_1325, %get3A_1326] {strides = array<i32>} : memref<25x128xi32, #tpu.memory_space<vmem>>, vector<1x16xi32>,
      %get3A_1328 = vector.shape_cast %get3A_1327 : vector<1x16xi32> to vector<16xi32>
      %mul3A_1329 = arith.constant 512 : i32
      %mul3A_1330 = vector.broadcast %mul3A_1329 : i32 to vector<16xi32>
      %mul3A_1331 = arith.muli %get3A_1328, %mul3A_1330 : vector<16xi32>
      %get3A_1332 = arith.index_cast %add3A_1217 : i32 to index
      %get3A_1333 = arith.constant 80 : index
      %get3A_1334 = tpu.vector_load %arg7[%get3A_1332, %get3A_1333] {strides = array<i32>} : memref<25x128xi32, #tpu.memory_space<vmem>>, vector<1x16xi32>,
      %get3A_1335 = vector.shape_cast %get3A_1334 : vector<1x16xi32> to vector<16xi32>
      %add3A_1336 = arith.addi %mul3A_1331, %get3A_1335 : vector<16xi32>
      %swap3A_1337 = arith.constant 3 : i32
      %swap3A_1338 = arith.index_cast %swap3A_1337 : i32 to index
      %swap3A_1339 = arith.constant 80 : index
      %swap3A_1340 = tpu.vector_load %arg14[%swap3A_1338, %swap3A_1339] {strides = array<i32>} : memref<4x128xi32, #tpu.memory_space<vmem>>, vector<1x16xi32>,
      %swap3A_1341 = vector.shape_cast %swap3A_1340 : vector<1x16xi32> to vector<16xi32>
      %swap3A_1342 = vector.shape_cast %add3A_1336 : vector<16xi32> to vector<1x16xi32>
      tpu.vector_store %arg14[%swap3A_1338, %swap3A_1339], %swap3A_1342 {strides = array<i32>} : memref<4x128xi32, #tpu.memory_space<vmem>>, vector<1x16xi32>,
      %get3A_1343 = arith.index_cast %add3A_1217 : i32 to index
      %get3A_1344 = arith.constant 96 : index
      %get3A_1345 = tpu.vector_load %arg8[%get3A_1343, %get3A_1344] {strides = array<i32>} : memref<25x128xi32, #tpu.memory_space<vmem>>, vector<1x16xi32>,
      %get3A_1346 = vector.shape_cast %get3A_1345 : vector<1x16xi32> to vector<16xi32>
      %mul3A_1347 = arith.constant 512 : i32
      %mul3A_1348 = vector.broadcast %mul3A_1347 : i32 to vector<16xi32>
      %mul3A_1349 = arith.muli %get3A_1346, %mul3A_1348 : vector<16xi32>
      %get3A_1350 = arith.index_cast %add3A_1217 : i32 to index
      %get3A_1351 = arith.constant 96 : index
      %get3A_1352 = tpu.vector_load %arg7[%get3A_1350, %get3A_1351] {strides = array<i32>} : memref<25x128xi32, #tpu.memory_space<vmem>>, vector<1x16xi32>,
      %get3A_1353 = vector.shape_cast %get3A_1352 : vector<1x16xi32> to vector<16xi32>
      %add3A_1354 = arith.addi %mul3A_1349, %get3A_1353 : vector<16xi32>
      %swap3A_1355 = arith.constant 3 : i32
      %swap3A_1356 = arith.index_cast %swap3A_1355 : i32 to index
      %swap3A_1357 = arith.constant 96 : index
      %swap3A_1358 = tpu.vector_load %arg14[%swap3A_1356, %swap3A_1357] {strides = array<i32>} : memref<4x128xi32, #tpu.memory_space<vmem>>, vector<1x16xi32>,
      %swap3A_1359 = vector.shape_cast %swap3A_1358 : vector<1x16xi32> to vector<16xi32>
      %swap3A_1360 = vector.shape_cast %add3A_1354 : vector<16xi32> to vector<1x16xi32>
      tpu.vector_store %arg14[%swap3A_1356, %swap3A_1357], %swap3A_1360 {strides = array<i32>} : memref<4x128xi32, #tpu.memory_space<vmem>>, vector<1x16xi32>,
      %get3A_1361 = arith.index_cast %add3A_1217 : i32 to index
      %get3A_1362 = arith.constant 112 : index
      %get3A_1363 = tpu.vector_load %arg8[%get3A_1361, %get3A_1362] {strides = array<i32>} : memref<25x128xi32, #tpu.memory_space<vmem>>, vector<1x16xi32>,
      %get3A_1364 = vector.shape_cast %get3A_1363 : vector<1x16xi32> to vector<16xi32>
      %mul3A_1365 = arith.constant 512 : i32
      %mul3A_1366 = vector.broadcast %mul3A_1365 : i32 to vector<16xi32>
      %mul3A_1367 = arith.muli %get3A_1364, %mul3A_1366 : vector<16xi32>
      %get3A_1368 = arith.index_cast %add3A_1217 : i32 to index
      %get3A_1369 = arith.constant 112 : index
      %get3A_1370 = tpu.vector_load %arg7[%get3A_1368, %get3A_1369] {strides = array<i32>} : memref<25x128xi32, #tpu.memory_space<vmem>>, vector<1x16xi32>,
      %get3A_1371 = vector.shape_cast %get3A_1370 : vector<1x16xi32> to vector<16xi32>
      %add3A_1372 = arith.addi %mul3A_1367, %get3A_1371 : vector<16xi32>
      %swap3A_1373 = arith.constant 3 : i32
      %swap3A_1374 = arith.index_cast %swap3A_1373 : i32 to index
      %swap3A_1375 = arith.constant 112 : index
      %swap3A_1376 = tpu.vector_load %arg14[%swap3A_1374, %swap3A_1375] {strides = array<i32>} : memref<4x128xi32, #tpu.memory_space<vmem>>, vector<1x16xi32>,
      %swap3A_1377 = vector.shape_cast %swap3A_1376 : vector<1x16xi32> to vector<16xi32>
      %swap3A_1378 = vector.shape_cast %add3A_1372 : vector<16xi32> to vector<1x16xi32>
      tpu.vector_store %arg14[%swap3A_1374, %swap3A_1375], %swap3A_1378 {strides = array<i32>} : memref<4x128xi32, #tpu.memory_space<vmem>>, vector<1x16xi32>,
      %dma_start3A_1379 = arith.constant 3 : i32
      %dma_start3A_1380 = arith.constant 0 : i32
      %dma_start3A_1381 = tpu.memref_slice %arg14[%dma_start3A_1379, %dma_start3A_1380] : memref<4x128xi32, #tpu.memory_space<vmem>> -> memref<1x128xi32, #tpu.memory_space<vmem>>
      %dma_start3A_1382 = tpu.memref_squeeze %dma_start3A_1381 : memref<1x128xi32, #tpu.memory_space<vmem>> -> memref<128xi32, #tpu.memory_space<vmem>>
      %dma_start3A_1383 = arith.constant 0 : i32
      %dma_start3A_1384 = tpu.memref_slice %arg18[%dma_start3A_1383] : memref<131072xf32, #tpu.memory_space<vmem_shared>> -> memref<131072xf32, #tpu.memory_space<vmem_shared>>
      tpu.enqueue_indirect_dma source(%arg15 : memref<128xf32, #tpu.memory_space<vmem>>) target(%dma_start3A_1384 : memref<131072xf32, #tpu.memory_space<vmem_shared>>) offsets(%dma_start3A_1382 : memref<128xi32, #tpu.memory_space<vmem>>) semaphore(%arg32 : memref<!tpu.dma_semaphore, #tpu.memory_space<semaphore_mem>>) {add = true}
    }
    %scan3A_39 = arith.constant 6 : i32
    %add3A_40 = arith.constant 20 : i32
    %add3A_41 = arith.addi %add3A_5, %add3A_40 : i32
    %mul3A_42 = arith.constant 128 : i32
    %mul3A_43 = arith.muli %add3A_41, %mul3A_42 : i32
    %multiple_of3A = tpu.assume_multiple %mul3A_43, 8 : i32
    %dma_wait3A = arith.constant 0 : i32
    %dma_wait3A_44 = arith.constant 0 : i32
    %dma_wait3A_45 = arith.constant 0 : i32
    %dma_wait3A_46 = tpu.memref_slice %arg9[%dma_wait3A, %dma_wait3A_44, %dma_wait3A_45] : memref<4x128x128xf32, #tpu.memory_space<vmem>> -> memref<1x128x128xf32, #tpu.memory_space<vmem>>
    %dma_wait3A_47 = tpu.memref_squeeze %dma_wait3A_46 : memref<1x128x128xf32, #tpu.memory_space<vmem>> -> memref<128x128xf32, #tpu.memory_space<vmem>>
    %dma_wait3A_48 = arith.constant 0 : i32
    %dma_wait3A_49 = tpu.memref_slice %arg5[%multiple_of3A, %dma_wait3A_48] : memref<100000x128xf32, #tpu.memory_space<hbm>> -> memref<128x128xf32, #tpu.memory_space<hbm>>
    %dma_wait3A_50 = arith.constant 0 : i32
    %dma_wait3A_51 = tpu.memref_slice %arg5[%multiple_of3A, %dma_wait3A_50] : memref<100000x128xf32, #tpu.memory_space<hbm>> -> memref<128x128xf32, #tpu.memory_space<hbm>>
    %dma_wait3A_52 = arith.constant 0 : i32
    %dma_wait3A_53 = arith.constant 0 : i32
    %dma_wait3A_54 = tpu.memref_slice %arg9[%dma_wait3A, %dma_wait3A_52, %dma_wait3A_53] : memref<4x128x128xf32, #tpu.memory_space<vmem>> -> memref<1x128x128xf32, #tpu.memory_space<vmem>>
    %dma_wait3A_55 = tpu.memref_squeeze %dma_wait3A_54 : memref<1x128x128xf32, #tpu.memory_space<vmem>> -> memref<128x128xf32, #tpu.memory_space<vmem>>
    tpu.wait_dma2 semaphore(%arg25 : memref<!tpu.dma_semaphore, #tpu.memory_space<semaphore_mem>>) src(%dma_wait3A_55 : memref<128x128xf32, #tpu.memory_space<vmem>>) dst(%dma_wait3A_51 : memref<128x128xf32, #tpu.memory_space<hbm>>)
    %dma_wait3A_56 = arith.constant 0 : i32
    %dma_wait3A_57 = arith.constant 0 : i32
    %dma_wait3A_58 = tpu.memref_slice %arg14[%dma_wait3A_56, %dma_wait3A_57] : memref<4x128xi32, #tpu.memory_space<vmem>> -> memref<1x128xi32, #tpu.memory_space<vmem>>
    %dma_wait3A_59 = tpu.memref_squeeze %dma_wait3A_58 : memref<1x128xi32, #tpu.memory_space<vmem>> -> memref<128xi32, #tpu.memory_space<vmem>>
    %dma_wait3A_60 = arith.constant 0 : i32
    %dma_wait3A_61 = tpu.memref_slice %arg18[%dma_wait3A_60] : memref<131072xf32, #tpu.memory_space<vmem_shared>> -> memref<131072xf32, #tpu.memory_space<vmem_shared>>
    tpu.wait_indirect_dma semaphore(%arg29 : memref<!tpu.dma_semaphore, #tpu.memory_space<semaphore_mem>>) src(%arg15 : memref<128xf32, #tpu.memory_space<vmem>>) dst(%dma_wait3A_61 : memref<131072xf32, #tpu.memory_space<vmem_shared>>)
    %add3A_62 = arith.constant 21 : i32
    %add3A_63 = arith.addi %add3A_5, %add3A_62 : i32
    %mul3A_64 = arith.constant 128 : i32
    %mul3A_65 = arith.muli %add3A_63, %mul3A_64 : i32
    %multiple_of3A_66 = tpu.assume_multiple %mul3A_65, 8 : i32
    %dma_wait3A_67 = arith.constant 1 : i32
    %dma_wait3A_68 = arith.constant 0 : i32
    %dma_wait3A_69 = arith.constant 0 : i32
    %dma_wait3A_70 = tpu.memref_slice %arg9[%dma_wait3A_67, %dma_wait3A_68, %dma_wait3A_69] : memref<4x128x128xf32, #tpu.memory_space<vmem>> -> memref<1x128x128xf32, #tpu.memory_space<vmem>>
    %dma_wait3A_71 = tpu.memref_squeeze %dma_wait3A_70 : memref<1x128x128xf32, #tpu.memory_space<vmem>> -> memref<128x128xf32, #tpu.memory_space<vmem>>
    %dma_wait3A_72 = arith.constant 0 : i32
    %dma_wait3A_73 = tpu.memref_slice %arg5[%multiple_of3A_66, %dma_wait3A_72] : memref<100000x128xf32, #tpu.memory_space<hbm>> -> memref<128x128xf32, #tpu.memory_space<hbm>>
    %dma_wait3A_74 = arith.constant 0 : i32
    %dma_wait3A_75 = tpu.memref_slice %arg5[%multiple_of3A_66, %dma_wait3A_74] : memref<100000x128xf32, #tpu.memory_space<hbm>> -> memref<128x128xf32, #tpu.memory_space<hbm>>
    %dma_wait3A_76 = arith.constant 0 : i32
    %dma_wait3A_77 = arith.constant 0 : i32
    %dma_wait3A_78 = tpu.memref_slice %arg9[%dma_wait3A_67, %dma_wait3A_76, %dma_wait3A_77] : memref<4x128x128xf32, #tpu.memory_space<vmem>> -> memref<1x128x128xf32, #tpu.memory_space<vmem>>
    %dma_wait3A_79 = tpu.memref_squeeze %dma_wait3A_78 : memref<1x128x128xf32, #tpu.memory_space<vmem>> -> memref<128x128xf32, #tpu.memory_space<vmem>>
    tpu.wait_dma2 semaphore(%arg26 : memref<!tpu.dma_semaphore, #tpu.memory_space<semaphore_mem>>) src(%dma_wait3A_79 : memref<128x128xf32, #tpu.memory_space<vmem>>) dst(%dma_wait3A_75 : memref<128x128xf32, #tpu.memory_space<hbm>>)
    %dma_wait3A_80 = arith.constant 1 : i32
    %dma_wait3A_81 = arith.constant 0 : i32
    %dma_wait3A_82 = tpu.memref_slice %arg14[%dma_wait3A_80, %dma_wait3A_81] : memref<4x128xi32, #tpu.memory_space<vmem>> -> memref<1x128xi32, #tpu.memory_space<vmem>>
    %dma_wait3A_83 = tpu.memref_squeeze %dma_wait3A_82 : memref<1x128xi32, #tpu.memory_space<vmem>> -> memref<128xi32, #tpu.memory_space<vmem>>
    %dma_wait3A_84 = arith.constant 0 : i32
    %dma_wait3A_85 = tpu.memref_slice %arg18[%dma_wait3A_84] : memref<131072xf32, #tpu.memory_space<vmem_shared>> -> memref<131072xf32, #tpu.memory_space<vmem_shared>>
    tpu.wait_indirect_dma semaphore(%arg30 : memref<!tpu.dma_semaphore, #tpu.memory_space<semaphore_mem>>) src(%arg15 : memref<128xf32, #tpu.memory_space<vmem>>) dst(%dma_wait3A_85 : memref<131072xf32, #tpu.memory_space<vmem_shared>>)
    %add3A_86 = arith.constant 22 : i32
    %add3A_87 = arith.addi %add3A_5, %add3A_86 : i32
    %mul3A_88 = arith.constant 128 : i32
    %mul3A_89 = arith.muli %add3A_87, %mul3A_88 : i32
    %multiple_of3A_90 = tpu.assume_multiple %mul3A_89, 8 : i32
    %dma_wait3A_91 = arith.constant 2 : i32
    %dma_wait3A_92 = arith.constant 0 : i32
    %dma_wait3A_93 = arith.constant 0 : i32
    %dma_wait3A_94 = tpu.memref_slice %arg9[%dma_wait3A_91, %dma_wait3A_92, %dma_wait3A_93] : memref<4x128x128xf32, #tpu.memory_space<vmem>> -> memref<1x128x128xf32, #tpu.memory_space<vmem>>
    %dma_wait3A_95 = tpu.memref_squeeze %dma_wait3A_94 : memref<1x128x128xf32, #tpu.memory_space<vmem>> -> memref<128x128xf32, #tpu.memory_space<vmem>>
    %dma_wait3A_96 = arith.constant 0 : i32
    %dma_wait3A_97 = tpu.memref_slice %arg5[%multiple_of3A_90, %dma_wait3A_96] : memref<100000x128xf32, #tpu.memory_space<hbm>> -> memref<128x128xf32, #tpu.memory_space<hbm>>
    %dma_wait3A_98 = arith.constant 0 : i32
    %dma_wait3A_99 = tpu.memref_slice %arg5[%multiple_of3A_90, %dma_wait3A_98] : memref<100000x128xf32, #tpu.memory_space<hbm>> -> memref<128x128xf32, #tpu.memory_space<hbm>>
    %dma_wait3A_100 = arith.constant 0 : i32
    %dma_wait3A_101 = arith.constant 0 : i32
    %dma_wait3A_102 = tpu.memref_slice %arg9[%dma_wait3A_91, %dma_wait3A_100, %dma_wait3A_101] : memref<4x128x128xf32, #tpu.memory_space<vmem>> -> memref<1x128x128xf32, #tpu.memory_space<vmem>>
    %dma_wait3A_103 = tpu.memref_squeeze %dma_wait3A_102 : memref<1x128x128xf32, #tpu.memory_space<vmem>> -> memref<128x128xf32, #tpu.memory_space<vmem>>
    tpu.wait_dma2 semaphore(%arg27 : memref<!tpu.dma_semaphore, #tpu.memory_space<semaphore_mem>>) src(%dma_wait3A_103 : memref<128x128xf32, #tpu.memory_space<vmem>>) dst(%dma_wait3A_99 : memref<128x128xf32, #tpu.memory_space<hbm>>)
    %dma_wait3A_104 = arith.constant 2 : i32
    %dma_wait3A_105 = arith.constant 0 : i32
    %dma_wait3A_106 = tpu.memref_slice %arg14[%dma_wait3A_104, %dma_wait3A_105] : memref<4x128xi32, #tpu.memory_space<vmem>> -> memref<1x128xi32, #tpu.memory_space<vmem>>
    %dma_wait3A_107 = tpu.memref_squeeze %dma_wait3A_106 : memref<1x128xi32, #tpu.memory_space<vmem>> -> memref<128xi32, #tpu.memory_space<vmem>>
    %dma_wait3A_108 = arith.constant 0 : i32
    %dma_wait3A_109 = tpu.memref_slice %arg18[%dma_wait3A_108] : memref<131072xf32, #tpu.memory_space<vmem_shared>> -> memref<131072xf32, #tpu.memory_space<vmem_shared>>
    tpu.wait_indirect_dma semaphore(%arg31 : memref<!tpu.dma_semaphore, #tpu.memory_space<semaphore_mem>>) src(%arg15 : memref<128xf32, #tpu.memory_space<vmem>>) dst(%dma_wait3A_109 : memref<131072xf32, #tpu.memory_space<vmem_shared>>)
    %add3A_110 = arith.constant 23 : i32
    %add3A_111 = arith.addi %add3A_5, %add3A_110 : i32
    %mul3A_112 = arith.constant 128 : i32
    %mul3A_113 = arith.muli %add3A_111, %mul3A_112 : i32
    %multiple_of3A_114 = tpu.assume_multiple %mul3A_113, 8 : i32
    %dma_wait3A_115 = arith.constant 3 : i32
    %dma_wait3A_116 = arith.constant 0 : i32
    %dma_wait3A_117 = arith.constant 0 : i32
    %dma_wait3A_118 = tpu.memref_slice %arg9[%dma_wait3A_115, %dma_wait3A_116, %dma_wait3A_117] : memref<4x128x128xf32, #tpu.memory_space<vmem>> -> memref<1x128x128xf32, #tpu.memory_space<vmem>>
    %dma_wait3A_119 = tpu.memref_squeeze %dma_wait3A_118 : memref<1x128x128xf32, #tpu.memory_space<vmem>> -> memref<128x128xf32, #tpu.memory_space<vmem>>
    %dma_wait3A_120 = arith.constant 0 : i32
    %dma_wait3A_121 = tpu.memref_slice %arg5[%multiple_of3A_114, %dma_wait3A_120] : memref<100000x128xf32, #tpu.memory_space<hbm>> -> memref<128x128xf32, #tpu.memory_space<hbm>>
    %dma_wait3A_122 = arith.constant 0 : i32
    %dma_wait3A_123 = tpu.memref_slice %arg5[%multiple_of3A_114, %dma_wait3A_122] : memref<100000x128xf32, #tpu.memory_space<hbm>> -> memref<128x128xf32, #tpu.memory_space<hbm>>
    %dma_wait3A_124 = arith.constant 0 : i32
    %dma_wait3A_125 = arith.constant 0 : i32
    %dma_wait3A_126 = tpu.memref_slice %arg9[%dma_wait3A_115, %dma_wait3A_124, %dma_wait3A_125] : memref<4x128x128xf32, #tpu.memory_space<vmem>> -> memref<1x128x128xf32, #tpu.memory_space<vmem>>
    %dma_wait3A_127 = tpu.memref_squeeze %dma_wait3A_126 : memref<1x128x128xf32, #tpu.memory_space<vmem>> -> memref<128x128xf32, #tpu.memory_space<vmem>>
    tpu.wait_dma2 semaphore(%arg28 : memref<!tpu.dma_semaphore, #tpu.memory_space<semaphore_mem>>) src(%dma_wait3A_127 : memref<128x128xf32, #tpu.memory_space<vmem>>) dst(%dma_wait3A_123 : memref<128x128xf32, #tpu.memory_space<hbm>>)
    %dma_wait3A_128 = arith.constant 3 : i32
    %dma_wait3A_129 = arith.constant 0 : i32
    %dma_wait3A_130 = tpu.memref_slice %arg14[%dma_wait3A_128, %dma_wait3A_129] : memref<4x128xi32, #tpu.memory_space<vmem>> -> memref<1x128xi32, #tpu.memory_space<vmem>>
    %dma_wait3A_131 = tpu.memref_squeeze %dma_wait3A_130 : memref<1x128xi32, #tpu.memory_space<vmem>> -> memref<128xi32, #tpu.memory_space<vmem>>
    %dma_wait3A_132 = arith.constant 0 : i32
    %dma_wait3A_133 = tpu.memref_slice %arg18[%dma_wait3A_132] : memref<131072xf32, #tpu.memory_space<vmem_shared>> -> memref<131072xf32, #tpu.memory_space<vmem_shared>>
    tpu.wait_indirect_dma semaphore(%arg32 : memref<!tpu.dma_semaphore, #tpu.memory_space<semaphore_mem>>) src(%arg15 : memref<128xf32, #tpu.memory_space<vmem>>) dst(%dma_wait3A_133 : memref<131072xf32, #tpu.memory_space<vmem_shared>>)
    %convert_element_type3A_134 = arith.extui %lt3A_1 : i1 to i32
    %cond3A_135 = arith.constant 0 : i32
    %cond3A_136 = arith.cmpi ne, %convert_element_type3A_134, %cond3A_135 : i32
    scf.if %cond3A_136 {
      %dma_start3A_589 = arith.constant 24 : i32
      %dma_start3A_590 = arith.constant 0 : i32
      %dma_start3A_591 = arith.constant 0 : i32
      %dma_start3A_592 = arith.constant 0 : i32
      %dma_start3A_593 = tpu.memref_slice %arg9[%dma_start3A_590, %dma_start3A_591, %dma_start3A_592] : memref<4x128x128xf32, #tpu.memory_space<vmem>> -> memref<1x128x128xf32, #tpu.memory_space<vmem>>
      %dma_start3A_594 = tpu.memref_squeeze %dma_start3A_593 : memref<1x128x128xf32, #tpu.memory_space<vmem>> -> memref<128x128xf32, #tpu.memory_space<vmem>>
      %dma_start3A_595 = arith.constant 0 : i32
      %dma_start3A_596 = tpu.memref_slice %arg7[%dma_start3A_589, %dma_start3A_595] : memref<25x128xi32, #tpu.memory_space<vmem>> -> memref<1x128xi32, #tpu.memory_space<vmem>>
      %dma_start3A_597 = tpu.memref_squeeze %dma_start3A_596 : memref<1x128xi32, #tpu.memory_space<vmem>> -> memref<128xi32, #tpu.memory_space<vmem>>
      %dma_start3A_598 = arith.constant 0 : i32
      %dma_start3A_599 = arith.constant 0 : i32
      %dma_start3A_600 = tpu.memref_slice %arg19[%dma_start3A_598, %dma_start3A_599] : memref<512x128xf32, #tpu.memory_space<vmem_shared>> -> memref<512x128xf32, #tpu.memory_space<vmem_shared>>
      tpu.enqueue_indirect_dma source(%dma_start3A_600 : memref<512x128xf32, #tpu.memory_space<vmem_shared>>) target(%dma_start3A_594 : memref<128x128xf32, #tpu.memory_space<vmem>>) offsets(%dma_start3A_597 : memref<128xi32, #tpu.memory_space<vmem>>) semaphore(%arg21 : memref<!tpu.dma_semaphore, #tpu.memory_space<semaphore_mem>>)
      %dma_wait3A_601 = arith.constant 24 : i32
      %dma_wait3A_602 = arith.constant 0 : i32
      %dma_wait3A_603 = arith.constant 0 : i32
      %dma_wait3A_604 = arith.constant 0 : i32
      %dma_wait3A_605 = tpu.memref_slice %arg9[%dma_wait3A_602, %dma_wait3A_603, %dma_wait3A_604] : memref<4x128x128xf32, #tpu.memory_space<vmem>> -> memref<1x128x128xf32, #tpu.memory_space<vmem>>
      %dma_wait3A_606 = tpu.memref_squeeze %dma_wait3A_605 : memref<1x128x128xf32, #tpu.memory_space<vmem>> -> memref<128x128xf32, #tpu.memory_space<vmem>>
      %dma_wait3A_607 = arith.constant 0 : i32
      %dma_wait3A_608 = tpu.memref_slice %arg7[%dma_wait3A_601, %dma_wait3A_607] : memref<25x128xi32, #tpu.memory_space<vmem>> -> memref<1x128xi32, #tpu.memory_space<vmem>>
      %dma_wait3A_609 = tpu.memref_squeeze %dma_wait3A_608 : memref<1x128xi32, #tpu.memory_space<vmem>> -> memref<128xi32, #tpu.memory_space<vmem>>
      %dma_wait3A_610 = arith.constant 0 : i32
      %dma_wait3A_611 = arith.constant 0 : i32
      %dma_wait3A_612 = tpu.memref_slice %arg19[%dma_wait3A_610, %dma_wait3A_611] : memref<512x128xf32, #tpu.memory_space<vmem_shared>> -> memref<512x128xf32, #tpu.memory_space<vmem_shared>>
      tpu.wait_indirect_dma semaphore(%arg21 : memref<!tpu.dma_semaphore, #tpu.memory_space<semaphore_mem>>) src(%dma_wait3A_612 : memref<512x128xf32, #tpu.memory_space<vmem_shared>>) dst(%dma_wait3A_606 : memref<128x128xf32, #tpu.memory_space<vmem>>)
      %add3A_613 = arith.constant 24 : i32
      %add3A_614 = arith.addi %add3A_5, %add3A_613 : i32
      %mul3A_615 = arith.constant 128 : i32
      %mul3A_616 = arith.muli %add3A_614, %mul3A_615 : i32
      %multiple_of3A_617 = tpu.assume_multiple %mul3A_616, 8 : i32
      %dma_start3A_618 = arith.constant 0 : i32
      %dma_start3A_619 = arith.constant 0 : i32
      %dma_start3A_620 = arith.constant 0 : i32
      %dma_start3A_621 = tpu.memref_slice %arg9[%dma_start3A_618, %dma_start3A_619, %dma_start3A_620] : memref<4x128x128xf32, #tpu.memory_space<vmem>> -> memref<1x128x128xf32, #tpu.memory_space<vmem>>
      %dma_start3A_622 = tpu.memref_squeeze %dma_start3A_621 : memref<1x128x128xf32, #tpu.memory_space<vmem>> -> memref<128x128xf32, #tpu.memory_space<vmem>>
      %dma_start3A_623 = arith.constant 0 : i32
      %dma_start3A_624 = tpu.memref_slice %arg5[%multiple_of3A_617, %dma_start3A_623] : memref<100000x128xf32, #tpu.memory_space<hbm>> -> memref<128x128xf32, #tpu.memory_space<hbm>>
      %dma_start3A_625 = arith.constant 0 : i32
      %dma_start3A_626 = tpu.memref_slice %arg5[%multiple_of3A_617, %dma_start3A_625] : memref<100000x128xf32, #tpu.memory_space<hbm>> -> memref<128x128xf32, #tpu.memory_space<hbm>>
      %dma_start3A_627 = arith.constant 0 : i32
      %dma_start3A_628 = arith.constant 0 : i32
      %dma_start3A_629 = tpu.memref_slice %arg9[%dma_start3A_618, %dma_start3A_627, %dma_start3A_628] : memref<4x128x128xf32, #tpu.memory_space<vmem>> -> memref<1x128x128xf32, #tpu.memory_space<vmem>>
      %dma_start3A_630 = tpu.memref_squeeze %dma_start3A_629 : memref<1x128x128xf32, #tpu.memory_space<vmem>> -> memref<128x128xf32, #tpu.memory_space<vmem>>
      tpu.enqueue_dma source(%dma_start3A_630 : memref<128x128xf32, #tpu.memory_space<vmem>>) target(%dma_start3A_626 : memref<128x128xf32, #tpu.memory_space<hbm>>) target_semaphore(%arg25 : memref<!tpu.dma_semaphore, #tpu.memory_space<semaphore_mem>>)
      %get3A = arith.constant 24 : i32
      %get3A_631 = arith.index_cast %get3A : i32 to index
      %get3A_632 = arith.constant 0 : index
      %get3A_633 = tpu.vector_load %arg8[%get3A_631, %get3A_632] {strides = array<i32>} : memref<25x128xi32, #tpu.memory_space<vmem>>, vector<1x16xi32>,
      %get3A_634 = vector.shape_cast %get3A_633 : vector<1x16xi32> to vector<16xi32>
      %mul3A_635 = arith.constant 512 : i32
      %mul3A_636 = vector.broadcast %mul3A_635 : i32 to vector<16xi32>
      %mul3A_637 = arith.muli %get3A_634, %mul3A_636 : vector<16xi32>
      %get3A_638 = arith.constant 24 : i32
      %get3A_639 = arith.index_cast %get3A_638 : i32 to index
      %get3A_640 = arith.constant 0 : index
      %get3A_641 = tpu.vector_load %arg7[%get3A_639, %get3A_640] {strides = array<i32>} : memref<25x128xi32, #tpu.memory_space<vmem>>, vector<1x16xi32>,
      %get3A_642 = vector.shape_cast %get3A_641 : vector<1x16xi32> to vector<16xi32>
      %add3A_643 = arith.addi %mul3A_637, %get3A_642 : vector<16xi32>
      %swap3A = arith.constant 0 : i32
      %swap3A_644 = arith.index_cast %swap3A : i32 to index
      %swap3A_645 = arith.constant 0 : index
      %swap3A_646 = tpu.vector_load %arg14[%swap3A_644, %swap3A_645] {strides = array<i32>} : memref<4x128xi32, #tpu.memory_space<vmem>>, vector<1x16xi32>,
      %swap3A_647 = vector.shape_cast %swap3A_646 : vector<1x16xi32> to vector<16xi32>
      %swap3A_648 = vector.shape_cast %add3A_643 : vector<16xi32> to vector<1x16xi32>
      tpu.vector_store %arg14[%swap3A_644, %swap3A_645], %swap3A_648 {strides = array<i32>} : memref<4x128xi32, #tpu.memory_space<vmem>>, vector<1x16xi32>,
      %get3A_649 = arith.constant 24 : i32
      %get3A_650 = arith.index_cast %get3A_649 : i32 to index
      %get3A_651 = arith.constant 16 : index
      %get3A_652 = tpu.vector_load %arg8[%get3A_650, %get3A_651] {strides = array<i32>} : memref<25x128xi32, #tpu.memory_space<vmem>>, vector<1x16xi32>,
      %get3A_653 = vector.shape_cast %get3A_652 : vector<1x16xi32> to vector<16xi32>
      %mul3A_654 = arith.constant 512 : i32
      %mul3A_655 = vector.broadcast %mul3A_654 : i32 to vector<16xi32>
      %mul3A_656 = arith.muli %get3A_653, %mul3A_655 : vector<16xi32>
      %get3A_657 = arith.constant 24 : i32
      %get3A_658 = arith.index_cast %get3A_657 : i32 to index
      %get3A_659 = arith.constant 16 : index
      %get3A_660 = tpu.vector_load %arg7[%get3A_658, %get3A_659] {strides = array<i32>} : memref<25x128xi32, #tpu.memory_space<vmem>>, vector<1x16xi32>,
      %get3A_661 = vector.shape_cast %get3A_660 : vector<1x16xi32> to vector<16xi32>
      %add3A_662 = arith.addi %mul3A_656, %get3A_661 : vector<16xi32>
      %swap3A_663 = arith.constant 0 : i32
      %swap3A_664 = arith.index_cast %swap3A_663 : i32 to index
      %swap3A_665 = arith.constant 16 : index
      %swap3A_666 = tpu.vector_load %arg14[%swap3A_664, %swap3A_665] {strides = array<i32>} : memref<4x128xi32, #tpu.memory_space<vmem>>, vector<1x16xi32>,
      %swap3A_667 = vector.shape_cast %swap3A_666 : vector<1x16xi32> to vector<16xi32>
      %swap3A_668 = vector.shape_cast %add3A_662 : vector<16xi32> to vector<1x16xi32>
      tpu.vector_store %arg14[%swap3A_664, %swap3A_665], %swap3A_668 {strides = array<i32>} : memref<4x128xi32, #tpu.memory_space<vmem>>, vector<1x16xi32>,
      %get3A_669 = arith.constant 24 : i32
      %get3A_670 = arith.index_cast %get3A_669 : i32 to index
      %get3A_671 = arith.constant 32 : index
      %get3A_672 = tpu.vector_load %arg8[%get3A_670, %get3A_671] {strides = array<i32>} : memref<25x128xi32, #tpu.memory_space<vmem>>, vector<1x16xi32>,
      %get3A_673 = vector.shape_cast %get3A_672 : vector<1x16xi32> to vector<16xi32>
      %mul3A_674 = arith.constant 512 : i32
      %mul3A_675 = vector.broadcast %mul3A_674 : i32 to vector<16xi32>
      %mul3A_676 = arith.muli %get3A_673, %mul3A_675 : vector<16xi32>
      %get3A_677 = arith.constant 24 : i32
      %get3A_678 = arith.index_cast %get3A_677 : i32 to index
      %get3A_679 = arith.constant 32 : index
      %get3A_680 = tpu.vector_load %arg7[%get3A_678, %get3A_679] {strides = array<i32>} : memref<25x128xi32, #tpu.memory_space<vmem>>, vector<1x16xi32>,
      %get3A_681 = vector.shape_cast %get3A_680 : vector<1x16xi32> to vector<16xi32>
      %add3A_682 = arith.addi %mul3A_676, %get3A_681 : vector<16xi32>
      %swap3A_683 = arith.constant 0 : i32
      %swap3A_684 = arith.index_cast %swap3A_683 : i32 to index
      %swap3A_685 = arith.constant 32 : index
      %swap3A_686 = tpu.vector_load %arg14[%swap3A_684, %swap3A_685] {strides = array<i32>} : memref<4x128xi32, #tpu.memory_space<vmem>>, vector<1x16xi32>,
      %swap3A_687 = vector.shape_cast %swap3A_686 : vector<1x16xi32> to vector<16xi32>
      %swap3A_688 = vector.shape_cast %add3A_682 : vector<16xi32> to vector<1x16xi32>
      tpu.vector_store %arg14[%swap3A_684, %swap3A_685], %swap3A_688 {strides = array<i32>} : memref<4x128xi32, #tpu.memory_space<vmem>>, vector<1x16xi32>,
      %get3A_689 = arith.constant 24 : i32
      %get3A_690 = arith.index_cast %get3A_689 : i32 to index
      %get3A_691 = arith.constant 48 : index
      %get3A_692 = tpu.vector_load %arg8[%get3A_690, %get3A_691] {strides = array<i32>} : memref<25x128xi32, #tpu.memory_space<vmem>>, vector<1x16xi32>,
      %get3A_693 = vector.shape_cast %get3A_692 : vector<1x16xi32> to vector<16xi32>
      %mul3A_694 = arith.constant 512 : i32
      %mul3A_695 = vector.broadcast %mul3A_694 : i32 to vector<16xi32>
      %mul3A_696 = arith.muli %get3A_693, %mul3A_695 : vector<16xi32>
      %get3A_697 = arith.constant 24 : i32
      %get3A_698 = arith.index_cast %get3A_697 : i32 to index
      %get3A_699 = arith.constant 48 : index
      %get3A_700 = tpu.vector_load %arg7[%get3A_698, %get3A_699] {strides = array<i32>} : memref<25x128xi32, #tpu.memory_space<vmem>>, vector<1x16xi32>,
      %get3A_701 = vector.shape_cast %get3A_700 : vector<1x16xi32> to vector<16xi32>
      %add3A_702 = arith.addi %mul3A_696, %get3A_701 : vector<16xi32>
      %swap3A_703 = arith.constant 0 : i32
      %swap3A_704 = arith.index_cast %swap3A_703 : i32 to index
      %swap3A_705 = arith.constant 48 : index
      %swap3A_706 = tpu.vector_load %arg14[%swap3A_704, %swap3A_705] {strides = array<i32>} : memref<4x128xi32, #tpu.memory_space<vmem>>, vector<1x16xi32>,
      %swap3A_707 = vector.shape_cast %swap3A_706 : vector<1x16xi32> to vector<16xi32>
      %swap3A_708 = vector.shape_cast %add3A_702 : vector<16xi32> to vector<1x16xi32>
      tpu.vector_store %arg14[%swap3A_704, %swap3A_705], %swap3A_708 {strides = array<i32>} : memref<4x128xi32, #tpu.memory_space<vmem>>, vector<1x16xi32>,
      %get3A_709 = arith.constant 24 : i32
      %get3A_710 = arith.index_cast %get3A_709 : i32 to index
      %get3A_711 = arith.constant 64 : index
      %get3A_712 = tpu.vector_load %arg8[%get3A_710, %get3A_711] {strides = array<i32>} : memref<25x128xi32, #tpu.memory_space<vmem>>, vector<1x16xi32>,
      %get3A_713 = vector.shape_cast %get3A_712 : vector<1x16xi32> to vector<16xi32>
      %mul3A_714 = arith.constant 512 : i32
      %mul3A_715 = vector.broadcast %mul3A_714 : i32 to vector<16xi32>
      %mul3A_716 = arith.muli %get3A_713, %mul3A_715 : vector<16xi32>
      %get3A_717 = arith.constant 24 : i32
      %get3A_718 = arith.index_cast %get3A_717 : i32 to index
      %get3A_719 = arith.constant 64 : index
      %get3A_720 = tpu.vector_load %arg7[%get3A_718, %get3A_719] {strides = array<i32>} : memref<25x128xi32, #tpu.memory_space<vmem>>, vector<1x16xi32>,
      %get3A_721 = vector.shape_cast %get3A_720 : vector<1x16xi32> to vector<16xi32>
      %add3A_722 = arith.addi %mul3A_716, %get3A_721 : vector<16xi32>
      %swap3A_723 = arith.constant 0 : i32
      %swap3A_724 = arith.index_cast %swap3A_723 : i32 to index
      %swap3A_725 = arith.constant 64 : index
      %swap3A_726 = tpu.vector_load %arg14[%swap3A_724, %swap3A_725] {strides = array<i32>} : memref<4x128xi32, #tpu.memory_space<vmem>>, vector<1x16xi32>,
      %swap3A_727 = vector.shape_cast %swap3A_726 : vector<1x16xi32> to vector<16xi32>
      %swap3A_728 = vector.shape_cast %add3A_722 : vector<16xi32> to vector<1x16xi32>
      tpu.vector_store %arg14[%swap3A_724, %swap3A_725], %swap3A_728 {strides = array<i32>} : memref<4x128xi32, #tpu.memory_space<vmem>>, vector<1x16xi32>,
      %get3A_729 = arith.constant 24 : i32
      %get3A_730 = arith.index_cast %get3A_729 : i32 to index
      %get3A_731 = arith.constant 80 : index
      %get3A_732 = tpu.vector_load %arg8[%get3A_730, %get3A_731] {strides = array<i32>} : memref<25x128xi32, #tpu.memory_space<vmem>>, vector<1x16xi32>,
      %get3A_733 = vector.shape_cast %get3A_732 : vector<1x16xi32> to vector<16xi32>
      %mul3A_734 = arith.constant 512 : i32
      %mul3A_735 = vector.broadcast %mul3A_734 : i32 to vector<16xi32>
      %mul3A_736 = arith.muli %get3A_733, %mul3A_735 : vector<16xi32>
      %get3A_737 = arith.constant 24 : i32
      %get3A_738 = arith.index_cast %get3A_737 : i32 to index
      %get3A_739 = arith.constant 80 : index
      %get3A_740 = tpu.vector_load %arg7[%get3A_738, %get3A_739] {strides = array<i32>} : memref<25x128xi32, #tpu.memory_space<vmem>>, vector<1x16xi32>,
      %get3A_741 = vector.shape_cast %get3A_740 : vector<1x16xi32> to vector<16xi32>
      %add3A_742 = arith.addi %mul3A_736, %get3A_741 : vector<16xi32>
      %swap3A_743 = arith.constant 0 : i32
      %swap3A_744 = arith.index_cast %swap3A_743 : i32 to index
      %swap3A_745 = arith.constant 80 : index
      %swap3A_746 = tpu.vector_load %arg14[%swap3A_744, %swap3A_745] {strides = array<i32>} : memref<4x128xi32, #tpu.memory_space<vmem>>, vector<1x16xi32>,
      %swap3A_747 = vector.shape_cast %swap3A_746 : vector<1x16xi32> to vector<16xi32>
      %swap3A_748 = vector.shape_cast %add3A_742 : vector<16xi32> to vector<1x16xi32>
      tpu.vector_store %arg14[%swap3A_744, %swap3A_745], %swap3A_748 {strides = array<i32>} : memref<4x128xi32, #tpu.memory_space<vmem>>, vector<1x16xi32>,
      %get3A_749 = arith.constant 24 : i32
      %get3A_750 = arith.index_cast %get3A_749 : i32 to index
      %get3A_751 = arith.constant 96 : index
      %get3A_752 = tpu.vector_load %arg8[%get3A_750, %get3A_751] {strides = array<i32>} : memref<25x128xi32, #tpu.memory_space<vmem>>, vector<1x16xi32>,
      %get3A_753 = vector.shape_cast %get3A_752 : vector<1x16xi32> to vector<16xi32>
      %mul3A_754 = arith.constant 512 : i32
      %mul3A_755 = vector.broadcast %mul3A_754 : i32 to vector<16xi32>
      %mul3A_756 = arith.muli %get3A_753, %mul3A_755 : vector<16xi32>
      %get3A_757 = arith.constant 24 : i32
      %get3A_758 = arith.index_cast %get3A_757 : i32 to index
      %get3A_759 = arith.constant 96 : index
      %get3A_760 = tpu.vector_load %arg7[%get3A_758, %get3A_759] {strides = array<i32>} : memref<25x128xi32, #tpu.memory_space<vmem>>, vector<1x16xi32>,
      %get3A_761 = vector.shape_cast %get3A_760 : vector<1x16xi32> to vector<16xi32>
      %add3A_762 = arith.addi %mul3A_756, %get3A_761 : vector<16xi32>
      %swap3A_763 = arith.constant 0 : i32
      %swap3A_764 = arith.index_cast %swap3A_763 : i32 to index
      %swap3A_765 = arith.constant 96 : index
      %swap3A_766 = tpu.vector_load %arg14[%swap3A_764, %swap3A_765] {strides = array<i32>} : memref<4x128xi32, #tpu.memory_space<vmem>>, vector<1x16xi32>,
      %swap3A_767 = vector.shape_cast %swap3A_766 : vector<1x16xi32> to vector<16xi32>
      %swap3A_768 = vector.shape_cast %add3A_762 : vector<16xi32> to vector<1x16xi32>
      tpu.vector_store %arg14[%swap3A_764, %swap3A_765], %swap3A_768 {strides = array<i32>} : memref<4x128xi32, #tpu.memory_space<vmem>>, vector<1x16xi32>,
      %get3A_769 = arith.constant 24 : i32
      %get3A_770 = arith.index_cast %get3A_769 : i32 to index
      %get3A_771 = arith.constant 112 : index
      %get3A_772 = tpu.vector_load %arg8[%get3A_770, %get3A_771] {strides = array<i32>} : memref<25x128xi32, #tpu.memory_space<vmem>>, vector<1x16xi32>,
      %get3A_773 = vector.shape_cast %get3A_772 : vector<1x16xi32> to vector<16xi32>
      %mul3A_774 = arith.constant 512 : i32
      %mul3A_775 = vector.broadcast %mul3A_774 : i32 to vector<16xi32>
      %mul3A_776 = arith.muli %get3A_773, %mul3A_775 : vector<16xi32>
      %get3A_777 = arith.constant 24 : i32
      %get3A_778 = arith.index_cast %get3A_777 : i32 to index
      %get3A_779 = arith.constant 112 : index
      %get3A_780 = tpu.vector_load %arg7[%get3A_778, %get3A_779] {strides = array<i32>} : memref<25x128xi32, #tpu.memory_space<vmem>>, vector<1x16xi32>,
      %get3A_781 = vector.shape_cast %get3A_780 : vector<1x16xi32> to vector<16xi32>
      %add3A_782 = arith.addi %mul3A_776, %get3A_781 : vector<16xi32>
      %swap3A_783 = arith.constant 0 : i32
      %swap3A_784 = arith.index_cast %swap3A_783 : i32 to index
      %swap3A_785 = arith.constant 112 : index
      %swap3A_786 = tpu.vector_load %arg14[%swap3A_784, %swap3A_785] {strides = array<i32>} : memref<4x128xi32, #tpu.memory_space<vmem>>, vector<1x16xi32>,
      %swap3A_787 = vector.shape_cast %swap3A_786 : vector<1x16xi32> to vector<16xi32>
      %swap3A_788 = vector.shape_cast %add3A_782 : vector<16xi32> to vector<1x16xi32>
      tpu.vector_store %arg14[%swap3A_784, %swap3A_785], %swap3A_788 {strides = array<i32>} : memref<4x128xi32, #tpu.memory_space<vmem>>, vector<1x16xi32>,
      %dma_start3A_789 = arith.constant 0 : i32
      %dma_start3A_790 = arith.constant 0 : i32
      %dma_start3A_791 = tpu.memref_slice %arg14[%dma_start3A_789, %dma_start3A_790] : memref<4x128xi32, #tpu.memory_space<vmem>> -> memref<1x128xi32, #tpu.memory_space<vmem>>
      %dma_start3A_792 = tpu.memref_squeeze %dma_start3A_791 : memref<1x128xi32, #tpu.memory_space<vmem>> -> memref<128xi32, #tpu.memory_space<vmem>>
      %dma_start3A_793 = arith.constant 0 : i32
      %dma_start3A_794 = tpu.memref_slice %arg18[%dma_start3A_793] : memref<131072xf32, #tpu.memory_space<vmem_shared>> -> memref<131072xf32, #tpu.memory_space<vmem_shared>>
      tpu.enqueue_indirect_dma source(%arg15 : memref<128xf32, #tpu.memory_space<vmem>>) target(%dma_start3A_794 : memref<131072xf32, #tpu.memory_space<vmem_shared>>) offsets(%dma_start3A_792 : memref<128xi32, #tpu.memory_space<vmem>>) semaphore(%arg29 : memref<!tpu.dma_semaphore, #tpu.memory_space<semaphore_mem>>) {add = true}
      %dma_wait3A_795 = arith.constant 0 : i32
      %dma_wait3A_796 = arith.constant 0 : i32
      %dma_wait3A_797 = arith.constant 0 : i32
      %dma_wait3A_798 = tpu.memref_slice %arg9[%dma_wait3A_795, %dma_wait3A_796, %dma_wait3A_797] : memref<4x128x128xf32, #tpu.memory_space<vmem>> -> memref<1x128x128xf32, #tpu.memory_space<vmem>>
      %dma_wait3A_799 = tpu.memref_squeeze %dma_wait3A_798 : memref<1x128x128xf32, #tpu.memory_space<vmem>> -> memref<128x128xf32, #tpu.memory_space<vmem>>
      %dma_wait3A_800 = arith.constant 0 : i32
      %dma_wait3A_801 = tpu.memref_slice %arg5[%multiple_of3A_617, %dma_wait3A_800] : memref<100000x128xf32, #tpu.memory_space<hbm>> -> memref<128x128xf32, #tpu.memory_space<hbm>>
      %dma_wait3A_802 = arith.constant 0 : i32
      %dma_wait3A_803 = tpu.memref_slice %arg5[%multiple_of3A_617, %dma_wait3A_802] : memref<100000x128xf32, #tpu.memory_space<hbm>> -> memref<128x128xf32, #tpu.memory_space<hbm>>
      %dma_wait3A_804 = arith.constant 0 : i32
      %dma_wait3A_805 = arith.constant 0 : i32
      %dma_wait3A_806 = tpu.memref_slice %arg9[%dma_wait3A_795, %dma_wait3A_804, %dma_wait3A_805] : memref<4x128x128xf32, #tpu.memory_space<vmem>> -> memref<1x128x128xf32, #tpu.memory_space<vmem>>
      %dma_wait3A_807 = tpu.memref_squeeze %dma_wait3A_806 : memref<1x128x128xf32, #tpu.memory_space<vmem>> -> memref<128x128xf32, #tpu.memory_space<vmem>>
      tpu.wait_dma2 semaphore(%arg25 : memref<!tpu.dma_semaphore, #tpu.memory_space<semaphore_mem>>) src(%dma_wait3A_807 : memref<128x128xf32, #tpu.memory_space<vmem>>) dst(%dma_wait3A_803 : memref<128x128xf32, #tpu.memory_space<hbm>>)
      %dma_wait3A_808 = arith.constant 0 : i32
      %dma_wait3A_809 = arith.constant 0 : i32
      %dma_wait3A_810 = tpu.memref_slice %arg14[%dma_wait3A_808, %dma_wait3A_809] : memref<4x128xi32, #tpu.memory_space<vmem>> -> memref<1x128xi32, #tpu.memory_space<vmem>>
      %dma_wait3A_811 = tpu.memref_squeeze %dma_wait3A_810 : memref<1x128xi32, #tpu.memory_space<vmem>> -> memref<128xi32, #tpu.memory_space<vmem>>
      %dma_wait3A_812 = arith.constant 0 : i32
      %dma_wait3A_813 = tpu.memref_slice %arg18[%dma_wait3A_812] : memref<131072xf32, #tpu.memory_space<vmem_shared>> -> memref<131072xf32, #tpu.memory_space<vmem_shared>>
      tpu.wait_indirect_dma semaphore(%arg29 : memref<!tpu.dma_semaphore, #tpu.memory_space<semaphore_mem>>) src(%arg15 : memref<128xf32, #tpu.memory_space<vmem>>) dst(%dma_wait3A_813 : memref<131072xf32, #tpu.memory_space<vmem_shared>>)
    } else {
    }
    %eq3A = arith.constant 31 : i32
    %eq3A_137 = arith.cmpi eq, %add3A, %eq3A : i32
    %convert_element_type3A_138 = arith.extui %eq3A_137 : i1 to i32
    %cond3A_139 = arith.constant 0 : i32
    %cond3A_140 = arith.cmpi ne, %convert_element_type3A_138, %cond3A_139 : i32
    scf.if %cond3A_140 {
      "tpu.region"() ({
        %run_scoped3A = tpu.sem_alloc : memref<!tpu.dma_semaphore, #tpu.memory_space<semaphore_mem>>
        %dma_start3A_615 = arith.constant 99968 : i32
        %dma_start3A_616 = tpu.memref_slice %arg3[%dma_start3A_615] : memref<100000xi32, #tpu.memory_space<hbm>> -> memref<32xi32, #tpu.memory_space<hbm>>
        %dma_start3A_617 = arith.constant 99968 : i32
        %dma_start3A_618 = tpu.memref_slice %arg3[%dma_start3A_617] : memref<100000xi32, #tpu.memory_space<hbm>> -> memref<32xi32, #tpu.memory_space<hbm>>
        tpu.enqueue_dma source(%dma_start3A_618 : memref<32xi32, #tpu.memory_space<hbm>>) target(%arg10 : memref<32xi32, #tpu.memory_space<vmem>>) target_semaphore(%run_scoped3A : memref<!tpu.dma_semaphore, #tpu.memory_space<semaphore_mem>>)
        %dma_wait3A_619 = arith.constant 99968 : i32
        %dma_wait3A_620 = tpu.memref_slice %arg3[%dma_wait3A_619] : memref<100000xi32, #tpu.memory_space<hbm>> -> memref<32xi32, #tpu.memory_space<hbm>>
        %dma_wait3A_621 = arith.constant 99968 : i32
        %dma_wait3A_622 = tpu.memref_slice %arg3[%dma_wait3A_621] : memref<100000xi32, #tpu.memory_space<hbm>> -> memref<32xi32, #tpu.memory_space<hbm>>
        tpu.wait_dma2 semaphore(%run_scoped3A : memref<!tpu.dma_semaphore, #tpu.memory_space<semaphore_mem>>) src(%dma_wait3A_622 : memref<32xi32, #tpu.memory_space<hbm>>) dst(%arg10 : memref<32xi32, #tpu.memory_space<vmem>>)
        tpu.yield
      }) : () -> ()
      "tpu.region"() ({
        %run_scoped3A = tpu.sem_alloc : memref<!tpu.dma_semaphore, #tpu.memory_space<semaphore_mem>>
        %dma_start3A_615 = arith.constant 99968 : i32
        %dma_start3A_616 = tpu.memref_slice %arg4[%dma_start3A_615] : memref<100000xi32, #tpu.memory_space<hbm>> -> memref<32xi32, #tpu.memory_space<hbm>>
        %dma_start3A_617 = arith.constant 99968 : i32
        %dma_start3A_618 = tpu.memref_slice %arg4[%dma_start3A_617] : memref<100000xi32, #tpu.memory_space<hbm>> -> memref<32xi32, #tpu.memory_space<hbm>>
        tpu.enqueue_dma source(%dma_start3A_618 : memref<32xi32, #tpu.memory_space<hbm>>) target(%arg11 : memref<32xi32, #tpu.memory_space<vmem>>) target_semaphore(%run_scoped3A : memref<!tpu.dma_semaphore, #tpu.memory_space<semaphore_mem>>)
        %dma_wait3A_619 = arith.constant 99968 : i32
        %dma_wait3A_620 = tpu.memref_slice %arg4[%dma_wait3A_619] : memref<100000xi32, #tpu.memory_space<hbm>> -> memref<32xi32, #tpu.memory_space<hbm>>
        %dma_wait3A_621 = arith.constant 99968 : i32
        %dma_wait3A_622 = tpu.memref_slice %arg4[%dma_wait3A_621] : memref<100000xi32, #tpu.memory_space<hbm>> -> memref<32xi32, #tpu.memory_space<hbm>>
        tpu.wait_dma2 semaphore(%run_scoped3A : memref<!tpu.dma_semaphore, #tpu.memory_space<semaphore_mem>>) src(%dma_wait3A_622 : memref<32xi32, #tpu.memory_space<hbm>>) dst(%arg11 : memref<32xi32, #tpu.memory_space<vmem>>)
        tpu.yield
      }) : () -> ()
      "tpu.region"() ({
        %run_scoped3A = tpu.sem_alloc : memref<!tpu.dma_semaphore, #tpu.memory_space<semaphore_mem>>
        %dma_start3A_615 = arith.constant 0 : i32
        %dma_start3A_616 = arith.constant 0 : i32
        %dma_start3A_617 = tpu.memref_slice %arg19[%dma_start3A_615, %dma_start3A_616] : memref<512x128xf32, #tpu.memory_space<vmem_shared>> -> memref<512x128xf32, #tpu.memory_space<vmem_shared>>
        tpu.enqueue_indirect_dma source(%dma_start3A_617 : memref<512x128xf32, #tpu.memory_space<vmem_shared>>) target(%arg12 : memref<32x128xf32, #tpu.memory_space<vmem>>) offsets(%arg10 : memref<32xi32, #tpu.memory_space<vmem>>) semaphore(%run_scoped3A : memref<!tpu.dma_semaphore, #tpu.memory_space<semaphore_mem>>)
        %dma_wait3A_618 = arith.constant 0 : i32
        %dma_wait3A_619 = arith.constant 0 : i32
        %dma_wait3A_620 = tpu.memref_slice %arg19[%dma_wait3A_618, %dma_wait3A_619] : memref<512x128xf32, #tpu.memory_space<vmem_shared>> -> memref<512x128xf32, #tpu.memory_space<vmem_shared>>
        tpu.wait_indirect_dma semaphore(%run_scoped3A : memref<!tpu.dma_semaphore, #tpu.memory_space<semaphore_mem>>) src(%dma_wait3A_620 : memref<512x128xf32, #tpu.memory_space<vmem_shared>>) dst(%arg12 : memref<32x128xf32, #tpu.memory_space<vmem>>)
        tpu.yield
      }) : () -> ()
      "tpu.region"() ({
        %run_scoped3A = tpu.sem_alloc : memref<!tpu.dma_semaphore, #tpu.memory_space<semaphore_mem>>
        %dma_start3A_615 = arith.constant 99968 : i32
        %dma_start3A_616 = arith.constant 0 : i32
        %dma_start3A_617 = tpu.memref_slice %arg5[%dma_start3A_615, %dma_start3A_616] : memref<100000x128xf32, #tpu.memory_space<hbm>> -> memref<32x128xf32, #tpu.memory_space<hbm>>
        %dma_start3A_618 = arith.constant 99968 : i32
        %dma_start3A_619 = arith.constant 0 : i32
        %dma_start3A_620 = tpu.memref_slice %arg5[%dma_start3A_618, %dma_start3A_619] : memref<100000x128xf32, #tpu.memory_space<hbm>> -> memref<32x128xf32, #tpu.memory_space<hbm>>
        tpu.enqueue_dma source(%arg12 : memref<32x128xf32, #tpu.memory_space<vmem>>) target(%dma_start3A_620 : memref<32x128xf32, #tpu.memory_space<hbm>>) target_semaphore(%run_scoped3A : memref<!tpu.dma_semaphore, #tpu.memory_space<semaphore_mem>>)
        %dma_wait3A_621 = arith.constant 99968 : i32
        %dma_wait3A_622 = arith.constant 0 : i32
        %dma_wait3A_623 = tpu.memref_slice %arg5[%dma_wait3A_621, %dma_wait3A_622] : memref<100000x128xf32, #tpu.memory_space<hbm>> -> memref<32x128xf32, #tpu.memory_space<hbm>>
        %dma_wait3A_624 = arith.constant 99968 : i32
        %dma_wait3A_625 = arith.constant 0 : i32
        %dma_wait3A_626 = tpu.memref_slice %arg5[%dma_wait3A_624, %dma_wait3A_625] : memref<100000x128xf32, #tpu.memory_space<hbm>> -> memref<32x128xf32, #tpu.memory_space<hbm>>
        tpu.wait_dma2 semaphore(%run_scoped3A : memref<!tpu.dma_semaphore, #tpu.memory_space<semaphore_mem>>) src(%arg12 : memref<32x128xf32, #tpu.memory_space<vmem>>) dst(%dma_wait3A_626 : memref<32x128xf32, #tpu.memory_space<hbm>>)
        tpu.yield
      }) : () -> ()
      %get3A = arith.constant 0 : index
      %get3A_589 = tpu.vector_load %arg11[%get3A] {strides = array<i32>} : memref<32xi32, #tpu.memory_space<vmem>>, vector<16xi32>,
      %get3A_590 = vector.shape_cast %get3A_589 : vector<16xi32> to vector<16xi32>
      %mul3A_591 = arith.constant 512 : i32
      %mul3A_592 = vector.broadcast %mul3A_591 : i32 to vector<16xi32>
      %mul3A_593 = arith.muli %get3A_590, %mul3A_592 : vector<16xi32>
      %get3A_594 = arith.constant 0 : index
      %get3A_595 = tpu.vector_load %arg10[%get3A_594] {strides = array<i32>} : memref<32xi32, #tpu.memory_space<vmem>>, vector<16xi32>,
      %get3A_596 = vector.shape_cast %get3A_595 : vector<16xi32> to vector<16xi32>
      %add3A_597 = arith.addi %mul3A_593, %get3A_596 : vector<16xi32>
      %swap3A = arith.constant 0 : index
      %swap3A_598 = tpu.vector_load %arg13[%swap3A] {strides = array<i32>} : memref<32xi32, #tpu.memory_space<vmem>>, vector<16xi32>,
      %swap3A_599 = vector.shape_cast %swap3A_598 : vector<16xi32> to vector<16xi32>
      %swap3A_600 = vector.shape_cast %add3A_597 : vector<16xi32> to vector<16xi32>
      tpu.vector_store %arg13[%swap3A], %swap3A_600 {strides = array<i32>} : memref<32xi32, #tpu.memory_space<vmem>>, vector<16xi32>,
      %get3A_601 = arith.constant 16 : index
      %get3A_602 = tpu.vector_load %arg11[%get3A_601] {strides = array<i32>} : memref<32xi32, #tpu.memory_space<vmem>>, vector<16xi32>,
      %get3A_603 = vector.shape_cast %get3A_602 : vector<16xi32> to vector<16xi32>
      %mul3A_604 = arith.constant 512 : i32
      %mul3A_605 = vector.broadcast %mul3A_604 : i32 to vector<16xi32>
      %mul3A_606 = arith.muli %get3A_603, %mul3A_605 : vector<16xi32>
      %get3A_607 = arith.constant 16 : index
      %get3A_608 = tpu.vector_load %arg10[%get3A_607] {strides = array<i32>} : memref<32xi32, #tpu.memory_space<vmem>>, vector<16xi32>,
      %get3A_609 = vector.shape_cast %get3A_608 : vector<16xi32> to vector<16xi32>
      %add3A_610 = arith.addi %mul3A_606, %get3A_609 : vector<16xi32>
      %swap3A_611 = arith.constant 16 : index
      %swap3A_612 = tpu.vector_load %arg13[%swap3A_611] {strides = array<i32>} : memref<32xi32, #tpu.memory_space<vmem>>, vector<16xi32>,
      %swap3A_613 = vector.shape_cast %swap3A_612 : vector<16xi32> to vector<16xi32>
      %swap3A_614 = vector.shape_cast %add3A_610 : vector<16xi32> to vector<16xi32>
      tpu.vector_store %arg13[%swap3A_611], %swap3A_614 {strides = array<i32>} : memref<32xi32, #tpu.memory_space<vmem>>, vector<16xi32>,
      "tpu.region"() ({
        %run_scoped3A = tpu.sem_alloc : memref<!tpu.dma_semaphore, #tpu.memory_space<semaphore_mem>>
        %dma_start3A_615 = arith.constant 0 : i32
        %dma_start3A_616 = tpu.memref_slice %arg15[%dma_start3A_615] : memref<128xf32, #tpu.memory_space<vmem>> -> memref<32xf32, #tpu.memory_space<vmem>>
        %dma_start3A_617 = arith.constant 0 : i32
        %dma_start3A_618 = tpu.memref_slice %arg18[%dma_start3A_617] : memref<131072xf32, #tpu.memory_space<vmem_shared>> -> memref<131072xf32, #tpu.memory_space<vmem_shared>>
        tpu.enqueue_indirect_dma source(%dma_start3A_616 : memref<32xf32, #tpu.memory_space<vmem>>) target(%dma_start3A_618 : memref<131072xf32, #tpu.memory_space<vmem_shared>>) offsets(%arg13 : memref<32xi32, #tpu.memory_space<vmem>>) semaphore(%run_scoped3A : memref<!tpu.dma_semaphore, #tpu.memory_space<semaphore_mem>>) {add = true}
        %dma_wait3A_619 = arith.constant 0 : i32
        %dma_wait3A_620 = tpu.memref_slice %arg15[%dma_wait3A_619] : memref<128xf32, #tpu.memory_space<vmem>> -> memref<32xf32, #tpu.memory_space<vmem>>
        %dma_wait3A_621 = arith.constant 0 : i32
        %dma_wait3A_622 = tpu.memref_slice %arg18[%dma_wait3A_621] : memref<131072xf32, #tpu.memory_space<vmem_shared>> -> memref<131072xf32, #tpu.memory_space<vmem_shared>>
        tpu.wait_indirect_dma semaphore(%run_scoped3A : memref<!tpu.dma_semaphore, #tpu.memory_space<semaphore_mem>>) src(%dma_wait3A_620 : memref<32xf32, #tpu.memory_space<vmem>>) dst(%dma_wait3A_622 : memref<131072xf32, #tpu.memory_space<vmem_shared>>)
        tpu.yield
      }) : () -> ()
    } else {
    }
    %barrier3A_141 = arith.constant 0 : index
    tpu.barrier barrier_id(%barrier3A_141)
    %mul3A_142 = arith.constant 16 : i32
    %mul3A_143 = arith.muli %arg1, %mul3A_142 : i32
    %add3A_144 = arith.constant 0 : i32
    %add3A_145 = arith.addi %mul3A_143, %add3A_144 : i32
    %mul3A_146 = arith.constant 512 : i32
    %mul3A_147 = arith.muli %add3A_145, %mul3A_146 : i32
    %mul3A_148 = arith.constant 16 : i32
    %mul3A_149 = arith.muli %arg1, %mul3A_148 : i32
    %add3A_150 = arith.constant 0 : i32
    %add3A_151 = arith.addi %mul3A_149, %add3A_150 : i32
    %dma_start3A = arith.constant 0 : i32
    %dma_start3A_152 = tpu.memref_slice %arg6[%arg0, %add3A_151, %dma_start3A] : memref<2x256x512xf32, #tpu.memory_space<hbm>> -> memref<1x1x512xf32, #tpu.memory_space<hbm>>
    %dma_start3A_153 = tpu.memref_squeeze %dma_start3A_152 : memref<1x1x512xf32, #tpu.memory_space<hbm>> -> memref<512xf32, #tpu.memory_space<hbm>>
    %dma_start3A_154 = tpu.memref_slice %arg18[%mul3A_147] : memref<131072xf32, #tpu.memory_space<vmem_shared>> -> memref<512xf32, #tpu.memory_space<vmem_shared>>
    tpu.enqueue_dma source(%dma_start3A_154 : memref<512xf32, #tpu.memory_space<vmem_shared>>) target(%dma_start3A_153 : memref<512xf32, #tpu.memory_space<hbm>>) target_semaphore(%arg20 : memref<!tpu.dma_semaphore, #tpu.memory_space<semaphore_mem>>)
    %mul3A_155 = arith.constant 16 : i32
    %mul3A_156 = arith.muli %arg1, %mul3A_155 : i32
    %add3A_157 = arith.constant 1 : i32
    %add3A_158 = arith.addi %mul3A_156, %add3A_157 : i32
    %mul3A_159 = arith.constant 512 : i32
    %mul3A_160 = arith.muli %add3A_158, %mul3A_159 : i32
    %mul3A_161 = arith.constant 16 : i32
    %mul3A_162 = arith.muli %arg1, %mul3A_161 : i32
    %add3A_163 = arith.constant 1 : i32
    %add3A_164 = arith.addi %mul3A_162, %add3A_163 : i32
    %dma_start3A_165 = arith.constant 0 : i32
    %dma_start3A_166 = tpu.memref_slice %arg6[%arg0, %add3A_164, %dma_start3A_165] : memref<2x256x512xf32, #tpu.memory_space<hbm>> -> memref<1x1x512xf32, #tpu.memory_space<hbm>>
    %dma_start3A_167 = tpu.memref_squeeze %dma_start3A_166 : memref<1x1x512xf32, #tpu.memory_space<hbm>> -> memref<512xf32, #tpu.memory_space<hbm>>
    %dma_start3A_168 = tpu.memref_slice %arg18[%mul3A_160] : memref<131072xf32, #tpu.memory_space<vmem_shared>> -> memref<512xf32, #tpu.memory_space<vmem_shared>>
    tpu.enqueue_dma source(%dma_start3A_168 : memref<512xf32, #tpu.memory_space<vmem_shared>>) target(%dma_start3A_167 : memref<512xf32, #tpu.memory_space<hbm>>) target_semaphore(%arg20 : memref<!tpu.dma_semaphore, #tpu.memory_space<semaphore_mem>>)
    %mul3A_169 = arith.constant 16 : i32
    %mul3A_170 = arith.muli %arg1, %mul3A_169 : i32
    %add3A_171 = arith.constant 2 : i32
    %add3A_172 = arith.addi %mul3A_170, %add3A_171 : i32
    %mul3A_173 = arith.constant 512 : i32
    %mul3A_174 = arith.muli %add3A_172, %mul3A_173 : i32
    %mul3A_175 = arith.constant 16 : i32
    %mul3A_176 = arith.muli %arg1, %mul3A_175 : i32
    %add3A_177 = arith.constant 2 : i32
    %add3A_178 = arith.addi %mul3A_176, %add3A_177 : i32
    %dma_start3A_179 = arith.constant 0 : i32
    %dma_start3A_180 = tpu.memref_slice %arg6[%arg0, %add3A_178, %dma_start3A_179] : memref<2x256x512xf32, #tpu.memory_space<hbm>> -> memref<1x1x512xf32, #tpu.memory_space<hbm>>
    %dma_start3A_181 = tpu.memref_squeeze %dma_start3A_180 : memref<1x1x512xf32, #tpu.memory_space<hbm>> -> memref<512xf32, #tpu.memory_space<hbm>>
    %dma_start3A_182 = tpu.memref_slice %arg18[%mul3A_174] : memref<131072xf32, #tpu.memory_space<vmem_shared>> -> memref<512xf32, #tpu.memory_space<vmem_shared>>
    tpu.enqueue_dma source(%dma_start3A_182 : memref<512xf32, #tpu.memory_space<vmem_shared>>) target(%dma_start3A_181 : memref<512xf32, #tpu.memory_space<hbm>>) target_semaphore(%arg20 : memref<!tpu.dma_semaphore, #tpu.memory_space<semaphore_mem>>)
    %mul3A_183 = arith.constant 16 : i32
    %mul3A_184 = arith.muli %arg1, %mul3A_183 : i32
    %add3A_185 = arith.constant 3 : i32
    %add3A_186 = arith.addi %mul3A_184, %add3A_185 : i32
    %mul3A_187 = arith.constant 512 : i32
    %mul3A_188 = arith.muli %add3A_186, %mul3A_187 : i32
    %mul3A_189 = arith.constant 16 : i32
    %mul3A_190 = arith.muli %arg1, %mul3A_189 : i32
    %add3A_191 = arith.constant 3 : i32
    %add3A_192 = arith.addi %mul3A_190, %add3A_191 : i32
    %dma_start3A_193 = arith.constant 0 : i32
    %dma_start3A_194 = tpu.memref_slice %arg6[%arg0, %add3A_192, %dma_start3A_193] : memref<2x256x512xf32, #tpu.memory_space<hbm>> -> memref<1x1x512xf32, #tpu.memory_space<hbm>>
    %dma_start3A_195 = tpu.memref_squeeze %dma_start3A_194 : memref<1x1x512xf32, #tpu.memory_space<hbm>> -> memref<512xf32, #tpu.memory_space<hbm>>
    %dma_start3A_196 = tpu.memref_slice %arg18[%mul3A_188] : memref<131072xf32, #tpu.memory_space<vmem_shared>> -> memref<512xf32, #tpu.memory_space<vmem_shared>>
    tpu.enqueue_dma source(%dma_start3A_196 : memref<512xf32, #tpu.memory_space<vmem_shared>>) target(%dma_start3A_195 : memref<512xf32, #tpu.memory_space<hbm>>) target_semaphore(%arg20 : memref<!tpu.dma_semaphore, #tpu.memory_space<semaphore_mem>>)
    %mul3A_197 = arith.constant 16 : i32
    %mul3A_198 = arith.muli %arg1, %mul3A_197 : i32
    %add3A_199 = arith.constant 4 : i32
    %add3A_200 = arith.addi %mul3A_198, %add3A_199 : i32
    %mul3A_201 = arith.constant 512 : i32
    %mul3A_202 = arith.muli %add3A_200, %mul3A_201 : i32
    %mul3A_203 = arith.constant 16 : i32
    %mul3A_204 = arith.muli %arg1, %mul3A_203 : i32
    %add3A_205 = arith.constant 4 : i32
    %add3A_206 = arith.addi %mul3A_204, %add3A_205 : i32
    %dma_start3A_207 = arith.constant 0 : i32
    %dma_start3A_208 = tpu.memref_slice %arg6[%arg0, %add3A_206, %dma_start3A_207] : memref<2x256x512xf32, #tpu.memory_space<hbm>> -> memref<1x1x512xf32, #tpu.memory_space<hbm>>
    %dma_start3A_209 = tpu.memref_squeeze %dma_start3A_208 : memref<1x1x512xf32, #tpu.memory_space<hbm>> -> memref<512xf32, #tpu.memory_space<hbm>>
    %dma_start3A_210 = tpu.memref_slice %arg18[%mul3A_202] : memref<131072xf32, #tpu.memory_space<vmem_shared>> -> memref<512xf32, #tpu.memory_space<vmem_shared>>
    tpu.enqueue_dma source(%dma_start3A_210 : memref<512xf32, #tpu.memory_space<vmem_shared>>) target(%dma_start3A_209 : memref<512xf32, #tpu.memory_space<hbm>>) target_semaphore(%arg20 : memref<!tpu.dma_semaphore, #tpu.memory_space<semaphore_mem>>)
    %mul3A_211 = arith.constant 16 : i32
    %mul3A_212 = arith.muli %arg1, %mul3A_211 : i32
    %add3A_213 = arith.constant 5 : i32
    %add3A_214 = arith.addi %mul3A_212, %add3A_213 : i32
    %mul3A_215 = arith.constant 512 : i32
    %mul3A_216 = arith.muli %add3A_214, %mul3A_215 : i32
    %mul3A_217 = arith.constant 16 : i32
    %mul3A_218 = arith.muli %arg1, %mul3A_217 : i32
    %add3A_219 = arith.constant 5 : i32
    %add3A_220 = arith.addi %mul3A_218, %add3A_219 : i32
    %dma_start3A_221 = arith.constant 0 : i32
    %dma_start3A_222 = tpu.memref_slice %arg6[%arg0, %add3A_220, %dma_start3A_221] : memref<2x256x512xf32, #tpu.memory_space<hbm>> -> memref<1x1x512xf32, #tpu.memory_space<hbm>>
    %dma_start3A_223 = tpu.memref_squeeze %dma_start3A_222 : memref<1x1x512xf32, #tpu.memory_space<hbm>> -> memref<512xf32, #tpu.memory_space<hbm>>
    %dma_start3A_224 = tpu.memref_slice %arg18[%mul3A_216] : memref<131072xf32, #tpu.memory_space<vmem_shared>> -> memref<512xf32, #tpu.memory_space<vmem_shared>>
    tpu.enqueue_dma source(%dma_start3A_224 : memref<512xf32, #tpu.memory_space<vmem_shared>>) target(%dma_start3A_223 : memref<512xf32, #tpu.memory_space<hbm>>) target_semaphore(%arg20 : memref<!tpu.dma_semaphore, #tpu.memory_space<semaphore_mem>>)
    %mul3A_225 = arith.constant 16 : i32
    %mul3A_226 = arith.muli %arg1, %mul3A_225 : i32
    %add3A_227 = arith.constant 6 : i32
    %add3A_228 = arith.addi %mul3A_226, %add3A_227 : i32
    %mul3A_229 = arith.constant 512 : i32
    %mul3A_230 = arith.muli %add3A_228, %mul3A_229 : i32
    %mul3A_231 = arith.constant 16 : i32
    %mul3A_232 = arith.muli %arg1, %mul3A_231 : i32
    %add3A_233 = arith.constant 6 : i32
    %add3A_234 = arith.addi %mul3A_232, %add3A_233 : i32
    %dma_start3A_235 = arith.constant 0 : i32
    %dma_start3A_236 = tpu.memref_slice %arg6[%arg0, %add3A_234, %dma_start3A_235] : memref<2x256x512xf32, #tpu.memory_space<hbm>> -> memref<1x1x512xf32, #tpu.memory_space<hbm>>
    %dma_start3A_237 = tpu.memref_squeeze %dma_start3A_236 : memref<1x1x512xf32, #tpu.memory_space<hbm>> -> memref<512xf32, #tpu.memory_space<hbm>>
    %dma_start3A_238 = tpu.memref_slice %arg18[%mul3A_230] : memref<131072xf32, #tpu.memory_space<vmem_shared>> -> memref<512xf32, #tpu.memory_space<vmem_shared>>
    tpu.enqueue_dma source(%dma_start3A_238 : memref<512xf32, #tpu.memory_space<vmem_shared>>) target(%dma_start3A_237 : memref<512xf32, #tpu.memory_space<hbm>>) target_semaphore(%arg20 : memref<!tpu.dma_semaphore, #tpu.memory_space<semaphore_mem>>)
    %mul3A_239 = arith.constant 16 : i32
    %mul3A_240 = arith.muli %arg1, %mul3A_239 : i32
    %add3A_241 = arith.constant 7 : i32
    %add3A_242 = arith.addi %mul3A_240, %add3A_241 : i32
    %mul3A_243 = arith.constant 512 : i32
    %mul3A_244 = arith.muli %add3A_242, %mul3A_243 : i32
    %mul3A_245 = arith.constant 16 : i32
    %mul3A_246 = arith.muli %arg1, %mul3A_245 : i32
    %add3A_247 = arith.constant 7 : i32
    %add3A_248 = arith.addi %mul3A_246, %add3A_247 : i32
    %dma_start3A_249 = arith.constant 0 : i32
    %dma_start3A_250 = tpu.memref_slice %arg6[%arg0, %add3A_248, %dma_start3A_249] : memref<2x256x512xf32, #tpu.memory_space<hbm>> -> memref<1x1x512xf32, #tpu.memory_space<hbm>>
    %dma_start3A_251 = tpu.memref_squeeze %dma_start3A_250 : memref<1x1x512xf32, #tpu.memory_space<hbm>> -> memref<512xf32, #tpu.memory_space<hbm>>
    %dma_start3A_252 = tpu.memref_slice %arg18[%mul3A_244] : memref<131072xf32, #tpu.memory_space<vmem_shared>> -> memref<512xf32, #tpu.memory_space<vmem_shared>>
    tpu.enqueue_dma source(%dma_start3A_252 : memref<512xf32, #tpu.memory_space<vmem_shared>>) target(%dma_start3A_251 : memref<512xf32, #tpu.memory_space<hbm>>) target_semaphore(%arg20 : memref<!tpu.dma_semaphore, #tpu.memory_space<semaphore_mem>>)
    %mul3A_253 = arith.constant 16 : i32
    %mul3A_254 = arith.muli %arg1, %mul3A_253 : i32
    %add3A_255 = arith.constant 8 : i32
    %add3A_256 = arith.addi %mul3A_254, %add3A_255 : i32
    %mul3A_257 = arith.constant 512 : i32
    %mul3A_258 = arith.muli %add3A_256, %mul3A_257 : i32
    %mul3A_259 = arith.constant 16 : i32
    %mul3A_260 = arith.muli %arg1, %mul3A_259 : i32
    %add3A_261 = arith.constant 8 : i32
    %add3A_262 = arith.addi %mul3A_260, %add3A_261 : i32
    %dma_start3A_263 = arith.constant 0 : i32
    %dma_start3A_264 = tpu.memref_slice %arg6[%arg0, %add3A_262, %dma_start3A_263] : memref<2x256x512xf32, #tpu.memory_space<hbm>> -> memref<1x1x512xf32, #tpu.memory_space<hbm>>
    %dma_start3A_265 = tpu.memref_squeeze %dma_start3A_264 : memref<1x1x512xf32, #tpu.memory_space<hbm>> -> memref<512xf32, #tpu.memory_space<hbm>>
    %dma_start3A_266 = tpu.memref_slice %arg18[%mul3A_258] : memref<131072xf32, #tpu.memory_space<vmem_shared>> -> memref<512xf32, #tpu.memory_space<vmem_shared>>
    tpu.enqueue_dma source(%dma_start3A_266 : memref<512xf32, #tpu.memory_space<vmem_shared>>) target(%dma_start3A_265 : memref<512xf32, #tpu.memory_space<hbm>>) target_semaphore(%arg20 : memref<!tpu.dma_semaphore, #tpu.memory_space<semaphore_mem>>)
    %mul3A_267 = arith.constant 16 : i32
    %mul3A_268 = arith.muli %arg1, %mul3A_267 : i32
    %add3A_269 = arith.constant 9 : i32
    %add3A_270 = arith.addi %mul3A_268, %add3A_269 : i32
    %mul3A_271 = arith.constant 512 : i32
    %mul3A_272 = arith.muli %add3A_270, %mul3A_271 : i32
    %mul3A_273 = arith.constant 16 : i32
    %mul3A_274 = arith.muli %arg1, %mul3A_273 : i32
    %add3A_275 = arith.constant 9 : i32
    %add3A_276 = arith.addi %mul3A_274, %add3A_275 : i32
    %dma_start3A_277 = arith.constant 0 : i32
    %dma_start3A_278 = tpu.memref_slice %arg6[%arg0, %add3A_276, %dma_start3A_277] : memref<2x256x512xf32, #tpu.memory_space<hbm>> -> memref<1x1x512xf32, #tpu.memory_space<hbm>>
    %dma_start3A_279 = tpu.memref_squeeze %dma_start3A_278 : memref<1x1x512xf32, #tpu.memory_space<hbm>> -> memref<512xf32, #tpu.memory_space<hbm>>
    %dma_start3A_280 = tpu.memref_slice %arg18[%mul3A_272] : memref<131072xf32, #tpu.memory_space<vmem_shared>> -> memref<512xf32, #tpu.memory_space<vmem_shared>>
    tpu.enqueue_dma source(%dma_start3A_280 : memref<512xf32, #tpu.memory_space<vmem_shared>>) target(%dma_start3A_279 : memref<512xf32, #tpu.memory_space<hbm>>) target_semaphore(%arg20 : memref<!tpu.dma_semaphore, #tpu.memory_space<semaphore_mem>>)
    %mul3A_281 = arith.constant 16 : i32
    %mul3A_282 = arith.muli %arg1, %mul3A_281 : i32
    %add3A_283 = arith.constant 10 : i32
    %add3A_284 = arith.addi %mul3A_282, %add3A_283 : i32
    %mul3A_285 = arith.constant 512 : i32
    %mul3A_286 = arith.muli %add3A_284, %mul3A_285 : i32
    %mul3A_287 = arith.constant 16 : i32
    %mul3A_288 = arith.muli %arg1, %mul3A_287 : i32
    %add3A_289 = arith.constant 10 : i32
    %add3A_290 = arith.addi %mul3A_288, %add3A_289 : i32
    %dma_start3A_291 = arith.constant 0 : i32
    %dma_start3A_292 = tpu.memref_slice %arg6[%arg0, %add3A_290, %dma_start3A_291] : memref<2x256x512xf32, #tpu.memory_space<hbm>> -> memref<1x1x512xf32, #tpu.memory_space<hbm>>
    %dma_start3A_293 = tpu.memref_squeeze %dma_start3A_292 : memref<1x1x512xf32, #tpu.memory_space<hbm>> -> memref<512xf32, #tpu.memory_space<hbm>>
    %dma_start3A_294 = tpu.memref_slice %arg18[%mul3A_286] : memref<131072xf32, #tpu.memory_space<vmem_shared>> -> memref<512xf32, #tpu.memory_space<vmem_shared>>
    tpu.enqueue_dma source(%dma_start3A_294 : memref<512xf32, #tpu.memory_space<vmem_shared>>) target(%dma_start3A_293 : memref<512xf32, #tpu.memory_space<hbm>>) target_semaphore(%arg20 : memref<!tpu.dma_semaphore, #tpu.memory_space<semaphore_mem>>)
    %mul3A_295 = arith.constant 16 : i32
    %mul3A_296 = arith.muli %arg1, %mul3A_295 : i32
    %add3A_297 = arith.constant 11 : i32
    %add3A_298 = arith.addi %mul3A_296, %add3A_297 : i32
    %mul3A_299 = arith.constant 512 : i32
    %mul3A_300 = arith.muli %add3A_298, %mul3A_299 : i32
    %mul3A_301 = arith.constant 16 : i32
    %mul3A_302 = arith.muli %arg1, %mul3A_301 : i32
    %add3A_303 = arith.constant 11 : i32
    %add3A_304 = arith.addi %mul3A_302, %add3A_303 : i32
    %dma_start3A_305 = arith.constant 0 : i32
    %dma_start3A_306 = tpu.memref_slice %arg6[%arg0, %add3A_304, %dma_start3A_305] : memref<2x256x512xf32, #tpu.memory_space<hbm>> -> memref<1x1x512xf32, #tpu.memory_space<hbm>>
    %dma_start3A_307 = tpu.memref_squeeze %dma_start3A_306 : memref<1x1x512xf32, #tpu.memory_space<hbm>> -> memref<512xf32, #tpu.memory_space<hbm>>
    %dma_start3A_308 = tpu.memref_slice %arg18[%mul3A_300] : memref<131072xf32, #tpu.memory_space<vmem_shared>> -> memref<512xf32, #tpu.memory_space<vmem_shared>>
    tpu.enqueue_dma source(%dma_start3A_308 : memref<512xf32, #tpu.memory_space<vmem_shared>>) target(%dma_start3A_307 : memref<512xf32, #tpu.memory_space<hbm>>) target_semaphore(%arg20 : memref<!tpu.dma_semaphore, #tpu.memory_space<semaphore_mem>>)
    %mul3A_309 = arith.constant 16 : i32
    %mul3A_310 = arith.muli %arg1, %mul3A_309 : i32
    %add3A_311 = arith.constant 12 : i32
    %add3A_312 = arith.addi %mul3A_310, %add3A_311 : i32
    %mul3A_313 = arith.constant 512 : i32
    %mul3A_314 = arith.muli %add3A_312, %mul3A_313 : i32
    %mul3A_315 = arith.constant 16 : i32
    %mul3A_316 = arith.muli %arg1, %mul3A_315 : i32
    %add3A_317 = arith.constant 12 : i32
    %add3A_318 = arith.addi %mul3A_316, %add3A_317 : i32
    %dma_start3A_319 = arith.constant 0 : i32
    %dma_start3A_320 = tpu.memref_slice %arg6[%arg0, %add3A_318, %dma_start3A_319] : memref<2x256x512xf32, #tpu.memory_space<hbm>> -> memref<1x1x512xf32, #tpu.memory_space<hbm>>
    %dma_start3A_321 = tpu.memref_squeeze %dma_start3A_320 : memref<1x1x512xf32, #tpu.memory_space<hbm>> -> memref<512xf32, #tpu.memory_space<hbm>>
    %dma_start3A_322 = tpu.memref_slice %arg18[%mul3A_314] : memref<131072xf32, #tpu.memory_space<vmem_shared>> -> memref<512xf32, #tpu.memory_space<vmem_shared>>
    tpu.enqueue_dma source(%dma_start3A_322 : memref<512xf32, #tpu.memory_space<vmem_shared>>) target(%dma_start3A_321 : memref<512xf32, #tpu.memory_space<hbm>>) target_semaphore(%arg20 : memref<!tpu.dma_semaphore, #tpu.memory_space<semaphore_mem>>)
    %mul3A_323 = arith.constant 16 : i32
    %mul3A_324 = arith.muli %arg1, %mul3A_323 : i32
    %add3A_325 = arith.constant 13 : i32
    %add3A_326 = arith.addi %mul3A_324, %add3A_325 : i32
    %mul3A_327 = arith.constant 512 : i32
    %mul3A_328 = arith.muli %add3A_326, %mul3A_327 : i32
    %mul3A_329 = arith.constant 16 : i32
    %mul3A_330 = arith.muli %arg1, %mul3A_329 : i32
    %add3A_331 = arith.constant 13 : i32
    %add3A_332 = arith.addi %mul3A_330, %add3A_331 : i32
    %dma_start3A_333 = arith.constant 0 : i32
    %dma_start3A_334 = tpu.memref_slice %arg6[%arg0, %add3A_332, %dma_start3A_333] : memref<2x256x512xf32, #tpu.memory_space<hbm>> -> memref<1x1x512xf32, #tpu.memory_space<hbm>>
    %dma_start3A_335 = tpu.memref_squeeze %dma_start3A_334 : memref<1x1x512xf32, #tpu.memory_space<hbm>> -> memref<512xf32, #tpu.memory_space<hbm>>
    %dma_start3A_336 = tpu.memref_slice %arg18[%mul3A_328] : memref<131072xf32, #tpu.memory_space<vmem_shared>> -> memref<512xf32, #tpu.memory_space<vmem_shared>>
    tpu.enqueue_dma source(%dma_start3A_336 : memref<512xf32, #tpu.memory_space<vmem_shared>>) target(%dma_start3A_335 : memref<512xf32, #tpu.memory_space<hbm>>) target_semaphore(%arg20 : memref<!tpu.dma_semaphore, #tpu.memory_space<semaphore_mem>>)
    %mul3A_337 = arith.constant 16 : i32
    %mul3A_338 = arith.muli %arg1, %mul3A_337 : i32
    %add3A_339 = arith.constant 14 : i32
    %add3A_340 = arith.addi %mul3A_338, %add3A_339 : i32
    %mul3A_341 = arith.constant 512 : i32
    %mul3A_342 = arith.muli %add3A_340, %mul3A_341 : i32
    %mul3A_343 = arith.constant 16 : i32
    %mul3A_344 = arith.muli %arg1, %mul3A_343 : i32
    %add3A_345 = arith.constant 14 : i32
    %add3A_346 = arith.addi %mul3A_344, %add3A_345 : i32
    %dma_start3A_347 = arith.constant 0 : i32
    %dma_start3A_348 = tpu.memref_slice %arg6[%arg0, %add3A_346, %dma_start3A_347] : memref<2x256x512xf32, #tpu.memory_space<hbm>> -> memref<1x1x512xf32, #tpu.memory_space<hbm>>
    %dma_start3A_349 = tpu.memref_squeeze %dma_start3A_348 : memref<1x1x512xf32, #tpu.memory_space<hbm>> -> memref<512xf32, #tpu.memory_space<hbm>>
    %dma_start3A_350 = tpu.memref_slice %arg18[%mul3A_342] : memref<131072xf32, #tpu.memory_space<vmem_shared>> -> memref<512xf32, #tpu.memory_space<vmem_shared>>
    tpu.enqueue_dma source(%dma_start3A_350 : memref<512xf32, #tpu.memory_space<vmem_shared>>) target(%dma_start3A_349 : memref<512xf32, #tpu.memory_space<hbm>>) target_semaphore(%arg20 : memref<!tpu.dma_semaphore, #tpu.memory_space<semaphore_mem>>)
    %mul3A_351 = arith.constant 16 : i32
    %mul3A_352 = arith.muli %arg1, %mul3A_351 : i32
    %add3A_353 = arith.constant 15 : i32
    %add3A_354 = arith.addi %mul3A_352, %add3A_353 : i32
    %mul3A_355 = arith.constant 512 : i32
    %mul3A_356 = arith.muli %add3A_354, %mul3A_355 : i32
    %mul3A_357 = arith.constant 16 : i32
    %mul3A_358 = arith.muli %arg1, %mul3A_357 : i32
    %add3A_359 = arith.constant 15 : i32
    %add3A_360 = arith.addi %mul3A_358, %add3A_359 : i32
    %dma_start3A_361 = arith.constant 0 : i32
    %dma_start3A_362 = tpu.memref_slice %arg6[%arg0, %add3A_360, %dma_start3A_361] : memref<2x256x512xf32, #tpu.memory_space<hbm>> -> memref<1x1x512xf32, #tpu.memory_space<hbm>>
    %dma_start3A_363 = tpu.memref_squeeze %dma_start3A_362 : memref<1x1x512xf32, #tpu.memory_space<hbm>> -> memref<512xf32, #tpu.memory_space<hbm>>
    %dma_start3A_364 = tpu.memref_slice %arg18[%mul3A_356] : memref<131072xf32, #tpu.memory_space<vmem_shared>> -> memref<512xf32, #tpu.memory_space<vmem_shared>>
    tpu.enqueue_dma source(%dma_start3A_364 : memref<512xf32, #tpu.memory_space<vmem_shared>>) target(%dma_start3A_363 : memref<512xf32, #tpu.memory_space<hbm>>) target_semaphore(%arg20 : memref<!tpu.dma_semaphore, #tpu.memory_space<semaphore_mem>>)
    %mul3A_365 = arith.constant 16 : i32
    %mul3A_366 = arith.muli %arg1, %mul3A_365 : i32
    %add3A_367 = arith.constant 0 : i32
    %add3A_368 = arith.addi %mul3A_366, %add3A_367 : i32
    %mul3A_369 = arith.constant 512 : i32
    %mul3A_370 = arith.muli %add3A_368, %mul3A_369 : i32
    %mul3A_371 = arith.constant 16 : i32
    %mul3A_372 = arith.muli %arg1, %mul3A_371 : i32
    %add3A_373 = arith.constant 0 : i32
    %add3A_374 = arith.addi %mul3A_372, %add3A_373 : i32
    %dma_wait3A_375 = arith.constant 0 : i32
    %dma_wait3A_376 = tpu.memref_slice %arg6[%arg0, %add3A_374, %dma_wait3A_375] : memref<2x256x512xf32, #tpu.memory_space<hbm>> -> memref<1x1x512xf32, #tpu.memory_space<hbm>>
    %dma_wait3A_377 = tpu.memref_squeeze %dma_wait3A_376 : memref<1x1x512xf32, #tpu.memory_space<hbm>> -> memref<512xf32, #tpu.memory_space<hbm>>
    %dma_wait3A_378 = tpu.memref_slice %arg18[%mul3A_370] : memref<131072xf32, #tpu.memory_space<vmem_shared>> -> memref<512xf32, #tpu.memory_space<vmem_shared>>
    tpu.wait_dma2 semaphore(%arg20 : memref<!tpu.dma_semaphore, #tpu.memory_space<semaphore_mem>>) src(%dma_wait3A_378 : memref<512xf32, #tpu.memory_space<vmem_shared>>) dst(%dma_wait3A_377 : memref<512xf32, #tpu.memory_space<hbm>>)
    %mul3A_379 = arith.constant 16 : i32
    %mul3A_380 = arith.muli %arg1, %mul3A_379 : i32
    %add3A_381 = arith.constant 1 : i32
    %add3A_382 = arith.addi %mul3A_380, %add3A_381 : i32
    %mul3A_383 = arith.constant 512 : i32
    %mul3A_384 = arith.muli %add3A_382, %mul3A_383 : i32
    %mul3A_385 = arith.constant 16 : i32
    %mul3A_386 = arith.muli %arg1, %mul3A_385 : i32
    %add3A_387 = arith.constant 1 : i32
    %add3A_388 = arith.addi %mul3A_386, %add3A_387 : i32
    %dma_wait3A_389 = arith.constant 0 : i32
    %dma_wait3A_390 = tpu.memref_slice %arg6[%arg0, %add3A_388, %dma_wait3A_389] : memref<2x256x512xf32, #tpu.memory_space<hbm>> -> memref<1x1x512xf32, #tpu.memory_space<hbm>>
    %dma_wait3A_391 = tpu.memref_squeeze %dma_wait3A_390 : memref<1x1x512xf32, #tpu.memory_space<hbm>> -> memref<512xf32, #tpu.memory_space<hbm>>
    %dma_wait3A_392 = tpu.memref_slice %arg18[%mul3A_384] : memref<131072xf32, #tpu.memory_space<vmem_shared>> -> memref<512xf32, #tpu.memory_space<vmem_shared>>
    tpu.wait_dma2 semaphore(%arg20 : memref<!tpu.dma_semaphore, #tpu.memory_space<semaphore_mem>>) src(%dma_wait3A_392 : memref<512xf32, #tpu.memory_space<vmem_shared>>) dst(%dma_wait3A_391 : memref<512xf32, #tpu.memory_space<hbm>>)
    %mul3A_393 = arith.constant 16 : i32
    %mul3A_394 = arith.muli %arg1, %mul3A_393 : i32
    %add3A_395 = arith.constant 2 : i32
    %add3A_396 = arith.addi %mul3A_394, %add3A_395 : i32
    %mul3A_397 = arith.constant 512 : i32
    %mul3A_398 = arith.muli %add3A_396, %mul3A_397 : i32
    %mul3A_399 = arith.constant 16 : i32
    %mul3A_400 = arith.muli %arg1, %mul3A_399 : i32
    %add3A_401 = arith.constant 2 : i32
    %add3A_402 = arith.addi %mul3A_400, %add3A_401 : i32
    %dma_wait3A_403 = arith.constant 0 : i32
    %dma_wait3A_404 = tpu.memref_slice %arg6[%arg0, %add3A_402, %dma_wait3A_403] : memref<2x256x512xf32, #tpu.memory_space<hbm>> -> memref<1x1x512xf32, #tpu.memory_space<hbm>>
    %dma_wait3A_405 = tpu.memref_squeeze %dma_wait3A_404 : memref<1x1x512xf32, #tpu.memory_space<hbm>> -> memref<512xf32, #tpu.memory_space<hbm>>
    %dma_wait3A_406 = tpu.memref_slice %arg18[%mul3A_398] : memref<131072xf32, #tpu.memory_space<vmem_shared>> -> memref<512xf32, #tpu.memory_space<vmem_shared>>
    tpu.wait_dma2 semaphore(%arg20 : memref<!tpu.dma_semaphore, #tpu.memory_space<semaphore_mem>>) src(%dma_wait3A_406 : memref<512xf32, #tpu.memory_space<vmem_shared>>) dst(%dma_wait3A_405 : memref<512xf32, #tpu.memory_space<hbm>>)
    %mul3A_407 = arith.constant 16 : i32
    %mul3A_408 = arith.muli %arg1, %mul3A_407 : i32
    %add3A_409 = arith.constant 3 : i32
    %add3A_410 = arith.addi %mul3A_408, %add3A_409 : i32
    %mul3A_411 = arith.constant 512 : i32
    %mul3A_412 = arith.muli %add3A_410, %mul3A_411 : i32
    %mul3A_413 = arith.constant 16 : i32
    %mul3A_414 = arith.muli %arg1, %mul3A_413 : i32
    %add3A_415 = arith.constant 3 : i32
    %add3A_416 = arith.addi %mul3A_414, %add3A_415 : i32
    %dma_wait3A_417 = arith.constant 0 : i32
    %dma_wait3A_418 = tpu.memref_slice %arg6[%arg0, %add3A_416, %dma_wait3A_417] : memref<2x256x512xf32, #tpu.memory_space<hbm>> -> memref<1x1x512xf32, #tpu.memory_space<hbm>>
    %dma_wait3A_419 = tpu.memref_squeeze %dma_wait3A_418 : memref<1x1x512xf32, #tpu.memory_space<hbm>> -> memref<512xf32, #tpu.memory_space<hbm>>
    %dma_wait3A_420 = tpu.memref_slice %arg18[%mul3A_412] : memref<131072xf32, #tpu.memory_space<vmem_shared>> -> memref<512xf32, #tpu.memory_space<vmem_shared>>
    tpu.wait_dma2 semaphore(%arg20 : memref<!tpu.dma_semaphore, #tpu.memory_space<semaphore_mem>>) src(%dma_wait3A_420 : memref<512xf32, #tpu.memory_space<vmem_shared>>) dst(%dma_wait3A_419 : memref<512xf32, #tpu.memory_space<hbm>>)
    %mul3A_421 = arith.constant 16 : i32
    %mul3A_422 = arith.muli %arg1, %mul3A_421 : i32
    %add3A_423 = arith.constant 4 : i32
    %add3A_424 = arith.addi %mul3A_422, %add3A_423 : i32
    %mul3A_425 = arith.constant 512 : i32
    %mul3A_426 = arith.muli %add3A_424, %mul3A_425 : i32
    %mul3A_427 = arith.constant 16 : i32
    %mul3A_428 = arith.muli %arg1, %mul3A_427 : i32
    %add3A_429 = arith.constant 4 : i32
    %add3A_430 = arith.addi %mul3A_428, %add3A_429 : i32
    %dma_wait3A_431 = arith.constant 0 : i32
    %dma_wait3A_432 = tpu.memref_slice %arg6[%arg0, %add3A_430, %dma_wait3A_431] : memref<2x256x512xf32, #tpu.memory_space<hbm>> -> memref<1x1x512xf32, #tpu.memory_space<hbm>>
    %dma_wait3A_433 = tpu.memref_squeeze %dma_wait3A_432 : memref<1x1x512xf32, #tpu.memory_space<hbm>> -> memref<512xf32, #tpu.memory_space<hbm>>
    %dma_wait3A_434 = tpu.memref_slice %arg18[%mul3A_426] : memref<131072xf32, #tpu.memory_space<vmem_shared>> -> memref<512xf32, #tpu.memory_space<vmem_shared>>
    tpu.wait_dma2 semaphore(%arg20 : memref<!tpu.dma_semaphore, #tpu.memory_space<semaphore_mem>>) src(%dma_wait3A_434 : memref<512xf32, #tpu.memory_space<vmem_shared>>) dst(%dma_wait3A_433 : memref<512xf32, #tpu.memory_space<hbm>>)
    %mul3A_435 = arith.constant 16 : i32
    %mul3A_436 = arith.muli %arg1, %mul3A_435 : i32
    %add3A_437 = arith.constant 5 : i32
    %add3A_438 = arith.addi %mul3A_436, %add3A_437 : i32
    %mul3A_439 = arith.constant 512 : i32
    %mul3A_440 = arith.muli %add3A_438, %mul3A_439 : i32
    %mul3A_441 = arith.constant 16 : i32
    %mul3A_442 = arith.muli %arg1, %mul3A_441 : i32
    %add3A_443 = arith.constant 5 : i32
    %add3A_444 = arith.addi %mul3A_442, %add3A_443 : i32
    %dma_wait3A_445 = arith.constant 0 : i32
    %dma_wait3A_446 = tpu.memref_slice %arg6[%arg0, %add3A_444, %dma_wait3A_445] : memref<2x256x512xf32, #tpu.memory_space<hbm>> -> memref<1x1x512xf32, #tpu.memory_space<hbm>>
    %dma_wait3A_447 = tpu.memref_squeeze %dma_wait3A_446 : memref<1x1x512xf32, #tpu.memory_space<hbm>> -> memref<512xf32, #tpu.memory_space<hbm>>
    %dma_wait3A_448 = tpu.memref_slice %arg18[%mul3A_440] : memref<131072xf32, #tpu.memory_space<vmem_shared>> -> memref<512xf32, #tpu.memory_space<vmem_shared>>
    tpu.wait_dma2 semaphore(%arg20 : memref<!tpu.dma_semaphore, #tpu.memory_space<semaphore_mem>>) src(%dma_wait3A_448 : memref<512xf32, #tpu.memory_space<vmem_shared>>) dst(%dma_wait3A_447 : memref<512xf32, #tpu.memory_space<hbm>>)
    %mul3A_449 = arith.constant 16 : i32
    %mul3A_450 = arith.muli %arg1, %mul3A_449 : i32
    %add3A_451 = arith.constant 6 : i32
    %add3A_452 = arith.addi %mul3A_450, %add3A_451 : i32
    %mul3A_453 = arith.constant 512 : i32
    %mul3A_454 = arith.muli %add3A_452, %mul3A_453 : i32
    %mul3A_455 = arith.constant 16 : i32
    %mul3A_456 = arith.muli %arg1, %mul3A_455 : i32
    %add3A_457 = arith.constant 6 : i32
    %add3A_458 = arith.addi %mul3A_456, %add3A_457 : i32
    %dma_wait3A_459 = arith.constant 0 : i32
    %dma_wait3A_460 = tpu.memref_slice %arg6[%arg0, %add3A_458, %dma_wait3A_459] : memref<2x256x512xf32, #tpu.memory_space<hbm>> -> memref<1x1x512xf32, #tpu.memory_space<hbm>>
    %dma_wait3A_461 = tpu.memref_squeeze %dma_wait3A_460 : memref<1x1x512xf32, #tpu.memory_space<hbm>> -> memref<512xf32, #tpu.memory_space<hbm>>
    %dma_wait3A_462 = tpu.memref_slice %arg18[%mul3A_454] : memref<131072xf32, #tpu.memory_space<vmem_shared>> -> memref<512xf32, #tpu.memory_space<vmem_shared>>
    tpu.wait_dma2 semaphore(%arg20 : memref<!tpu.dma_semaphore, #tpu.memory_space<semaphore_mem>>) src(%dma_wait3A_462 : memref<512xf32, #tpu.memory_space<vmem_shared>>) dst(%dma_wait3A_461 : memref<512xf32, #tpu.memory_space<hbm>>)
    %mul3A_463 = arith.constant 16 : i32
    %mul3A_464 = arith.muli %arg1, %mul3A_463 : i32
    %add3A_465 = arith.constant 7 : i32
    %add3A_466 = arith.addi %mul3A_464, %add3A_465 : i32
    %mul3A_467 = arith.constant 512 : i32
    %mul3A_468 = arith.muli %add3A_466, %mul3A_467 : i32
    %mul3A_469 = arith.constant 16 : i32
    %mul3A_470 = arith.muli %arg1, %mul3A_469 : i32
    %add3A_471 = arith.constant 7 : i32
    %add3A_472 = arith.addi %mul3A_470, %add3A_471 : i32
    %dma_wait3A_473 = arith.constant 0 : i32
    %dma_wait3A_474 = tpu.memref_slice %arg6[%arg0, %add3A_472, %dma_wait3A_473] : memref<2x256x512xf32, #tpu.memory_space<hbm>> -> memref<1x1x512xf32, #tpu.memory_space<hbm>>
    %dma_wait3A_475 = tpu.memref_squeeze %dma_wait3A_474 : memref<1x1x512xf32, #tpu.memory_space<hbm>> -> memref<512xf32, #tpu.memory_space<hbm>>
    %dma_wait3A_476 = tpu.memref_slice %arg18[%mul3A_468] : memref<131072xf32, #tpu.memory_space<vmem_shared>> -> memref<512xf32, #tpu.memory_space<vmem_shared>>
    tpu.wait_dma2 semaphore(%arg20 : memref<!tpu.dma_semaphore, #tpu.memory_space<semaphore_mem>>) src(%dma_wait3A_476 : memref<512xf32, #tpu.memory_space<vmem_shared>>) dst(%dma_wait3A_475 : memref<512xf32, #tpu.memory_space<hbm>>)
    %mul3A_477 = arith.constant 16 : i32
    %mul3A_478 = arith.muli %arg1, %mul3A_477 : i32
    %add3A_479 = arith.constant 8 : i32
    %add3A_480 = arith.addi %mul3A_478, %add3A_479 : i32
    %mul3A_481 = arith.constant 512 : i32
    %mul3A_482 = arith.muli %add3A_480, %mul3A_481 : i32
    %mul3A_483 = arith.constant 16 : i32
    %mul3A_484 = arith.muli %arg1, %mul3A_483 : i32
    %add3A_485 = arith.constant 8 : i32
    %add3A_486 = arith.addi %mul3A_484, %add3A_485 : i32
    %dma_wait3A_487 = arith.constant 0 : i32
    %dma_wait3A_488 = tpu.memref_slice %arg6[%arg0, %add3A_486, %dma_wait3A_487] : memref<2x256x512xf32, #tpu.memory_space<hbm>> -> memref<1x1x512xf32, #tpu.memory_space<hbm>>
    %dma_wait3A_489 = tpu.memref_squeeze %dma_wait3A_488 : memref<1x1x512xf32, #tpu.memory_space<hbm>> -> memref<512xf32, #tpu.memory_space<hbm>>
    %dma_wait3A_490 = tpu.memref_slice %arg18[%mul3A_482] : memref<131072xf32, #tpu.memory_space<vmem_shared>> -> memref<512xf32, #tpu.memory_space<vmem_shared>>
    tpu.wait_dma2 semaphore(%arg20 : memref<!tpu.dma_semaphore, #tpu.memory_space<semaphore_mem>>) src(%dma_wait3A_490 : memref<512xf32, #tpu.memory_space<vmem_shared>>) dst(%dma_wait3A_489 : memref<512xf32, #tpu.memory_space<hbm>>)
    %mul3A_491 = arith.constant 16 : i32
    %mul3A_492 = arith.muli %arg1, %mul3A_491 : i32
    %add3A_493 = arith.constant 9 : i32
    %add3A_494 = arith.addi %mul3A_492, %add3A_493 : i32
    %mul3A_495 = arith.constant 512 : i32
    %mul3A_496 = arith.muli %add3A_494, %mul3A_495 : i32
    %mul3A_497 = arith.constant 16 : i32
    %mul3A_498 = arith.muli %arg1, %mul3A_497 : i32
    %add3A_499 = arith.constant 9 : i32
    %add3A_500 = arith.addi %mul3A_498, %add3A_499 : i32
    %dma_wait3A_501 = arith.constant 0 : i32
    %dma_wait3A_502 = tpu.memref_slice %arg6[%arg0, %add3A_500, %dma_wait3A_501] : memref<2x256x512xf32, #tpu.memory_space<hbm>> -> memref<1x1x512xf32, #tpu.memory_space<hbm>>
    %dma_wait3A_503 = tpu.memref_squeeze %dma_wait3A_502 : memref<1x1x512xf32, #tpu.memory_space<hbm>> -> memref<512xf32, #tpu.memory_space<hbm>>
    %dma_wait3A_504 = tpu.memref_slice %arg18[%mul3A_496] : memref<131072xf32, #tpu.memory_space<vmem_shared>> -> memref<512xf32, #tpu.memory_space<vmem_shared>>
    tpu.wait_dma2 semaphore(%arg20 : memref<!tpu.dma_semaphore, #tpu.memory_space<semaphore_mem>>) src(%dma_wait3A_504 : memref<512xf32, #tpu.memory_space<vmem_shared>>) dst(%dma_wait3A_503 : memref<512xf32, #tpu.memory_space<hbm>>)
    %mul3A_505 = arith.constant 16 : i32
    %mul3A_506 = arith.muli %arg1, %mul3A_505 : i32
    %add3A_507 = arith.constant 10 : i32
    %add3A_508 = arith.addi %mul3A_506, %add3A_507 : i32
    %mul3A_509 = arith.constant 512 : i32
    %mul3A_510 = arith.muli %add3A_508, %mul3A_509 : i32
    %mul3A_511 = arith.constant 16 : i32
    %mul3A_512 = arith.muli %arg1, %mul3A_511 : i32
    %add3A_513 = arith.constant 10 : i32
    %add3A_514 = arith.addi %mul3A_512, %add3A_513 : i32
    %dma_wait3A_515 = arith.constant 0 : i32
    %dma_wait3A_516 = tpu.memref_slice %arg6[%arg0, %add3A_514, %dma_wait3A_515] : memref<2x256x512xf32, #tpu.memory_space<hbm>> -> memref<1x1x512xf32, #tpu.memory_space<hbm>>
    %dma_wait3A_517 = tpu.memref_squeeze %dma_wait3A_516 : memref<1x1x512xf32, #tpu.memory_space<hbm>> -> memref<512xf32, #tpu.memory_space<hbm>>
    %dma_wait3A_518 = tpu.memref_slice %arg18[%mul3A_510] : memref<131072xf32, #tpu.memory_space<vmem_shared>> -> memref<512xf32, #tpu.memory_space<vmem_shared>>
    tpu.wait_dma2 semaphore(%arg20 : memref<!tpu.dma_semaphore, #tpu.memory_space<semaphore_mem>>) src(%dma_wait3A_518 : memref<512xf32, #tpu.memory_space<vmem_shared>>) dst(%dma_wait3A_517 : memref<512xf32, #tpu.memory_space<hbm>>)
    %mul3A_519 = arith.constant 16 : i32
    %mul3A_520 = arith.muli %arg1, %mul3A_519 : i32
    %add3A_521 = arith.constant 11 : i32
    %add3A_522 = arith.addi %mul3A_520, %add3A_521 : i32
    %mul3A_523 = arith.constant 512 : i32
    %mul3A_524 = arith.muli %add3A_522, %mul3A_523 : i32
    %mul3A_525 = arith.constant 16 : i32
    %mul3A_526 = arith.muli %arg1, %mul3A_525 : i32
    %add3A_527 = arith.constant 11 : i32
    %add3A_528 = arith.addi %mul3A_526, %add3A_527 : i32
    %dma_wait3A_529 = arith.constant 0 : i32
    %dma_wait3A_530 = tpu.memref_slice %arg6[%arg0, %add3A_528, %dma_wait3A_529] : memref<2x256x512xf32, #tpu.memory_space<hbm>> -> memref<1x1x512xf32, #tpu.memory_space<hbm>>
    %dma_wait3A_531 = tpu.memref_squeeze %dma_wait3A_530 : memref<1x1x512xf32, #tpu.memory_space<hbm>> -> memref<512xf32, #tpu.memory_space<hbm>>
    %dma_wait3A_532 = tpu.memref_slice %arg18[%mul3A_524] : memref<131072xf32, #tpu.memory_space<vmem_shared>> -> memref<512xf32, #tpu.memory_space<vmem_shared>>
    tpu.wait_dma2 semaphore(%arg20 : memref<!tpu.dma_semaphore, #tpu.memory_space<semaphore_mem>>) src(%dma_wait3A_532 : memref<512xf32, #tpu.memory_space<vmem_shared>>) dst(%dma_wait3A_531 : memref<512xf32, #tpu.memory_space<hbm>>)
    %mul3A_533 = arith.constant 16 : i32
    %mul3A_534 = arith.muli %arg1, %mul3A_533 : i32
    %add3A_535 = arith.constant 12 : i32
    %add3A_536 = arith.addi %mul3A_534, %add3A_535 : i32
    %mul3A_537 = arith.constant 512 : i32
    %mul3A_538 = arith.muli %add3A_536, %mul3A_537 : i32
    %mul3A_539 = arith.constant 16 : i32
    %mul3A_540 = arith.muli %arg1, %mul3A_539 : i32
    %add3A_541 = arith.constant 12 : i32
    %add3A_542 = arith.addi %mul3A_540, %add3A_541 : i32
    %dma_wait3A_543 = arith.constant 0 : i32
    %dma_wait3A_544 = tpu.memref_slice %arg6[%arg0, %add3A_542, %dma_wait3A_543] : memref<2x256x512xf32, #tpu.memory_space<hbm>> -> memref<1x1x512xf32, #tpu.memory_space<hbm>>
    %dma_wait3A_545 = tpu.memref_squeeze %dma_wait3A_544 : memref<1x1x512xf32, #tpu.memory_space<hbm>> -> memref<512xf32, #tpu.memory_space<hbm>>
    %dma_wait3A_546 = tpu.memref_slice %arg18[%mul3A_538] : memref<131072xf32, #tpu.memory_space<vmem_shared>> -> memref<512xf32, #tpu.memory_space<vmem_shared>>
    tpu.wait_dma2 semaphore(%arg20 : memref<!tpu.dma_semaphore, #tpu.memory_space<semaphore_mem>>) src(%dma_wait3A_546 : memref<512xf32, #tpu.memory_space<vmem_shared>>) dst(%dma_wait3A_545 : memref<512xf32, #tpu.memory_space<hbm>>)
    %mul3A_547 = arith.constant 16 : i32
    %mul3A_548 = arith.muli %arg1, %mul3A_547 : i32
    %add3A_549 = arith.constant 13 : i32
    %add3A_550 = arith.addi %mul3A_548, %add3A_549 : i32
    %mul3A_551 = arith.constant 512 : i32
    %mul3A_552 = arith.muli %add3A_550, %mul3A_551 : i32
    %mul3A_553 = arith.constant 16 : i32
    %mul3A_554 = arith.muli %arg1, %mul3A_553 : i32
    %add3A_555 = arith.constant 13 : i32
    %add3A_556 = arith.addi %mul3A_554, %add3A_555 : i32
    %dma_wait3A_557 = arith.constant 0 : i32
    %dma_wait3A_558 = tpu.memref_slice %arg6[%arg0, %add3A_556, %dma_wait3A_557] : memref<2x256x512xf32, #tpu.memory_space<hbm>> -> memref<1x1x512xf32, #tpu.memory_space<hbm>>
    %dma_wait3A_559 = tpu.memref_squeeze %dma_wait3A_558 : memref<1x1x512xf32, #tpu.memory_space<hbm>> -> memref<512xf32, #tpu.memory_space<hbm>>
    %dma_wait3A_560 = tpu.memref_slice %arg18[%mul3A_552] : memref<131072xf32, #tpu.memory_space<vmem_shared>> -> memref<512xf32, #tpu.memory_space<vmem_shared>>
    tpu.wait_dma2 semaphore(%arg20 : memref<!tpu.dma_semaphore, #tpu.memory_space<semaphore_mem>>) src(%dma_wait3A_560 : memref<512xf32, #tpu.memory_space<vmem_shared>>) dst(%dma_wait3A_559 : memref<512xf32, #tpu.memory_space<hbm>>)
    %mul3A_561 = arith.constant 16 : i32
    %mul3A_562 = arith.muli %arg1, %mul3A_561 : i32
    %add3A_563 = arith.constant 14 : i32
    %add3A_564 = arith.addi %mul3A_562, %add3A_563 : i32
    %mul3A_565 = arith.constant 512 : i32
    %mul3A_566 = arith.muli %add3A_564, %mul3A_565 : i32
    %mul3A_567 = arith.constant 16 : i32
    %mul3A_568 = arith.muli %arg1, %mul3A_567 : i32
    %add3A_569 = arith.constant 14 : i32
    %add3A_570 = arith.addi %mul3A_568, %add3A_569 : i32
    %dma_wait3A_571 = arith.constant 0 : i32
    %dma_wait3A_572 = tpu.memref_slice %arg6[%arg0, %add3A_570, %dma_wait3A_571] : memref<2x256x512xf32, #tpu.memory_space<hbm>> -> memref<1x1x512xf32, #tpu.memory_space<hbm>>
    %dma_wait3A_573 = tpu.memref_squeeze %dma_wait3A_572 : memref<1x1x512xf32, #tpu.memory_space<hbm>> -> memref<512xf32, #tpu.memory_space<hbm>>
    %dma_wait3A_574 = tpu.memref_slice %arg18[%mul3A_566] : memref<131072xf32, #tpu.memory_space<vmem_shared>> -> memref<512xf32, #tpu.memory_space<vmem_shared>>
    tpu.wait_dma2 semaphore(%arg20 : memref<!tpu.dma_semaphore, #tpu.memory_space<semaphore_mem>>) src(%dma_wait3A_574 : memref<512xf32, #tpu.memory_space<vmem_shared>>) dst(%dma_wait3A_573 : memref<512xf32, #tpu.memory_space<hbm>>)
    %mul3A_575 = arith.constant 16 : i32
    %mul3A_576 = arith.muli %arg1, %mul3A_575 : i32
    %add3A_577 = arith.constant 15 : i32
    %add3A_578 = arith.addi %mul3A_576, %add3A_577 : i32
    %mul3A_579 = arith.constant 512 : i32
    %mul3A_580 = arith.muli %add3A_578, %mul3A_579 : i32
    %mul3A_581 = arith.constant 16 : i32
    %mul3A_582 = arith.muli %arg1, %mul3A_581 : i32
    %add3A_583 = arith.constant 15 : i32
    %add3A_584 = arith.addi %mul3A_582, %add3A_583 : i32
    %dma_wait3A_585 = arith.constant 0 : i32
    %dma_wait3A_586 = tpu.memref_slice %arg6[%arg0, %add3A_584, %dma_wait3A_585] : memref<2x256x512xf32, #tpu.memory_space<hbm>> -> memref<1x1x512xf32, #tpu.memory_space<hbm>>
    %dma_wait3A_587 = tpu.memref_squeeze %dma_wait3A_586 : memref<1x1x512xf32, #tpu.memory_space<hbm>> -> memref<512xf32, #tpu.memory_space<hbm>>
    %dma_wait3A_588 = tpu.memref_slice %arg18[%mul3A_580] : memref<131072xf32, #tpu.memory_space<vmem_shared>> -> memref<512xf32, #tpu.memory_space<vmem_shared>>
    tpu.wait_dma2 semaphore(%arg20 : memref<!tpu.dma_semaphore, #tpu.memory_space<semaphore_mem>>) src(%dma_wait3A_588 : memref<512xf32, #tpu.memory_space<vmem_shared>>) dst(%dma_wait3A_587 : memref<512xf32, #tpu.memory_space<hbm>>)
    return
  }
}

module attributes {stable_mosaic.version = 14 : i64} {
  func.func @_graph_readout_body(%arg0: memref<2x256x512xf32, #tpu.memory_space<vmem>>, %arg1: memref<512x128xf32, #tpu.memory_space<vmem>>, %arg2: memref<256x128xf32, #tpu.memory_space<vmem>>) attributes {dimension_semantics = [], scalar_prefetch = 0 : i64, scratch_operands = 0 : i64, tpu.core_type = #tpu.core_type<tc>} {
    %get3A = arith.constant 0 : index
    %get3A_0 = arith.constant 0 : index
    %get3A_1 = arith.constant 0 : index
    %get3A_2 = vector.load %arg0[%get3A, %get3A_0, %get3A_1] : memref<2x256x512xf32, #tpu.memory_space<vmem>>, vector<1x256x512xf32>
    %get3A_3 = vector.shape_cast %get3A_2 : vector<1x256x512xf32> to vector<256x512xf32>
    %get3A_4 = arith.constant 1 : index
    %get3A_5 = arith.constant 0 : index
    %get3A_6 = arith.constant 0 : index
    %get3A_7 = vector.load %arg0[%get3A_4, %get3A_5, %get3A_6] : memref<2x256x512xf32, #tpu.memory_space<vmem>>, vector<1x256x512xf32>
    %get3A_8 = vector.shape_cast %get3A_7 : vector<1x256x512xf32> to vector<256x512xf32>
    %add3A = arith.addf %get3A_3, %get3A_8 : vector<256x512xf32>
    %get3A_9 = arith.constant 0 : index
    %get3A_10 = arith.constant 0 : index
    %get3A_11 = vector.load %arg1[%get3A_9, %get3A_10] : memref<512x128xf32, #tpu.memory_space<vmem>>, vector<512x128xf32>
    %dot_general3A = arith.constant dense<0.000000e+00> : vector<256x128xf32>
    %dot_general3A_12 = tpu.matmul %add3A, %get3A_11, %dot_general3A {dimension_numbers = #tpu.dot_dimension_numbers<[1], [0], [0], [1], [0, 0, 1, 1], [], []>, precision = #tpu.contract_precision<fp32>, transpose_lhs_hint = false} : vector<256x512xf32>, vector<512x128xf32>, vector<256x128xf32> -> vector<256x128xf32>
    %swap3A = arith.constant 0 : index
    %swap3A_13 = arith.constant 0 : index
    %swap3A_14 = vector.load %arg2[%swap3A, %swap3A_13] : memref<256x128xf32, #tpu.memory_space<vmem>>, vector<256x128xf32>
    tpu.vector_store %arg2[%swap3A, %swap3A_13], %dot_general3A_12 {strides = array<i32>} : memref<256x128xf32, #tpu.memory_space<vmem>>, vector<256x128xf32>,
    return
  }
}

module attributes {stable_mosaic.version = 14 : i64} {
  func.func @_table_transform_body(%arg0: memref<512x128xf32, #tpu.memory_space<vmem>>, %arg1: memref<128x128xf32, #tpu.memory_space<vmem>>, %arg2: memref<128xf32, #tpu.memory_space<vmem>>, %arg3: memref<128x128xf32, #tpu.memory_space<vmem>>, %arg4: memref<128xf32, #tpu.memory_space<vmem>>, %arg5: memref<512x128xf32, #tpu.memory_space<vmem>>) attributes {dimension_semantics = [], scalar_prefetch = 0 : i64, scratch_operands = 0 : i64, tpu.core_type = #tpu.core_type<tc>} {
    %get3A = arith.constant 0 : index
    %get3A_0 = arith.constant 0 : index
    %get3A_1 = vector.load %arg0[%get3A, %get3A_0] : memref<512x128xf32, #tpu.memory_space<vmem>>, vector<512x128xf32>
    %get3A_2 = arith.constant 0 : index
    %get3A_3 = arith.constant 0 : index
    %get3A_4 = vector.load %arg1[%get3A_2, %get3A_3] : memref<128x128xf32, #tpu.memory_space<vmem>>, vector<128x128xf32>
    %dot_general3A = arith.constant dense<0.000000e+00> : vector<512x128xf32>
    %dot_general3A_5 = tpu.matmul %get3A_1, %get3A_4, %dot_general3A {dimension_numbers = #tpu.dot_dimension_numbers<[1], [0], [0], [1], [0, 0, 1, 1], [], []>, transpose_lhs_hint = false} : vector<512x128xf32>, vector<128x128xf32>, vector<512x128xf32> -> vector<512x128xf32>
    %get3A_6 = arith.constant 0 : index
    %get3A_7 = vector.load %arg2[%get3A_6] : memref<128xf32, #tpu.memory_space<vmem>>, vector<128xf32>
    %broadcast_in_dim3A = vector.shape_cast %get3A_7 : vector<128xf32> to vector<1x128xf32>
    %add3A = vector.broadcast %broadcast_in_dim3A : vector<1x128xf32> to vector<512x128xf32>
    %add3A_8 = arith.addf %dot_general3A_5, %add3A : vector<512x128xf32>
    %max3A = arith.constant 0.000000e+00 : f32
    %max3A_9 = vector.broadcast %max3A : f32 to vector<512x128xf32>
    %max3A_10 = arith.maximumf %add3A_8, %max3A_9 : vector<512x128xf32>
    %get3A_11 = arith.constant 0 : index
    %get3A_12 = arith.constant 0 : index
    %get3A_13 = vector.load %arg3[%get3A_11, %get3A_12] : memref<128x128xf32, #tpu.memory_space<vmem>>, vector<128x128xf32>
    %dot_general3A_14 = arith.constant dense<0.000000e+00> : vector<512x128xf32>
    %dot_general3A_15 = tpu.matmul %max3A_10, %get3A_13, %dot_general3A_14 {dimension_numbers = #tpu.dot_dimension_numbers<[1], [0], [0], [1], [0, 0, 1, 1], [], []>, transpose_lhs_hint = false} : vector<512x128xf32>, vector<128x128xf32>, vector<512x128xf32> -> vector<512x128xf32>
    %get3A_16 = arith.constant 0 : index
    %get3A_17 = vector.load %arg4[%get3A_16] : memref<128xf32, #tpu.memory_space<vmem>>, vector<128xf32>
    %broadcast_in_dim3A_18 = vector.shape_cast %get3A_17 : vector<128xf32> to vector<1x128xf32>
    %add3A_19 = vector.broadcast %broadcast_in_dim3A_18 : vector<1x128xf32> to vector<512x128xf32>
    %add3A_20 = arith.addf %dot_general3A_15, %add3A_19 : vector<512x128xf32>
    %max3A_21 = arith.constant 0.000000e+00 : f32
    %max3A_22 = vector.broadcast %max3A_21 : f32 to vector<512x128xf32>
    %max3A_23 = arith.maximumf %add3A_20, %max3A_22 : vector<512x128xf32>
    %swap3A = arith.constant 0 : index
    %swap3A_24 = arith.constant 0 : index
    %swap3A_25 = vector.load %arg5[%swap3A, %swap3A_24] : memref<512x128xf32, #tpu.memory_space<vmem>>, vector<512x128xf32>
    tpu.vector_store %arg5[%swap3A, %swap3A_24], %max3A_23 {strides = array<i32>} : memref<512x128xf32, #tpu.memory_space<vmem>>, vector<512x128xf32>,
    return
  }
}

</mosaic_0001>

<sc_bundles>
// kernel: kernel.5.cloned.1.call-start
scs
__scs_entry_jumppad:
0x0: {  	(pc) =	sbr.rel $0x88, $3  }
0x1: {  	(tag) =	ssettag $0x0;
	lr =	simm.s32 $0x1  }
0x2: {  	[smem:$0x3F9A] =	sst lr;
	_ =	strace $0xD0000000  }
0x3: {  	_ = 	snop  }
0x4: {  	_ = 	snop  }
0x5: {  	_ = 	snop  }
0x6: {  	_ = 	snop  }
0x7: {  	_ = 	snop  }
__scs_overlays_trampoline_lowered:
0x8: {  	[smem:$0x3FA9] =	sst s0  }
0x9: {  	[smem:$0x3FAA] =	sst s1  }
0xa: {  	[smem:$0x3FAB] =	sst s2  }
0xb: {  	[smem:$0x3FAC] =	sst s3  }
0xc: {  	[smem:$0x3FAD] =	sst s4  }
0xd: {  	[smem:$0x3FAE] =	sst s5  }
0xe: {  	[smem:$0x3FAF] =	sst s6  }
0xf: {  	[smem:$0x3FB0] =	sst s7  }
0x10: {  	[smem:$0x3FB1] =	sst s8  }
0x11: {  	[smem:$0x3FB2] =	sst s9;
	s0 =	simm.s32 @!p0 $0x0  }
0x12: {  	s1 =	sld [smem:$0x3F98];
	s0 =	simm.s32 @p0 $0x1  }
0x13: {  	[smem:$0x3FB3] =	sst s0;
	s0 =	simm.s32 @!p1 $0x0  }
0x14: {  	s2 =	sld [smem:$0x3F97];
	s0 =	simm.s32 @p1 $0x1  }
0x15: {  	[smem:$0x3FB4] =	sst s0;
	s0 =	simm.s32 @!p2 $0x0  }
0x16: {  	s3 =	sld [smem:$0x3FDB];
	s0 =	simm.s32 @p2 $0x1  }
0x17: {  	s4 =	simm.s32 $0x1BF5;
	[smem:$0x3FB6] =	sst s0  }
0x18: {  	s0 =	sld [smem:$0x3F99];
	_ =	swait.ge [sflag:s4], $0x0  }
0x19: {  	s7 =	sld [smem:$0x3F9A]  }
0x1a: {  	s8 =	sadd.s32 $0xFFFFE003, lr  }
0x1b: {  	s9 =	sadd.s32 $0xFFFFFEF7, lr;
	s5 =	simm.s32 $0xFFFFFFFF;
	p2 =	slt.u32 s8, $0xFFFFF086  }
0x1c: {  	p1 =	slt.u32 s9, $0xF7A;
	s5 =	simm.s32 @!p2 $0x0  }
0x1d: {  	s5 =	simm.s32 @p1 $0x1;
	p0 =	seq.s32 s7, s2  }
0x1e: {  	s7 =	smul.u32 @!p0 $0xF7A, s2;
	p2 =	seq.s32 @!p0 s5, $0x0  }
0x1f: {  	s9 =	smul.u32 $0xF7A, s1;
	s8 =	simm.s32 @!p0 $0x1BF5;
	p2 =	por !p2, p0  }
0x20: {  	[sflag:s8] =	ssyncset.s32 @!p0 $0xFFFFF086;
	s6 =	sadd.s32 @!p0 s3, s7;
	s7 =	simm.s32 @!p0 $0x108  }
0x21: {  	s3 =	sadd.s32 s3, s9;
	s6 =	sadd.s32 @!p0 $0x88, s6;
	s7 =	simm.s32 @p2 $0x1082  }
0x22: {  	[simem:s7], [sflag:s8] =	dma.local @!p0 [hbm:s6], $0xF7A  }
0x23: {  	s9 =	sor.u32 $0xD0000000, s2;
	s6 =	simm.s32 $0x108;
	_ =	swait.ge @!p0 [sflag:s8], $0x0  }
0x24: {  	s3 =	sadd.s32 $0x88, s3;
	s6 =	simm.s32 @!p1 $0x1082;
	[sflag:s4] =	ssyncset.s32 $0xFFFFF086  }
0x25: {  	[simem:s6], [sflag:s4] =	dma.local [hbm:s3], $0xF7A  }
0x26: {  	[smem:$0x3F9A] =	sst s1;
	(tag) =	ssettag s2;
	_ =	strace s9  }
0x27: {  	s1 =	sld [smem:$0x3FAA]  }
0x28: {  	s2 =	sld [smem:$0x3FAB]  }
0x29: {  	s4 =	sld [smem:$0x3FAD]  }
0x2a: {  	p0 =	seq.s32 s5, $0x0;
	s5 =	sld [smem:$0x3FAE]  }
0x2b: {  	s6 =	sld [smem:$0x3FAF]  }
0x2c: {  	s7 =	sld [smem:$0x3FB0]  }
0x2d: {  	s3 =	simm.s32 $0x108;
	s8 =	sld [smem:$0x3FB1]  }
0x2e: {  	s3 =	simm.s32 @!p0 $0x1082;
	s9 =	sld [smem:$0x3FB2]  }
0x2f: {  	lr =	sadd.s32 s0, s3;
	s0 =	sld [smem:$0x3FA9]  }
0x30: {  	s3 =	sld [smem:$0x3FAC]  }
0x31: {  	[smem:$0x3FB5] =	sst s10  }
0x32: {  	s10 =	sld [smem:$0x3FB3];
	_ =	sdelay $0x3  }
0x33: {  	p0 =	seq.s32 s10, $0x1;
	s10 =	sld [smem:$0x3FB5];
	_ =	sdelay $0x3  }
0x34: {  	[smem:$0x3FB5] =	sst s10  }
0x35: {  	s10 =	sld [smem:$0x3FB4];
	_ =	sdelay $0x3  }
0x36: {  	p1 =	seq.s32 s10, $0x1;
	s10 =	sld [smem:$0x3FB5];
	_ =	sdelay $0x3  }
0x37: {  	[smem:$0x3FB5] =	sst s10  }
0x38: {  	s10 =	sld [smem:$0x3FB6]  }
0x39: {  	_ = 	snop;
	(pc) =	sbr.ind lr, $3  }
0x3a: {  	_ = 	snop  }
0x3b: {  	_ = 	snop  }
0x3c: {  	p2 =	seq.s32 s10, $0x1;
	s10 =	sld [smem:$0x3FB5]  }
0x3d: {  	_ =	shalt  }
0x3e: {  	_ =	shalt  }
0x3f: {  	_ =	shalt  }
0x40: {  	_ =	shalt  }
0x41: {  	_ =	shalt  }
0x42: {  	_ =	shalt  }
0x43: {  	_ =	shalt  }
0x44: {  	_ =	shalt  }
0x45: {  	_ =	shalt  }
0x46: {  	_ =	shalt  }
0x47: {  	_ =	shalt  }
0x48: {  	_ =	shalt  }
0x49: {  	_ =	shalt  }
0x4a: {  	_ =	shalt  }
0x4b: {  	_ =	shalt  }
0x4c: {  	_ =	shalt  }
0x4d: {  	_ =	shalt  }
0x4e: {  	_ =	shalt  }
0x4f: {  	_ =	shalt  }
0x50: {  	_ =	shalt  }
0x51: {  	_ =	shalt  }
0x52: {  	_ =	shalt  }
0x53: {  	_ =	shalt  }
0x54: {  	_ =	shalt  }
0x55: {  	_ =	shalt  }
0x56: {  	_ =	shalt  }
0x57: {  	_ =	shalt  }
0x58: {  	_ =	shalt  }
0x59: {  	_ =	shalt  }
0x5a: {  	_ =	shalt  }
0x5b: {  	_ =	shalt  }
0x5c: {  	_ =	shalt  }
0x5d: {  	_ =	shalt  }
0x5e: {  	_ =	shalt  }
0x5f: {  	_ =	shalt  }
0x60: {  	_ =	shalt  }
0x61: {  	_ =	shalt  }
0x62: {  	_ =	shalt  }
0x63: {  	_ =	shalt  }
0x64: {  	_ =	shalt  }
0x65: {  	_ =	shalt  }
0x66: {  	_ =	shalt  }
0x67: {  	_ =	shalt  }
0x68: {  	_ =	shalt  }
0x69: {  	_ =	shalt  }
0x6a: {  	_ =	shalt  }
0x6b: {  	_ =	shalt  }
0x6c: {  	_ =	shalt  }
0x6d: {  	_ =	shalt  }
0x6e: {  	_ =	shalt  }
0x6f: {  	_ =	shalt  }
0x70: {  	_ =	shalt  }
0x71: {  	_ =	shalt  }
0x72: {  	_ =	shalt  }
0x73: {  	_ =	shalt  }
0x74: {  	_ =	shalt  }
0x75: {  	_ =	shalt  }
0x76: {  	_ =	shalt  }
0x77: {  	_ =	shalt  }
0x78: {  	_ =	shalt  }
0x79: {  	_ =	shalt  }
0x7a: {  	_ =	shalt  }
0x7b: {  	_ =	shalt  }
0x7c: {  	_ =	shalt  }
0x7d: {  	_ =	shalt  }
0x7e: {  	_ =	shalt  }
0x7f: {  	_ =	shalt  }
0x80: {  	_ =	shalt  }
0x81: {  	_ =	shalt  }
0x82: {  	_ =	shalt  }
0x83: {  	_ =	shalt  }
0x84: {  	_ =	shalt  }
0x85: {  	_ =	shalt  }
0x86: {  	_ =	shalt  }
0x87: {  	_ =	shalt  }
.Lfunc_end0:
.L_simem_size_0:
called_computation_lowered:
.L_overlay_start_0:
0x88: {  	s2 =	sld [smem:$0x3FD9]  }
0x89: {  	s3 =	sld [smem:$0x3FFE];
	_ =	sdelay $0x1  }
0x8a: {  	s1 =	srdreg.scid  }
0x8b: {  	s0 =	sand.u32 $0x1, s1  }
0x8c: {  	s14 =	sshll.u32 s0, $0xA;
	s2 =	sadd.s32 s3, s2  }
0x8d: {  	s2 =	sadd.s32 s2, s14  }
0x8e: {  	[smem:$0x3FC1] =	sst s2  }
0x8f: {  	_ = 	snop  }
0x90: {  	s2 =	sld [smem:$0x3FD0];
	_ =	sdelay $0x1  }
0x91: {  	s15 =	sld [smem:$0x3FC9]  }
0x92: {  	s5 =	simm.s32 $0xA;
	s6 =	simm.s32 $0x10;
	s4 =	sld [smem:$0x3FC8]  }
0x93: {  	[smem:s6], [sflag:s5] =	dma.local [hbm:s2], $0x1  }
0x94: {  	_ =	swait.eq [sflag:s5], $0x1  }
0x95: {  	[sflag:s5] =	ssyncset.done $0x0  }
0x96: {  	[sflag:s5] =	ssyncadd.s32 $0xFFFFFFFF  }
0x97: {  	s16 =	sld [smem:$0x11];
	(tm) =	ssettm $0x1  }
0x98: {  	s17 =	sld [smem:$0x3FFB];
	_ =	sdelay $0x3  }
0x99: {  	_ =	strace s17  }
0x9a: {  	s5 =	sld [smem:$0x3FFC];
	_ =	sdelay $0x3  }
0x9b: {  	_ =	strace s5  }
0x9c: {  	s5 =	sld [smem:$0x3FFD];
	_ =	sdelay $0x3  }
0x9d: {  	_ =	strace s5  }
0x9e: {  	_ =	strace $0x8FFFFFFF  }
0x9f: {  	s18 =	sld [smem:$0x3FDB];
	_ =	sdelay $0x1  }
0xa0: {  	s19 =	simm.s32 $_scs_section_size  }
0xa1: {  	s7 =	simm.s32 $_size__tile_overlayer_lowered;
	s8 =	simm.s32 $_tile_overlayer_lowered  }
0xa2: {  	s22 =	simm.s32 $0x1BFF;
	s21 =	sshll.u32 s8, $0x1;
	s5 =	sadd.s32 s19, s18  }
0xa3: {  	s9 =	simm.s32 $0x0;
	s20 =	sshll.u32 s7, $0x1;
	s7 =	sadd.s32 s21, s5  }
0xa4: {  	[timem:s9], [sflag:s22] =	dma.local [hbm:s7], s20  }
0xa5: {  	_ =	swait.ge [sflag:s22], s20  }
0xa6: {  	s6 =	ssub.s32 $0x0, s20;
	[sflag:s22] =	ssyncset.done $0x0  }
0xa7: {  	[sflag:s22] =	ssyncadd.s32 s6;
	_ =	sdelay $0x1  }
0xa8: {  	s23 =	simm.s32 $0x1B8B  }
0xa9: {  	_ =	swait.ge [sflag:s23], $0x1  }
0xaa: {  	[sflag:s23] =	ssyncset.done $0x0  }
0xab: {  	s25 =	simm.s32 $0x1B8E;
	s24 =	sld [smem:$0x3FFE];
	[sflag:s23] =	ssyncadd.s32 $0xFFFFFFFF  }
0xac: {  	s26 =	simm.s32 $execute0_lowered;
	[smem:$0x3FD2] =	sst s25  }
0xad: {  	s7 =	sshll.u32 s26, $0x1;
	_ =	strace $0x80000046;
	[dreg:$0x1] =	wrdreg $0xFFFFFFFF  }
0xae: {  	s28 =	simm.s32 $_size_execute0_lowered;
	s5 =	sadd.s32 s5, s7;
	[dreg:$0x0] =	wrdreg $0x0  }
0xaf: {  	s7 =	sshll.u32 s28, $0x1;
	[dreg:$0x2] =	wrdreg s5  }
0xb0: {  	[dreg:$0x3] =	wrdreg s7  }
0xb1: {  	[dreg:$0x4] =	wrdreg $0xC0  }
0xb2: {  	_ =	task [dreg:s9], $0x5FFFF  }
0xb3: {  	[dreg:$0x1] =	wrdreg $0xFFFFFFFF  }
0xb4: {  	[dreg:$0x0] =	wrdreg $0x60  }
0xb5: {  	[dreg:$0x2] =	wrdreg s24  }
0xb6: {  	[dreg:$0x3] =	wrdreg s15  }
0xb7: {  	[dreg:$0x4] =	wrdreg s4  }
0xb8: {  	[dreg:$0x5] =	wrdreg s16  }
0xb9: {  	[dreg:$0x6] =	wrdreg $0x184000  }
0xba: {  	[dreg:$0x7] =	wrdreg $0x164000  }
0xbb: {  	[dreg:$0x8] =	wrdreg $0x9  }
0xbc: {  	_ =	task.clear_ibuf [dreg:s9], $0x9FFFF;
	_ =	strace $0x90000046  }
0xbd: {  	s29 =	simm.s32 $0x9;
	_ =	strace $0x80000048  }
0xbe: {  	_ =	swait.ge [sflag:s29], $0x1  }
0xbf: {  	[sflag:s29] =	ssyncadd.s32 $0xFFFFFFFF  }
0xc0: {  	_ =	strace $0x90000048  }
0xc1: {  	_ =	sfence  }
0xc2: {  	s30 =	sld [smem:$0x0];
	_ =	sdelay $0x2  }
0xc3: {  	s31 =	sshll.u32 s1, $0xD;
	s1 =	sshrl.u32 s1, $0x2  }
0xc4: {  	s3 =	sand.u32 $0x4000, s31;
	s1 =	sadd.s32 s1, s30  }
0xc5: {  	s0 =	sor.u32 s3, s0;
	s1 =	sshll.u32 s1, $0x11  }
0xc6: {  	s0 =	sor.u32 s1, s0  }
0xc7: {  	s0 =	sadd.s32 $0x8F2B, s0  }
0xc8: {  	[sflag:s0] =	ssyncadd.remote.s32 $0x1  }
0xc9: {  	_ =	sfence.sel $0xFFFF  }
0xca: {  	[dreg:$0x0] =	wrdreg $0xFFFFFFFF;
	(pc) =	sbr.abs _section_cstart, $3  }
0xcb: {  	[dreg:$0x1] =	wrdreg $0xFFFFFFFF  }
0xcc: {  	_ =	task.clear_ibuf [dreg:s9], $0x2FFFF;
	_ =	strace $0x9FFFFFFF  }
0xcd: {  	(tm) =	ssettm $0x7FFFFFFF  }
tec
execute0_lowered:
.L_overlay_start_1:
0x0: {  	(tag) =	ssettag $0x1  }
0x1: {  	s0 =	srdreg.scid  }
0x2: {  	s13 =	rddreg [dreg:$0x0];
	s26 =	stileid.u32;
	s1 =	simm.s32 $0x0  }
0x3: {  	s30 =	rddreg [dreg:$0x3];
	s12 =	sand.u32 $0x1, s0;
	s22 =	sshll.u32 s26, $0x9  }
0x4: {  	[smem:$0x7FF] =	sst s1;
	s15 =	sadd.s32 $0x3800, s13;
	s8 =	sshll.u32 s26, $0xD  }
0x5: {  	s16 =	sshll.u32 s26, $0x1;
	s28 =	sadd.s32 $0x3810, s13;
	s2 =	ssub.s32 $0x2, s12  }
0x6: {  	s6 =	sadd.s32 s22, s13;
	s14 =	sshll.u32 s12, $0x11;
	s3 =	sor.u32 $0x1200, s8  }
0x7: {  	s5 =	sor.u32 $0x1600, s8;
	s7 =	sor.u32 $0x1800, s8;
	s11 =	sor.u32 $0x1E00, s8  }
0x8: {  	s23 =	sshrl.u32 s2, $0x1;
	s4 =	sand.u32 $0x1F000, s3;
	s10 =	sand.u32 $0x1F000, s5  }
0x9: {  	s24 =	sand.u32 $0x1F000, s7;
	s25 =	sor.u32 s8, s14;
	s0 =	ssub.s32 s2, s23  }
0xa: {  	s2 =	sor.u32 $0x1000, s8;
	s18 =	sor.u32 s14, s4;
	s4 =	sor.u32 $0x1400, s8  }
0xb: {  	s20 =	sor.u32 s14, s10;
	s21 =	sor.u32 s14, s24;
	s10 =	sor.u32 $0x1C00, s8  }
0xc: {  	s24 =	sand.u32 $0x1F000, s11;
	s17 =	sor.u32 s14, s2;
	s9 =	sand.u32 $0x1F000, s4  }
0xd: {  	s23 =	sand.u32 $0x1F000, s10;
	s19 =	sor.u32 s14, s9;
	s9 =	sor.u32 $0x1A00, s8  }
0xe: {  	s24 =	sor.u32 s14, s24;
	s17 =	sshrl.u32 s17, $0x3;
	s22 =	sand.u32 $0x1F000, s9  }
0xf: {  	s23 =	sor.u32 s14, s23;
	s17 =	sadd.s32 s15, s17;
	s22 =	sor.u32 s14, s22  }
0x10: {  	s14 =	sor.u32 s12, s16;
	s16 =	sshrl.u32 s25, $0x3;
	[dreg:$0xe] =	wrdreg s17  }
0x11: {  	s25 =	sshrl.u32 s18, $0x3;
	s18 =	sshrl.u32 s19, $0x3;
	s15 =	sadd.s32 s15, s16  }
0x12: {  	s19 =	sshrl.u32 s20, $0x3;
	s17 =	sadd.s32 s16, s28;
	[dreg:$0xf] =	wrdreg s15  }
0x13: {  	s20 =	sadd.s32 $0x3820, s13;
	s15 =	sadd.s32 s25, s28;
	[dreg:$0x11] =	wrdreg s17  }
0x14: {  	s28 =	sadd.s32 s16, s20;
	[dreg:$0x10] =	wrdreg s15  }
0x15: {  	s25 =	sadd.s32 $0x3830, s13;
	s15 =	sadd.s32 s18, s20;
	[dreg:$0x13] =	wrdreg s28  }
0x16: {  	s17 =	sadd.s32 s19, s25;
	[dreg:$0x12] =	wrdreg s15  }
0x17: {  	s18 =	sadd.s32 s16, s25;
	[dreg:$0x14] =	wrdreg s17  }
0x18: {  	s19 =	sshrl.u32 s21, $0x3;
	s20 =	sadd.s32 $0x3840, s13;
	[dreg:$0x15] =	wrdreg s18  }
0x19: {  	s15 =	sadd.s32 s19, s20;
	s19 =	rddreg [dreg:$0x2]  }
0x1a: {  	s17 =	sadd.s32 s16, s20;
	s20 =	rddreg [dreg:$0x5]  }
0x1b: {  	[dreg:$0x16] =	wrdreg s15  }
0x1c: {  	s21 =	sshrl.u32 s22, $0x3;
	s22 =	sadd.s32 $0x3850, s13;
	[dreg:$0x17] =	wrdreg s17  }
0x1d: {  	s18 =	sadd.s32 s16, s22;
	s17 =	rddreg [dreg:$0x1]  }
0x1e: {  	s29 =	simm.s32 $0x13380;
	s25 =	sshrl.u32 s23, $0x3;
	[dreg:$0x19] =	wrdreg s18  }
0x1f: {  	s28 =	sadd.s32 $0x3860, s13;
	s15 =	sadd.s32 s21, s22;
	s18 =	rddreg [dreg:$0x4]  }
0x20: {  	s13 =	sadd.s32 $0x3870, s13;
	s21 =	sadd.s32 s16, s28;
	[dreg:$0x18] =	wrdreg s15  }
0x21: {  	s23 =	sshrl.u32 s24, $0x3;
	s22 =	sadd.s32 s16, s13;
	[dreg:$0x1b] =	wrdreg s21  }
0x22: {  	s6 =	sadd.s32 $0x1800, s6;
	s13 =	sadd.s32 s23, s13;
	[dreg:$0x1c] =	wrdreg s22  }
0x23: {  	s12 =	smul.u32 $0x18, s12;
	s15 =	sadd.s32 s25, s28;
	[dreg:$0x1d] =	wrdreg s13  }
0x24: {  	s24 =	smul.u32 $0x30, s26;
	s25 =	simm.s32 $0x2000;
	[dreg:$0x1a] =	wrdreg s15  }
0x25: {  	s28 =	simm.s32 $0x13180;
	_ =	strace $0x80000047;
	[dreg:$0x7] =	wrdreg s25  }
0x26: {  	s0 =	smax.u32 s0, $0x1;
	s22 =	simm.s32 $0x6000;
	[dreg:$0x8] =	wrdreg s28  }
0x27: {  	s12 =	sadd.s32 s12, s24;
	s24 =	simm.s32 $0x13200;
	[dreg:$0x9] =	wrdreg s22  }
0x28: {  	p0 =	sgt.u32 s14, $0xC;
	s21 =	simm.s32 $0x13300;
	[dreg:$0xa] =	wrdreg s24  }
0x29: {  	p1 =	sne.s32 @p0 s14, $0x1F;
	s23 =	smin.u32 s14, $0xD;
	[dreg:$0xd] =	wrdreg s21  }
0x2a: {  	s2 =	sadd.s32 s2, s20;
	s12 =	sadd.s32 s23, s12;
	[smem:$0x7E4] =	sst s6  }
0x2b: {  	s15 =	smul.u32 $0x18, s14;
	s25 =	simm.s32 $0xA000;
	[smem:$0x7E9] =	sst s0  }
0x2c: {  	s28 =	simm.s32 $0x13280;
	s24 =	sshll.u32 s26, $0xC;
	[dreg:$0xb] =	wrdreg s25  }
0x2d: {  	s26 =	sshll.u32 s12, $0x4;
	[dreg:$0xc] =	wrdreg s28;
	s6 =	sadd.s32 s24, s18  }
0x2e: {  	s22 =	sadd.s32 s23, s15;
	s28 =	sadd.s32 $0x30D0, s17;
	[smem:$0x7E5] =	sst s6  }
0x2f: {  	s14 =	sadd.s32 s26, s17;
	s15 =	sshll.u32 s22, $0x4;
	[smem:$0x7E6] =	sst s28  }
0x30: {  	[smem:$0x7FD] =	sst s14;
	s13 =	sadd.s32 $0x180, s15;
	s15 =	sadd.s32 $0x30D0, s19  }
0x31: {  	s25 =	sshll.u32 s22, $0xB;
	s23 =	sadd.s32 s17, s13;
	[smem:$0x7E7] =	sst s15  }
0x32: {  	s6 =	sadd.s32 s25, s30;
	s13 =	sadd.s32 s19, s13;
	[dreg:$0x1e] =	wrdreg s23  }
0x33: {  	s3 =	sadd.s32 s3, s20;
	s6 =	sadd.s32 $0xC000, s6;
	[dreg:$0x1f] =	wrdreg s13  }
0x34: {  	s16 =	sshll.u32 s12, $0xB;
	s15 =	sshrl.u32 s2, $0x3;
	[smem:$0x7E8] =	sst s6  }
0x35: {  	s6 =	sadd.s32 s7, s20;
	s7 =	sadd.s32 s9, s20;
	s9 =	sadd.s32 s11, s20  }
0x36: {  	s11 =	sadd.s32 s16, s30;
	[smem:$0x7F1] =	sst s15;
	s16 =	sshrl.u32 s3, $0x3  }
0x37: {  	p1 =	por p1, !p0;
	s13 =	sadd.s32 s8, s20;
	[smem:$0x7F2] =	sst s16  }
0x38: {  	s4 =	sadd.s32 s4, s20;
	s17 =	sadd.s32 $0x200, s13;
	[smem:$0x7FA] =	sst s11  }
0x39: {  	s23 =	sadd.s32 $0x800, s13;
	[smem:$0x7FC] =	sst s13;
	s0 =	sshrl.u32 s17, $0x3  }
0x3a: {  	s28 =	sadd.s32 $0xE00, s13;
	s24 =	sshrl.u32 s23, $0x3;
	[smem:$0x7EA] =	sst s0  }
0x3b: {  	s5 =	sadd.s32 s5, s20;
	s12 =	sshrl.u32 s28, $0x3;
	[smem:$0x7ED] =	sst s24  }
0x3c: {  	s31 =	sadd.s32 s26, s19;
	s17 =	sshrl.u32 s4, $0x3;
	[smem:$0x7F0] =	sst s12  }
0x3d: {  	s2 =	simm.s32 $0xE000;
	s23 =	sshrl.u32 s7, $0x3;
	[smem:$0x7F3] =	sst s17  }
0x3e: {  	s19 =	sadd.s32 $0x400, s13;
	s28 =	sadd.s32 $0x1800, s11;
	[smem:$0x7F6] =	sst s23  }
0x3f: {  	s8 =	sadd.s32 s10, s20;
	s0 =	sshrl.u32 s19, $0x3;
	[smem:$0x7FB] =	sst s28  }
0x40: {  	s21 =	sadd.s32 $0x600, s13;
	s19 =	sshrl.u32 s5, $0x3;
	[smem:$0x7EB] =	sst s0  }
0x41: {  	s25 =	sadd.s32 $0xA00, s13;
	s24 =	sshrl.u32 s8, $0x3;
	[smem:$0x7F4] =	sst s19  }
0x42: {  	s26 =	sadd.s32 $0xC00, s13;
	s0 =	sshrl.u32 s21, $0x3;
	[smem:$0x7F7] =	sst s24  }
0x43: {  	s4 =	simm.s32 $0x2;
	s21 =	sshrl.u32 s6, $0x3;
	[smem:$0x7EC] =	sst s0  }
0x44: {  	s7 =	simm.s32 $0x5;
	s0 =	sshrl.u32 s25, $0x3;
	[smem:$0x7F5] =	sst s21  }
0x45: {  	s17 =	simm.s32 $0x1;
	s25 =	sshrl.u32 s9, $0x3;
	[smem:$0x7EE] =	sst s0  }
0x46: {  	s5 =	simm.s32 $0x3;
	s0 =	sshrl.u32 s26, $0x3;
	[smem:$0x7F8] =	sst s25  }
0x47: {  	s8 =	simm.s32 $0x0;
	s26 =	sadd.s32 $0x186800, s30;
	[smem:$0x7EF] =	sst s0  }
0x48: {  	v0 =	vimm.f32 $0.0e+00;
	v1 =	vimm.f32 $1.000000000e+00;
	s6 =	simm.s32 $0x4;
	[smem:$0x7F9] =	sst s26;
	s0 =	simm.s32 $0x80  }
.LBB2_1:
0x49: {  	[smem:$0x7E3] =	sst s8;
	s3 =	sadd.s32 $0x0, s14;
	s28 =	sadd.s32 $0x0, s31  }
0x4a: {  	[tilespmem:s1], [sflag:$0x1] =	stream.linear.gather [hbm4b:s3+s1], $0x80, $0x38;
	[tilespmem:$0x19400] =	vst v63  }
0x4b: {  	s8 =	simm.s32 $0x10;
	s9 =	simm.s32 $0x80;
	s3 =	simm.s32 $0x1000  }
0x4c: {  	[tilespmem:s3], [sflag:$0x1] =	stream.linear.gather [hbm4b:s28+s1], $0x80, $0x38;
	[tilespmem:$0x19400] =	vst v63  }
.LBB2_2:
0x4d: {  	s10 =	sadd.s32 s8, s14  }
0x4e: {  	p2 =	sne.s32 s8, $0x170;
	s11 =	smov.u32 s8;
	s8 =	sadd.s32 $0x10, s8  }
0x4f: {  	[tilespmem:s9], [sflag:$0x1] =	stream.linear.gather [hbm4b:s10+s1], $0x80, $0x38;
	[tilespmem:$0x19400] =	vst v63  }
.Ltmp0:
0x50: {  	_ = 	snop;
	(pc) =	sbr.rel @p2 .LBB2_2-.Ltmp0, $4  }
0x51: {  	s3 =	sadd.s32 $0x80, s3;
	s10 =	sadd.s32 s11, s31  }
0x52: {  	[tilespmem:s3], [sflag:$0x1] =	stream.linear.gather [hbm4b:s10+s1], $0x80, $0x38;
	[tilespmem:$0x19400] =	vst v63  }
0x53: {  	_ = 	snop  }
0x54: {  	s9 =	sadd.s32 $0x80, s9  }
0x55: {  	s3 =	simm.s32 @!p0 $0x0;
	s8 =	simm.s32 @!p0 $0xC00;
	s9 =	rddreg [dreg:$0x1e]  }
0x56: {  	[tilespmem:s8], [sflag:$0x1] =	stream.linear.gather @!p0 [hbm4b:s9+s3], $0x80, $0x38;
	[tilespmem:$0x19400] =	vst v63  }
0x57: {  	s8 =	simm.s32 @!p0 $0x1C00;
	s9 =	rddreg [dreg:$0x1f]  }
0x58: {  	[tilespmem:s8], [sflag:$0x1] =	stream.linear.gather @!p0 [hbm4b:s9+s3], $0x80, $0x38;
	[tilespmem:$0x19400] =	vst v63  }
0x59: {  	s3 =	simm.s32 $0x40;
	s8 =	simm.s32 $0x0  }
.LBB2_4:
0x5a: {  	p2 =	sne.s32 s3, $0x7FC0;
	[tilespmem:s8+$0x13400] =	vst v0;
	s8 =	smov.u32 s3;
	s3 =	sadd.s32 $0x40, s3  }
.Ltmp1:
0x5b: {  	(pc) =	sbr.rel @p2 .LBB2_4-.Ltmp1, $2  }
0x5c: {  	_ =	sdelay $0x2  }
0x5d: {  	s8 =	sshra.s32 s8, $0x2  }
0x5e: {  	[tilespmem:s8+$0x13400] =	vst v0  }
0x5f: {  	[tilespmem:$0x13380] =	vst v1  }
0x60: {  	[tilespmem:$0x13390] =	vst v1  }
0x61: {  	[tilespmem:$0x133A0] =	vst v1  }
0x62: {  	[tilespmem:$0x133B0] =	vst v1  }
0x63: {  	[tilespmem:$0x133C0] =	vst v1  }
0x64: {  	[tilespmem:$0x133D0] =	vst v1  }
0x65: {  	[tilespmem:$0x133E0] =	vst v1  }
0x66: {  	s3 =	simm.s32 $0x13400;
	s25 =	simm.s32 $0xE;
	[tilespmem:$0x133F0] =	vst v1  }
0x67: {  	[spmem:s13] =	stream.linear.scatter [tilespmem:s3], [sflag:$0xE], $0x2000, $0x38;
	[tilespmem:$0x19400] =	vst v63  }
0x68: {  	_ =	swait.ge [sflag:s25], $0x2000  }
0x69: {  	s26 =	sld [smem:$0x7E4]  }
0x6a: {  	[sflag:s25] =	ssyncset.done $0x0  }
0x6b: {  	s9 =	simm.s32 $0x15400;
	[sflag:s25] =	ssyncadd.s32 $0xFFFFE000  }
0x6c: {  	[tilespmem:s9], [sflag:$0xE] =	stream.linear.gather [hbm4b:s26+s1], $0x1000, $0x38;
	[tilespmem:$0x19400] =	vst v63  }
0x6d: {  	_ =	swait.ge [sflag:s25], $0x1000  }
0x6e: {  	s28 =	sld [smem:$0x7E5]  }
0x6f: {  	[sflag:s25] =	ssyncset.done $0x0  }
0x70: {  	[sflag:s25] =	ssyncadd.s32 $0xFFFFF000  }
0x71: {  	[spmem:s28] =	stream.linear.scatter [tilespmem:s9], [sflag:$0xE], $0x1000, $0x38;
	[tilespmem:$0x19400] =	vst v63  }
0x72: {  	_ =	swait.ge [sflag:s25], $0x1000  }
0x73: {  	[sflag:s25] =	ssyncset.done $0x0  }
0x74: {  	[sflag:s25] =	ssyncadd.s32 $0xFFFFF000  }
0x75: {  	[bflag:$0x0] =	sbarrier.arrive $0xFFFF  }
0x76: {  	_ =	swait.ge [sflag:s17], $0x80  }
0x77: {  	[sflag:s17] =	ssyncset.done $0x0  }
0x78: {  	[sflag:s17] =	ssyncadd.s32 $0xFFFFFF80  }
0x79: {  	_ =	swait.ge [sflag:s17], $0x80  }
0x7a: {  	s3 =	simm.s32 $0x17;
	[sflag:s17] =	ssyncset.done $0x0  }
.LBB2_6:
0x7b: {  	p2 =	sne.s32 s3, $0x1;
	s3 =	sadd.s32 $0xFFFFFFFF, s3;
	[sflag:s17] =	ssyncadd.s32 $0xFFFFFF80  }
.Ltmp2:
0x7c: {  	_ =	swait.ge [sflag:s17], $0x80;
	(pc) =	sbr.rel @p2 .LBB2_6-.Ltmp2, $4  }
0x7d: {  	[sflag:s17] =	ssyncset.done $0x0  }
0x7e: {  	[sflag:s17] =	ssyncadd.s32 $0xFFFFFF80  }
0x7f: {  	_ =	swait.ge [sflag:s17], $0x80  }
0x80: {  	[sflag:s17] =	ssyncset.done $0x0  }
0x81: {  	[sflag:s17] =	ssyncadd.s32 $0xFFFFFF80;
	s3 =	simm.s32 @!p0 $0x1  }
0x82: {  	_ =	swait.ge @!p0 [sflag:s3], $0x80  }
0x83: {  	[sflag:s3] =	ssyncset.done @!p0 $0x0  }
0x84: {  	[sflag:s3] =	ssyncadd.s32 @!p0 $0xFFFFFF80  }
0x85: {  	_ =	swait.ge @!p0 [sflag:s3], $0x80  }
0x86: {  	p2 =	por $0x0, $0x0;
	[sflag:s3] =	ssyncset.done @!p0 $0x0  }
0x87: {  	[sflag:s3] =	ssyncadd.s32 @!p0 $0xFFFFFF80;
	s3 =	simm.s32 @p2 $0x6  }
0x88: {  	_ =	swait.ge @p2 [sflag:s3], $0x4000  }
0x89: {  	[sflag:s3] =	ssyncset.done @p2 $0x0  }
0x8a: {  	s8 =	simm.s32 @p2 $0xA;
	[sflag:s3] =	ssyncadd.s32 @p2 $0xFFFFC000  }
0x8b: {  	_ =	swait.ge @p2 [sflag:s8], $0x80  }
0x8c: {  	s9 =	simm.s32 @p2 $0x2000;
	s10 =	simm.s32 @p2 $0x7;
	[sflag:s8] =	ssyncset.done @p2 $0x0  }
0x8d: {  	s11 =	simm.s32 @p2 $0x80;
	s3 =	simm.s32 @p2 $0x0;
	[sflag:s8] =	ssyncadd.s32 @p2 $0xFFFFFF80  }
0x8e: {  	[tilespmem:s9], [sflag:$0x2] =	stream.indirect.gather @p2 [spmem:s18], $0x80, s3, s11, $0xb8;
	[tilespmem:$0x19400] =	vst v63  }
0x8f: {  	_ =	swait.ge @p2 [sflag:s10], $0x4000  }
0x90: {  	[sflag:s10] =	ssyncset.done @p2 $0x0  }
0x91: {  	s3 =	simm.s32 @p2 $0xB;
	[sflag:s10] =	ssyncadd.s32 @p2 $0xFFFFC000  }
0x92: {  	_ =	swait.ge @p2 [sflag:s3], $0x80  }
0x93: {  	s8 =	simm.s32 @p2 $0x80;
	[sflag:s3] =	ssyncset.done @p2 $0x0  }
0x94: {  	s9 =	simm.s32 @p2 $0x6000;
	s10 =	simm.s32 @p2 $0x8;
	[sflag:s3] =	ssyncadd.s32 @p2 $0xFFFFFF80  }
0x95: {  	[tilespmem:s9], [sflag:$0x3] =	stream.indirect.gather @p2 [spmem:s18], $0x80, s8, s11, $0xb8;
	[tilespmem:$0x19400] =	vst v63  }
0x96: {  	_ =	swait.ge @p2 [sflag:s10], $0x4000  }
0x97: {  	[sflag:s10] =	ssyncset.done @p2 $0x0  }
0x98: {  	s3 =	simm.s32 @p2 $0xC;
	[sflag:s10] =	ssyncadd.s32 @p2 $0xFFFFC000  }
0x99: {  	_ =	swait.ge @p2 [sflag:s3], $0x80  }
0x9a: {  	s8 =	simm.s32 @p2 $0x100;
	[sflag:s3] =	ssyncset.done @p2 $0x0  }
0x9b: {  	s9 =	simm.s32 @p2 $0xA000;
	s10 =	simm.s32 @p2 $0x9;
	[sflag:s3] =	ssyncadd.s32 @p2 $0xFFFFFF80  }
0x9c: {  	[tilespmem:s9], [sflag:$0x4] =	stream.indirect.gather @p2 [spmem:s18], $0x80, s8, s11, $0xb8;
	[tilespmem:$0x19400] =	vst v63  }
0x9d: {  	_ =	swait.ge @p2 [sflag:s10], $0x4000  }
0x9e: {  	[sflag:s10] =	ssyncset.done @p2 $0x0  }
0x9f: {  	s3 =	simm.s32 @p2 $0xD;
	[sflag:s10] =	ssyncadd.s32 @p2 $0xFFFFC000  }
0xa0: {  	_ =	swait.ge @p2 [sflag:s3], $0x80  }
0xa1: {  	s8 =	simm.s32 @!p2 $0x2000;
	[sflag:s3] =	ssyncset.done @p2 $0x0  }
0xa2: {  	s9 =	simm.s32 @!p2 $0x80;
	s10 =	simm.s32 @!p2 $0x0;
	[sflag:s3] =	ssyncadd.s32 @p2 $0xFFFFFF80  }
0xa3: {  	[tilespmem:s8], [sflag:$0x2] =	stream.indirect.gather @!p2 [spmem:s18], $0x80, s10, s9, $0xb8;
	[tilespmem:$0x19400] =	vst v63  }
0xa4: {  	s3 =	simm.s32 @!p2 $0x6000  }
0xa5: {  	[tilespmem:s3], [sflag:$0x3] =	stream.indirect.gather @!p2 [spmem:s18], $0x80, s9, s9, $0xb8;
	[tilespmem:$0x19400] =	vst v63  }
0xa6: {  	s8 =	simm.s32 @!p2 $0xA000;
	s3 =	simm.s32 @!p2 $0x100  }
0xa7: {  	[tilespmem:s8], [sflag:$0x4] =	stream.indirect.gather @!p2 [spmem:s18], $0x80, s3, s9, $0xb8;
	[tilespmem:$0x19400] =	vst v63  }
0xa8: {  	s25 =	simm.s32 $0x180  }
0xa9: {  	[tilespmem:s2], [sflag:$0x5] =	stream.indirect.gather [spmem:s18], $0x80, s25, s0, $0xb8;
	[tilespmem:$0x19400] =	vst v63  }
0xaa: {  	_ =	swait.ge [sflag:s4], $0x4000  }
0xab: {  	s13 =	sld [smem:$0x7FA]  }
0xac: {  	s8 =	simm.s32 $0x0;
	s9 =	simm.s32 @p2 $0x0;
	[sflag:s4] =	ssyncset.done $0x0  }
0xad: {  	s8 =	simm.s32 @!p2 $0x0;
	s26 =	rddreg [dreg:$0x7];
	[sflag:s4] =	ssyncadd.s32 $0xFFFFC000  }
0xae: {  	[hbm4b:s13+s1] =	stream.linear.scatter [tilespmem:s26], [sflag:$0x6], $0x4000, $0x38;
	[tilespmem:$0x19400] =	vst v63  }
0xaf: {  	s9 =	simm.s32 @!p2 $0x0;
	v2 =	vld [tilespmem:s8+$0x1000]  }
0xb0: {  	v3 =	vld [tilespmem:s9+$0x0];
	_ =	sdelay $0x3  }
0xb1: {  	v2 =	vshll.u32 v2, $0x9  }
0xb2: {  	v2 =	vadd.s32 v3, v2  }
0xb3: {  	[tilespmem:$0x13180] =	vst v2  }
0xb4: {  	s28 =	sor.u32 $0x10, s8;
	v2 =	vld [tilespmem:s8+$0x1010]  }
0xb5: {  	v3 =	vld [tilespmem:s28+$0x0];
	_ =	sdelay $0x3  }
0xb6: {  	v2 =	vshll.u32 v2, $0x9  }
0xb7: {  	v2 =	vadd.s32 v3, v2  }
0xb8: {  	[tilespmem:$0x13190] =	vst v2  }
0xb9: {  	s9 =	sor.u32 $0x20, s8;
	v2 =	vld [tilespmem:s8+$0x1020]  }
0xba: {  	v3 =	vld [tilespmem:s9+$0x0];
	_ =	sdelay $0x3  }
0xbb: {  	v2 =	vshll.u32 v2, $0x9  }
0xbc: {  	v2 =	vadd.s32 v3, v2  }
0xbd: {  	[tilespmem:$0x131A0] =	vst v2  }
0xbe: {  	s10 =	sor.u32 $0x30, s8;
	v2 =	vld [tilespmem:s8+$0x1030]  }
0xbf: {  	v3 =	vld [tilespmem:s10+$0x0];
	_ =	sdelay $0x3  }
0xc0: {  	v2 =	vshll.u32 v2, $0x9  }
0xc1: {  	v2 =	vadd.s32 v3, v2  }
0xc2: {  	[tilespmem:$0x131B0] =	vst v2  }
0xc3: {  	s11 =	sor.u32 $0x40, s8;
	v2 =	vld [tilespmem:s8+$0x1040]  }
0xc4: {  	v3 =	vld [tilespmem:s11+$0x0];
	_ =	sdelay $0x3  }
0xc5: {  	v2 =	vshll.u32 v2, $0x9  }
0xc6: {  	v2 =	vadd.s32 v3, v2  }
0xc7: {  	[tilespmem:$0x131C0] =	vst v2  }
0xc8: {  	s12 =	sor.u32 $0x50, s8;
	v2 =	vld [tilespmem:s8+$0x1050]  }
0xc9: {  	v3 =	vld [tilespmem:s12+$0x0];
	_ =	sdelay $0x3  }
0xca: {  	v2 =	vshll.u32 v2, $0x9  }
0xcb: {  	v2 =	vadd.s32 v3, v2  }
0xcc: {  	[tilespmem:$0x131D0] =	vst v2  }
0xcd: {  	s14 =	sor.u32 $0x60, s8;
	v2 =	vld [tilespmem:s8+$0x1060]  }
0xce: {  	v3 =	vld [tilespmem:s14+$0x0];
	_ =	sdelay $0x3  }
0xcf: {  	v2 =	vshll.u32 v2, $0x9  }
0xd0: {  	v2 =	vadd.s32 v3, v2  }
0xd1: {  	[tilespmem:$0x131E0] =	vst v2  }
0xd2: {  	s15 =	sor.u32 $0x70, s8;
	v2 =	vld [tilespmem:s8+$0x1070]  }
0xd3: {  	v3 =	vld [tilespmem:s15+$0x0];
	_ =	sdelay $0x3  }
0xd4: {  	s8 =	simm.s32 @p2 $0x1;
	v2 =	vshll.u32 v2, $0x9  }
0xd5: {  	s8 =	simm.s32 @!p2 $0x1;
	v2 =	vadd.s32 v3, v2  }
0xd6: {  	s16 =	rddreg [dreg:$0x8];
	s10 =	simm.s32 @p2 $0x80;
	s19 =	sadd.s32 s22, s8;
	[tilespmem:$0x131F0] =	vst v2  }
0xd7: {  	[spmem:s20] =	stream.indirect.scatter.add.f32 [tilespmem:s29], [sflag:$0xA], $0x1, s16, s0, $0xb8;
	[tilespmem:$0x19400] =	vst v63  }
0xd8: {  	s10 =	simm.s32 @!p2 $0x80;
	s3 =	sshll.u32 s19, $0xB;
	_ =	swait.ge [sflag:s5], $0x4000  }
0xd9: {  	s8 =	simm.s32 @p2 $0x80;
	s3 =	sand.u32 $0x1FFFF800, s3;
	[sflag:s5] =	ssyncset.done $0x0  }
0xda: {  	s3 =	sadd.s32 s30, s3;
	s21 =	rddreg [dreg:$0x9];
	[sflag:s5] =	ssyncadd.s32 $0xFFFFC000  }
0xdb: {  	[hbm4b:s3+s1] =	stream.linear.scatter [tilespmem:s21], [sflag:$0x7], $0x4000, $0x38;
	[tilespmem:$0x19400] =	vst v63  }
0xdc: {  	s8 =	simm.s32 @!p2 $0x80;
	v2 =	vld [tilespmem:s10+$0x1000]  }
0xdd: {  	v3 =	vld [tilespmem:s8+$0x0];
	_ =	sdelay $0x3  }
0xde: {  	v2 =	vshll.u32 v2, $0x9  }
0xdf: {  	v2 =	vadd.s32 v3, v2  }
0xe0: {  	[tilespmem:$0x13200] =	vst v2  }
0xe1: {  	s23 =	sor.u32 $0x10, s10;
	v2 =	vld [tilespmem:s10+$0x1010]  }
0xe2: {  	v3 =	vld [tilespmem:s23+$0x0];
	_ =	sdelay $0x3  }
0xe3: {  	v2 =	vshll.u32 v2, $0x9  }
0xe4: {  	v2 =	vadd.s32 v3, v2  }
0xe5: {  	[tilespmem:$0x13210] =	vst v2  }
0xe6: {  	s24 =	sor.u32 $0x20, s10;
	v2 =	vld [tilespmem:s10+$0x1020]  }
0xe7: {  	v3 =	vld [tilespmem:s24+$0x0];
	_ =	sdelay $0x3  }
0xe8: {  	v2 =	vshll.u32 v2, $0x9  }
0xe9: {  	v2 =	vadd.s32 v3, v2  }
0xea: {  	[tilespmem:$0x13220] =	vst v2  }
0xeb: {  	s25 =	sor.u32 $0x30, s10;
	v2 =	vld [tilespmem:s10+$0x1030]  }
0xec: {  	v3 =	vld [tilespmem:s25+$0x0];
	_ =	sdelay $0x3  }
0xed: {  	v2 =	vshll.u32 v2, $0x9  }
0xee: {  	v2 =	vadd.s32 v3, v2  }
0xef: {  	[tilespmem:$0x13230] =	vst v2  }
0xf0: {  	s26 =	sor.u32 $0x40, s10;
	v2 =	vld [tilespmem:s10+$0x1040]  }
0xf1: {  	v3 =	vld [tilespmem:s26+$0x0];
	_ =	sdelay $0x3  }
0xf2: {  	v2 =	vshll.u32 v2, $0x9  }
0xf3: {  	v2 =	vadd.s32 v3, v2  }
0xf4: {  	[tilespmem:$0x13240] =	vst v2  }
0xf5: {  	s28 =	sor.u32 $0x50, s10;
	v2 =	vld [tilespmem:s10+$0x1050]  }
0xf6: {  	v3 =	vld [tilespmem:s28+$0x0];
	_ =	sdelay $0x3  }
0xf7: {  	v2 =	vshll.u32 v2, $0x9  }
0xf8: {  	v2 =	vadd.s32 v3, v2  }
0xf9: {  	[tilespmem:$0x13250] =	vst v2  }
0xfa: {  	s8 =	sor.u32 $0x60, s10;
	v2 =	vld [tilespmem:s10+$0x1060]  }
0xfb: {  	v3 =	vld [tilespmem:s8+$0x0];
	_ =	sdelay $0x3  }
0xfc: {  	v2 =	vshll.u32 v2, $0x9  }
0xfd: {  	v2 =	vadd.s32 v3, v2  }
0xfe: {  	[tilespmem:$0x13260] =	vst v2  }
0xff: {  	s9 =	sor.u32 $0x70, s10;
	v2 =	vld [tilespmem:s10+$0x1070]  }
0x100: {  	v3 =	vld [tilespmem:s9+$0x0];
	_ =	sdelay $0x2  }
0x101: {  	s8 =	simm.s32 $0x2  }
0x102: {  	s8 =	simm.s32 @!p2 $0x2;
	v2 =	vshll.u32 v2, $0x9  }
0x103: {  	s12 =	sadd.s32 s22, s8;
	v2 =	vadd.s32 v3, v2  }
0x104: {  	s11 =	rddreg [dreg:$0xa];
	s3 =	sshll.u32 s12, $0xB;
	[tilespmem:$0x13270] =	vst v2  }
0x105: {  	[spmem:s20] =	stream.indirect.scatter.add.f32 [tilespmem:s29], [sflag:$0xB], $0x1, s11, s0, $0xb8;
	[tilespmem:$0x19400] =	vst v63  }
0x106: {  	s8 =	simm.s32 @p2 $0x100;
	s3 =	sand.u32 $0x1FFFF800, s3;
	_ =	swait.ge [sflag:s6], $0x4000  }
0x107: {  	s3 =	sadd.s32 s30, s3;
	s10 =	simm.s32 @p2 $0x100;
	[sflag:s6] =	ssyncset.done $0x0  }
0x108: {  	s10 =	simm.s32 @!p2 $0x100;
	s14 =	rddreg [dreg:$0xb];
	[sflag:s6] =	ssyncadd.s32 $0xFFFFC000  }
0x109: {  	[hbm4b:s3+s1] =	stream.linear.scatter [tilespmem:s14], [sflag:$0x8], $0x4000, $0x38;
	[tilespmem:$0x19400] =	vst v63  }
0x10a: {  	s8 =	simm.s32 @!p2 $0x100;
	v2 =	vld [tilespmem:s10+$0x1000]  }
0x10b: {  	v3 =	vld [tilespmem:s8+$0x0];
	_ =	sdelay $0x3  }
0x10c: {  	v2 =	vshll.u32 v2, $0x9  }
0x10d: {  	v2 =	vadd.s32 v3, v2  }
0x10e: {  	[tilespmem:$0x13280] =	vst v2  }
0x10f: {  	s15 =	sor.u32 $0x10, s10;
	v2 =	vld [tilespmem:s10+$0x1010]  }
0x110: {  	v3 =	vld [tilespmem:s15+$0x0];
	_ =	sdelay $0x3  }
0x111: {  	v2 =	vshll.u32 v2, $0x9  }
0x112: {  	v2 =	vadd.s32 v3, v2  }
0x113: {  	[tilespmem:$0x13290] =	vst v2  }
0x114: {  	s16 =	sor.u32 $0x20, s10;
	v2 =	vld [tilespmem:s10+$0x1020]  }
0x115: {  	v3 =	vld [tilespmem:s16+$0x0];
	_ =	sdelay $0x3  }
0x116: {  	v2 =	vshll.u32 v2, $0x9  }
0x117: {  	v2 =	vadd.s32 v3, v2  }
0x118: {  	[tilespmem:$0x132A0] =	vst v2  }
0x119: {  	s19 =	sor.u32 $0x30, s10;
	v2 =	vld [tilespmem:s10+$0x1030]  }
0x11a: {  	v3 =	vld [tilespmem:s19+$0x0];
	_ =	sdelay $0x3  }
0x11b: {  	v2 =	vshll.u32 v2, $0x9  }
0x11c: {  	v2 =	vadd.s32 v3, v2  }
0x11d: {  	[tilespmem:$0x132B0] =	vst v2  }
0x11e: {  	s21 =	sor.u32 $0x40, s10;
	v2 =	vld [tilespmem:s10+$0x1040]  }
0x11f: {  	v3 =	vld [tilespmem:s21+$0x0];
	_ =	sdelay $0x3  }
0x120: {  	v2 =	vshll.u32 v2, $0x9  }
0x121: {  	v2 =	vadd.s32 v3, v2  }
0x122: {  	[tilespmem:$0x132C0] =	vst v2  }
0x123: {  	s23 =	sor.u32 $0x50, s10;
	v2 =	vld [tilespmem:s10+$0x1050]  }
0x124: {  	v3 =	vld [tilespmem:s23+$0x0];
	_ =	sdelay $0x3  }
0x125: {  	v2 =	vshll.u32 v2, $0x9  }
0x126: {  	v2 =	vadd.s32 v3, v2  }
0x127: {  	[tilespmem:$0x132D0] =	vst v2  }
0x128: {  	s24 =	sor.u32 $0x60, s10;
	v2 =	vld [tilespmem:s10+$0x1060]  }
0x129: {  	v3 =	vld [tilespmem:s24+$0x0];
	_ =	sdelay $0x3  }
0x12a: {  	v2 =	vshll.u32 v2, $0x9  }
0x12b: {  	v2 =	vadd.s32 v3, v2  }
0x12c: {  	[tilespmem:$0x132E0] =	vst v2  }
0x12d: {  	s25 =	sor.u32 $0x70, s10;
	v2 =	vld [tilespmem:s10+$0x1070]  }
0x12e: {  	v3 =	vld [tilespmem:s25+$0x0];
	_ =	sdelay $0x3  }
0x12f: {  	v2 =	vshll.u32 v2, $0x9  }
0x130: {  	v2 =	vadd.s32 v3, v2  }
0x131: {  	s26 =	rddreg [dreg:$0xc];
	[tilespmem:$0x132F0] =	vst v2  }
0x132: {  	[spmem:s20] =	stream.indirect.scatter.add.f32 [tilespmem:s29], [sflag:$0xC], $0x1, s26, s0, $0xb8;
	[tilespmem:$0x19400] =	vst v63  }
0x133: {  	_ =	swait.ge [sflag:s7], $0x4000  }
0x134: {  	s28 =	sld [smem:$0x7FB]  }
0x135: {  	[sflag:s7] =	ssyncset.done $0x0  }
0x136: {  	s12 =	simm.s32 $0x0;
	[sflag:s7] =	ssyncadd.s32 $0xFFFFC000  }
0x137: {  	[hbm4b:s28+s1] =	stream.linear.scatter [tilespmem:s2], [sflag:$0x9], $0x4000, $0x38;
	[tilespmem:$0x19400] =	vst v63  }
0x138: {  	v2 =	vld [tilespmem:s12+$0x1180]  }
0x139: {  	v3 =	vld [tilespmem:s12+$0x180];
	_ =	sdelay $0x3  }
0x13a: {  	v2 =	vshll.u32 v2, $0x9  }
0x13b: {  	v2 =	vadd.s32 v3, v2  }
0x13c: {  	[tilespmem:$0x13300] =	vst v2  }
0x13d: {  	v2 =	vld [tilespmem:s12+$0x1190]  }
0x13e: {  	v3 =	vld [tilespmem:s12+$0x190];
	_ =	sdelay $0x3  }
0x13f: {  	v2 =	vshll.u32 v2, $0x9  }
0x140: {  	v2 =	vadd.s32 v3, v2  }
0x141: {  	[tilespmem:$0x13310] =	vst v2  }
0x142: {  	v2 =	vld [tilespmem:s12+$0x11A0]  }
0x143: {  	v3 =	vld [tilespmem:s12+$0x1A0];
	_ =	sdelay $0x3  }
0x144: {  	v2 =	vshll.u32 v2, $0x9  }
0x145: {  	v2 =	vadd.s32 v3, v2  }
0x146: {  	[tilespmem:$0x13320] =	vst v2  }
0x147: {  	v2 =	vld [tilespmem:s12+$0x11B0]  }
0x148: {  	v3 =	vld [tilespmem:s12+$0x1B0];
	_ =	sdelay $0x3  }
0x149: {  	v2 =	vshll.u32 v2, $0x9  }
0x14a: {  	v2 =	vadd.s32 v3, v2  }
0x14b: {  	[tilespmem:$0x13330] =	vst v2  }
0x14c: {  	v2 =	vld [tilespmem:s12+$0x11C0]  }
0x14d: {  	v3 =	vld [tilespmem:s12+$0x1C0];
	_ =	sdelay $0x3  }
0x14e: {  	v2 =	vshll.u32 v2, $0x9  }
0x14f: {  	v2 =	vadd.s32 v3, v2  }
0x150: {  	[tilespmem:$0x13340] =	vst v2  }
0x151: {  	v2 =	vld [tilespmem:s12+$0x11D0]  }
0x152: {  	v3 =	vld [tilespmem:s12+$0x1D0];
	_ =	sdelay $0x3  }
0x153: {  	v2 =	vshll.u32 v2, $0x9  }
0x154: {  	v2 =	vadd.s32 v3, v2  }
0x155: {  	[tilespmem:$0x13350] =	vst v2  }
0x156: {  	v2 =	vld [tilespmem:s12+$0x11E0]  }
0x157: {  	v3 =	vld [tilespmem:s12+$0x1E0];
	_ =	sdelay $0x3  }
0x158: {  	p3 =	por $0x1, $0x1;
	v2 =	vshll.u32 v2, $0x9  }
0x159: {  	s9 =	sadd.s32 $0x2000, s13;
	s11 =	simm.s32 $0x1000;
	s8 =	simm.s32 $0x0;
	v2 =	vadd.s32 v3, v2  }
0x15a: {  	s24 =	simm.s32 $0x6;
	s10 =	simm.s32 $0x800;
	s23 =	sadd.s32 $0x2000, s28;
	[tilespmem:$0x13360] =	vst v2  }
.LBB2_8:
0x15b: {  	v2 =	vld [tilespmem:s12+$0x11F0]  }
0x15c: {  	v3 =	vld [tilespmem:s12+$0x1F0];
	_ =	sdelay $0x3  }
0x15d: {  	v2 =	vshll.u32 v2, $0x9  }
0x15e: {  	v2 =	vadd.s32 v3, v2  }
0x15f: {  	s26 =	simm.s32 @p3 $0x6;
	s13 =	rddreg [dreg:$0xd];
	[tilespmem:$0x13370] =	vst v2  }
0x160: {  	[spmem:s20] =	stream.indirect.scatter.add.f32 [tilespmem:s29], [sflag:$0xD], $0x1, s13, s0, $0xb8;
	[tilespmem:$0x19400] =	vst v63  }
0x161: {  	_ =	swait.ge @p3 [sflag:s26], $0x4000  }
0x162: {  	[sflag:s26] =	ssyncset.done @p3 $0x0  }
0x163: {  	s12 =	simm.s32 @p3 $0xA;
	[sflag:s26] =	ssyncadd.s32 @p3 $0xFFFFC000  }
0x164: {  	_ =	swait.ge @p3 [sflag:s12], $0x80  }
0x165: {  	s3 =	sshra.s32 @p3 s10, $0x2;
	s28 =	simm.s32 @p3 $0x2000;
	[sflag:s12] =	ssyncset.done @p3 $0x0  }
0x166: {  	s21 =	simm.s32 @p3 $0x7;
	s26 =	simm.s32 @p3 $0x80;
	[sflag:s12] =	ssyncadd.s32 @p3 $0xFFFFFF80  }
0x167: {  	[tilespmem:s28], [sflag:$0x2] =	stream.indirect.gather @p3 [spmem:s18], $0x80, s3, s26, $0xb8;
	[tilespmem:$0x19400] =	vst v63  }
0x168: {  	_ =	swait.ge @p3 [sflag:s21], $0x4000  }
0x169: {  	s14 =	sadd.s32 @p3 $0x80, s3;
	s15 =	sadd.s32 @p3 $0x100, s3;
	[sflag:s21] =	ssyncset.done @p3 $0x0  }
0x16a: {  	s25 =	smov.u32 s3;
	s3 =	simm.s32 @p3 $0xB;
	[sflag:s21] =	ssyncadd.s32 @p3 $0xFFFFC000  }
0x16b: {  	_ =	swait.ge @p3 [sflag:s3], $0x80  }
0x16c: {  	[sflag:s3] =	ssyncset.done @p3 $0x0  }
0x16d: {  	s12 =	simm.s32 @p3 $0x6000;
	s21 =	simm.s32 @p3 $0x8;
	[sflag:s3] =	ssyncadd.s32 @p3 $0xFFFFFF80  }
0x16e: {  	[tilespmem:s12], [sflag:$0x3] =	stream.indirect.gather @p3 [spmem:s18], $0x80, s14, s26, $0xb8;
	[tilespmem:$0x19400] =	vst v63  }
0x16f: {  	_ =	swait.ge @p3 [sflag:s21], $0x4000  }
0x170: {  	[sflag:s21] =	ssyncset.done @p3 $0x0  }
0x171: {  	s3 =	simm.s32 @p3 $0xC;
	[sflag:s21] =	ssyncadd.s32 @p3 $0xFFFFC000  }
0x172: {  	_ =	swait.ge @p3 [sflag:s3], $0x80  }
0x173: {  	s19 =	smov.u32 s14;
	[sflag:s3] =	ssyncset.done @p3 $0x0  }
0x174: {  	s12 =	simm.s32 @p3 $0xA000;
	s14 =	simm.s32 @p3 $0x9;
	[sflag:s3] =	ssyncadd.s32 @p3 $0xFFFFFF80  }
0x175: {  	[tilespmem:s12], [sflag:$0x4] =	stream.indirect.gather @p3 [spmem:s18], $0x80, s15, s26, $0xb8;
	[tilespmem:$0x19400] =	vst v63  }
0x176: {  	_ =	swait.ge @p3 [sflag:s14], $0x4000  }
0x177: {  	[sflag:s14] =	ssyncset.done @p3 $0x0  }
0x178: {  	s3 =	simm.s32 @p3 $0xD;
	[sflag:s14] =	ssyncadd.s32 @p3 $0xFFFFC000  }
0x179: {  	_ =	swait.ge @p3 [sflag:s3], $0x80  }
0x17a: {  	s13 =	smov.u32 s15;
	s12 =	simm.s32 @!p3 $0x2000;
	[sflag:s3] =	ssyncset.done @p3 $0x0  }
0x17b: {  	s15 =	simm.s32 @!p3 $0x0;
	s14 =	simm.s32 @!p3 $0x80;
	[sflag:s3] =	ssyncadd.s32 @p3 $0xFFFFFF80  }
0x17c: {  	[tilespmem:s12], [sflag:$0x2] =	stream.indirect.gather @!p3 [spmem:s18], $0x80, s15, s14, $0xb8;
	[tilespmem:$0x19400] =	vst v63  }
0x17d: {  	s3 =	simm.s32 @!p3 $0x6000  }
0x17e: {  	[tilespmem:s3], [sflag:$0x3] =	stream.indirect.gather @!p3 [spmem:s18], $0x80, s14, s14, $0xb8;
	[tilespmem:$0x19400] =	vst v63  }
0x17f: {  	s15 =	simm.s32 @!p3 $0xA000;
	s12 =	sshra.s32 s10, $0x2;
	s3 =	simm.s32 @!p3 $0x100  }
0x180: {  	[tilespmem:s15], [sflag:$0x4] =	stream.indirect.gather @!p3 [spmem:s18], $0x80, s3, s14, $0xb8;
	[tilespmem:$0x19400] =	vst v63  }
0x181: {  	s15 =	sadd.s32 $0x180, s12  }
0x182: {  	[tilespmem:s2], [sflag:$0x5] =	stream.indirect.gather [spmem:s18], $0x80, s15, s0, $0xb8;
	[tilespmem:$0x19400] =	vst v63  }
0x183: {  	s8 =	sadd.s32 $0x200, s8;
	s16 =	smov.u32 s11;
	_ =	swait.ge [sflag:s4], $0x4000  }
0x184: {  	s10 =	smov.u32 s16;
	s16 =	smov.u32 s8;
	[sflag:s4] =	ssyncset.done $0x0  }
0x185: {  	s16 =	simm.s32 @!p3 $0x0;
	s21 =	rddreg [dreg:$0x7];
	[sflag:s4] =	ssyncadd.s32 $0xFFFFC000  }
0x186: {  	[hbm4b:s9+s1] =	stream.linear.scatter [tilespmem:s21], [sflag:$0x6], $0x4000, $0x38;
	[tilespmem:$0x19400] =	vst v63  }
0x187: {  	s25 =	simm.s32 @!p3 $0x0;
	v2 =	vld [tilespmem:s16+$0x1000]  }
0x188: {  	v3 =	vld [tilespmem:s25+$0x0];
	_ =	sdelay $0x3  }
0x189: {  	v2 =	vshll.u32 v2, $0x9  }
0x18a: {  	v2 =	vadd.s32 v3, v2  }
0x18b: {  	[tilespmem:$0x13180] =	vst v2  }
0x18c: {  	s26 =	sor.u32 $0x10, s16;
	v2 =	vld [tilespmem:s16+$0x1010]  }
0x18d: {  	v3 =	vld [tilespmem:s26+$0x0];
	_ =	sdelay $0x3  }
0x18e: {  	v2 =	vshll.u32 v2, $0x9  }
0x18f: {  	v2 =	vadd.s32 v3, v2  }
0x190: {  	[tilespmem:$0x13190] =	vst v2  }
0x191: {  	s28 =	sor.u32 $0x20, s16;
	v2 =	vld [tilespmem:s16+$0x1020]  }
0x192: {  	v3 =	vld [tilespmem:s28+$0x0];
	_ =	sdelay $0x3  }
0x193: {  	v2 =	vshll.u32 v2, $0x9  }
0x194: {  	v2 =	vadd.s32 v3, v2  }
0x195: {  	[tilespmem:$0x131A0] =	vst v2  }
0x196: {  	s14 =	sor.u32 $0x30, s16;
	v2 =	vld [tilespmem:s16+$0x1030]  }
0x197: {  	v3 =	vld [tilespmem:s14+$0x0];
	_ =	sdelay $0x3  }
0x198: {  	v2 =	vshll.u32 v2, $0x9  }
0x199: {  	v2 =	vadd.s32 v3, v2  }
0x19a: {  	[tilespmem:$0x131B0] =	vst v2  }
0x19b: {  	s15 =	sor.u32 $0x40, s16;
	v2 =	vld [tilespmem:s16+$0x1040]  }
0x19c: {  	v3 =	vld [tilespmem:s15+$0x0];
	_ =	sdelay $0x3  }
0x19d: {  	v2 =	vshll.u32 v2, $0x9  }
0x19e: {  	v2 =	vadd.s32 v3, v2  }
0x19f: {  	[tilespmem:$0x131C0] =	vst v2  }
0x1a0: {  	s21 =	sor.u32 $0x50, s16;
	v2 =	vld [tilespmem:s16+$0x1050]  }
0x1a1: {  	v3 =	vld [tilespmem:s21+$0x0];
	_ =	sdelay $0x3  }
0x1a2: {  	v2 =	vshll.u32 v2, $0x9  }
0x1a3: {  	v2 =	vadd.s32 v3, v2  }
0x1a4: {  	[tilespmem:$0x131D0] =	vst v2  }
0x1a5: {  	s25 =	sor.u32 $0x60, s16;
	v2 =	vld [tilespmem:s16+$0x1060]  }
0x1a6: {  	v3 =	vld [tilespmem:s25+$0x0];
	_ =	sdelay $0x3  }
0x1a7: {  	v2 =	vshll.u32 v2, $0x9  }
0x1a8: {  	v2 =	vadd.s32 v3, v2  }
0x1a9: {  	[tilespmem:$0x131E0] =	vst v2  }
0x1aa: {  	s26 =	sor.u32 $0x70, s16;
	v2 =	vld [tilespmem:s16+$0x1070]  }
0x1ab: {  	v3 =	vld [tilespmem:s26+$0x0];
	_ =	sdelay $0x2  }
0x1ac: {  	s15 =	sadd.s32 @p3 $0xFFFFFFFF, s24  }
0x1ad: {  	s15 =	simm.s32 @!p3 $0x1;
	v2 =	vshll.u32 v2, $0x9  }
0x1ae: {  	s21 =	sadd.s32 s22, s15;
	v2 =	vadd.s32 v3, v2  }
0x1af: {  	s28 =	rddreg [dreg:$0x8];
	s3 =	sshll.u32 s21, $0xB;
	[tilespmem:$0x131F0] =	vst v2  }
0x1b0: {  	[spmem:s20] =	stream.indirect.scatter.add.f32 [tilespmem:s29], [sflag:$0xA], $0x1, s28, s0, $0xb8;
	[tilespmem:$0x19400] =	vst v63  }
0x1b1: {  	s3 =	sand.u32 $0x1FFFF800, s3;
	_ =	swait.ge [sflag:s5], $0x4000  }
0x1b2: {  	s3 =	sadd.s32 s30, s3;
	s16 =	sadd.s32 @p3 $0x80, s8;
	[sflag:s5] =	ssyncset.done $0x0  }
0x1b3: {  	s16 =	simm.s32 @!p3 $0x80;
	s25 =	rddreg [dreg:$0x9];
	[sflag:s5] =	ssyncadd.s32 $0xFFFFC000  }
0x1b4: {  	[hbm4b:s3+s1] =	stream.linear.scatter [tilespmem:s25], [sflag:$0x7], $0x4000, $0x38;
	[tilespmem:$0x19400] =	vst v63  }
0x1b5: {  	s19 =	simm.s32 @!p3 $0x80;
	v2 =	vld [tilespmem:s16+$0x1000]  }
0x1b6: {  	v3 =	vld [tilespmem:s19+$0x0];
	_ =	sdelay $0x3  }
0x1b7: {  	v2 =	vshll.u32 v2, $0x9  }
0x1b8: {  	v2 =	vadd.s32 v3, v2  }
0x1b9: {  	[tilespmem:$0x13200] =	vst v2  }
0x1ba: {  	s26 =	sor.u32 $0x10, s16;
	v2 =	vld [tilespmem:s16+$0x1010]  }
0x1bb: {  	v3 =	vld [tilespmem:s26+$0x0];
	_ =	sdelay $0x3  }
0x1bc: {  	v2 =	vshll.u32 v2, $0x9  }
0x1bd: {  	v2 =	vadd.s32 v3, v2  }
0x1be: {  	[tilespmem:$0x13210] =	vst v2  }
0x1bf: {  	s28 =	sor.u32 $0x20, s16;
	v2 =	vld [tilespmem:s16+$0x1020]  }
0x1c0: {  	v3 =	vld [tilespmem:s28+$0x0];
	_ =	sdelay $0x3  }
0x1c1: {  	v2 =	vshll.u32 v2, $0x9  }
0x1c2: {  	v2 =	vadd.s32 v3, v2  }
0x1c3: {  	[tilespmem:$0x13220] =	vst v2  }
0x1c4: {  	s14 =	sor.u32 $0x30, s16;
	v2 =	vld [tilespmem:s16+$0x1030]  }
0x1c5: {  	v3 =	vld [tilespmem:s14+$0x0];
	_ =	sdelay $0x3  }
0x1c6: {  	v2 =	vshll.u32 v2, $0x9  }
0x1c7: {  	v2 =	vadd.s32 v3, v2  }
0x1c8: {  	[tilespmem:$0x13230] =	vst v2  }
0x1c9: {  	s15 =	sor.u32 $0x40, s16;
	v2 =	vld [tilespmem:s16+$0x1040]  }
0x1ca: {  	v3 =	vld [tilespmem:s15+$0x0];
	_ =	sdelay $0x3  }
0x1cb: {  	v2 =	vshll.u32 v2, $0x9  }
0x1cc: {  	v2 =	vadd.s32 v3, v2  }
0x1cd: {  	[tilespmem:$0x13240] =	vst v2  }
0x1ce: {  	s19 =	sor.u32 $0x50, s16;
	v2 =	vld [tilespmem:s16+$0x1050]  }
0x1cf: {  	v3 =	vld [tilespmem:s19+$0x0];
	_ =	sdelay $0x3  }
0x1d0: {  	v2 =	vshll.u32 v2, $0x9  }
0x1d1: {  	v2 =	vadd.s32 v3, v2  }
0x1d2: {  	[tilespmem:$0x13250] =	vst v2  }
0x1d3: {  	s21 =	sor.u32 $0x60, s16;
	v2 =	vld [tilespmem:s16+$0x1060]  }
0x1d4: {  	v3 =	vld [tilespmem:s21+$0x0];
	_ =	sdelay $0x3  }
0x1d5: {  	v2 =	vshll.u32 v2, $0x9  }
0x1d6: {  	v2 =	vadd.s32 v3, v2  }
0x1d7: {  	[tilespmem:$0x13260] =	vst v2  }
0x1d8: {  	s25 =	sor.u32 $0x70, s16;
	v2 =	vld [tilespmem:s16+$0x1070]  }
0x1d9: {  	v3 =	vld [tilespmem:s25+$0x0];
	_ =	sdelay $0x2  }
0x1da: {  	s3 =	smov.u32 s24  }
0x1db: {  	s3 =	simm.s32 @!p3 $0x2;
	v2 =	vshll.u32 v2, $0x9  }
0x1dc: {  	s3 =	sadd.s32 s22, s3;
	v2 =	vadd.s32 v3, v2  }
0x1dd: {  	s3 =	sshll.u32 s3, $0xB;
	s26 =	rddreg [dreg:$0xa];
	[tilespmem:$0x13270] =	vst v2  }
0x1de: {  	[spmem:s20] =	stream.indirect.scatter.add.f32 [tilespmem:s29], [sflag:$0xB], $0x1, s26, s0, $0xb8;
	[tilespmem:$0x19400] =	vst v63  }
0x1df: {  	s3 =	sand.u32 $0x1FFFF800, s3;
	_ =	swait.ge [sflag:s6], $0x4000  }
0x1e0: {  	s3 =	sadd.s32 s30, s3;
	s14 =	sadd.s32 @p3 $0x100, s8;
	[sflag:s6] =	ssyncset.done $0x0  }
0x1e1: {  	s14 =	simm.s32 @!p3 $0x100;
	s28 =	rddreg [dreg:$0xb];
	[sflag:s6] =	ssyncadd.s32 $0xFFFFC000  }
0x1e2: {  	[hbm4b:s3+s1] =	stream.linear.scatter [tilespmem:s28], [sflag:$0x8], $0x4000, $0x38;
	[tilespmem:$0x19400] =	vst v63  }
0x1e3: {  	s13 =	simm.s32 @!p3 $0x100;
	v2 =	vld [tilespmem:s14+$0x1000]  }
0x1e4: {  	v3 =	vld [tilespmem:s13+$0x0];
	_ =	sdelay $0x3  }
0x1e5: {  	v2 =	vshll.u32 v2, $0x9  }
0x1e6: {  	v2 =	vadd.s32 v3, v2  }
0x1e7: {  	[tilespmem:$0x13280] =	vst v2  }
0x1e8: {  	s13 =	sor.u32 $0x10, s14;
	v2 =	vld [tilespmem:s14+$0x1010]  }
0x1e9: {  	v3 =	vld [tilespmem:s13+$0x0];
	_ =	sdelay $0x3  }
0x1ea: {  	v2 =	vshll.u32 v2, $0x9  }
0x1eb: {  	v2 =	vadd.s32 v3, v2  }
0x1ec: {  	[tilespmem:$0x13290] =	vst v2  }
0x1ed: {  	s15 =	sor.u32 $0x20, s14;
	v2 =	vld [tilespmem:s14+$0x1020]  }
0x1ee: {  	v3 =	vld [tilespmem:s15+$0x0];
	_ =	sdelay $0x3  }
0x1ef: {  	v2 =	vshll.u32 v2, $0x9  }
0x1f0: {  	v2 =	vadd.s32 v3, v2  }
0x1f1: {  	[tilespmem:$0x132A0] =	vst v2  }
0x1f2: {  	s16 =	sor.u32 $0x30, s14;
	v2 =	vld [tilespmem:s14+$0x1030]  }
0x1f3: {  	v3 =	vld [tilespmem:s16+$0x0];
	_ =	sdelay $0x3  }
0x1f4: {  	v2 =	vshll.u32 v2, $0x9  }
0x1f5: {  	v2 =	vadd.s32 v3, v2  }
0x1f6: {  	[tilespmem:$0x132B0] =	vst v2  }
0x1f7: {  	s19 =	sor.u32 $0x40, s14;
	v2 =	vld [tilespmem:s14+$0x1040]  }
0x1f8: {  	v3 =	vld [tilespmem:s19+$0x0];
	_ =	sdelay $0x3  }
0x1f9: {  	v2 =	vshll.u32 v2, $0x9  }
0x1fa: {  	v2 =	vadd.s32 v3, v2  }
0x1fb: {  	[tilespmem:$0x132C0] =	vst v2  }
0x1fc: {  	s21 =	sor.u32 $0x50, s14;
	v2 =	vld [tilespmem:s14+$0x1050]  }
0x1fd: {  	v3 =	vld [tilespmem:s21+$0x0];
	_ =	sdelay $0x3  }
0x1fe: {  	v2 =	vshll.u32 v2, $0x9  }
0x1ff: {  	v2 =	vadd.s32 v3, v2  }
0x200: {  	[tilespmem:$0x132D0] =	vst v2  }
0x201: {  	s25 =	sor.u32 $0x60, s14;
	v2 =	vld [tilespmem:s14+$0x1060]  }
0x202: {  	v3 =	vld [tilespmem:s25+$0x0];
	_ =	sdelay $0x3  }
0x203: {  	v2 =	vshll.u32 v2, $0x9  }
0x204: {  	v2 =	vadd.s32 v3, v2  }
0x205: {  	[tilespmem:$0x132E0] =	vst v2  }
0x206: {  	s26 =	sor.u32 $0x70, s14;
	v2 =	vld [tilespmem:s14+$0x1070]  }
0x207: {  	v3 =	vld [tilespmem:s26+$0x0];
	_ =	sdelay $0x3  }
0x208: {  	v2 =	vshll.u32 v2, $0x9  }
0x209: {  	v2 =	vadd.s32 v3, v2  }
0x20a: {  	s28 =	rddreg [dreg:$0xc];
	[tilespmem:$0x132F0] =	vst v2  }
0x20b: {  	[spmem:s20] =	stream.indirect.scatter.add.f32 [tilespmem:s29], [sflag:$0xC], $0x1, s28, s0, $0xb8;
	[tilespmem:$0x19400] =	vst v63  }
0x20c: {  	_ =	swait.ge [sflag:s7], $0x4000  }
0x20d: {  	[sflag:s7] =	ssyncset.done $0x0  }
0x20e: {  	[sflag:s7] =	ssyncadd.s32 $0xFFFFC000  }
0x20f: {  	[hbm4b:s23+s1] =	stream.linear.scatter [tilespmem:s2], [sflag:$0x9], $0x4000, $0x38;
	[tilespmem:$0x19400] =	vst v63  }
0x210: {  	v2 =	vld [tilespmem:s12+$0x1180]  }
0x211: {  	v3 =	vld [tilespmem:s12+$0x180];
	_ =	sdelay $0x3  }
0x212: {  	v2 =	vshll.u32 v2, $0x9  }
0x213: {  	v2 =	vadd.s32 v3, v2  }
0x214: {  	[tilespmem:$0x13300] =	vst v2  }
0x215: {  	v2 =	vld [tilespmem:s12+$0x1190]  }
0x216: {  	v3 =	vld [tilespmem:s12+$0x190];
	_ =	sdelay $0x3  }
0x217: {  	v2 =	vshll.u32 v2, $0x9  }
0x218: {  	v2 =	vadd.s32 v3, v2  }
0x219: {  	[tilespmem:$0x13310] =	vst v2  }
0x21a: {  	v2 =	vld [tilespmem:s12+$0x11A0]  }
0x21b: {  	v3 =	vld [tilespmem:s12+$0x1A0];
	_ =	sdelay $0x3  }
0x21c: {  	v2 =	vshll.u32 v2, $0x9  }
0x21d: {  	v2 =	vadd.s32 v3, v2  }
0x21e: {  	[tilespmem:$0x13320] =	vst v2  }
0x21f: {  	v2 =	vld [tilespmem:s12+$0x11B0]  }
0x220: {  	v3 =	vld [tilespmem:s12+$0x1B0];
	_ =	sdelay $0x3  }
0x221: {  	v2 =	vshll.u32 v2, $0x9  }
0x222: {  	v2 =	vadd.s32 v3, v2  }
0x223: {  	[tilespmem:$0x13330] =	vst v2  }
0x224: {  	v2 =	vld [tilespmem:s12+$0x11C0]  }
0x225: {  	v3 =	vld [tilespmem:s12+$0x1C0];
	_ =	sdelay $0x3  }
0x226: {  	v2 =	vshll.u32 v2, $0x9  }
0x227: {  	v2 =	vadd.s32 v3, v2  }
0x228: {  	[tilespmem:$0x13340] =	vst v2  }
0x229: {  	v2 =	vld [tilespmem:s12+$0x11D0]  }
0x22a: {  	v3 =	vld [tilespmem:s12+$0x1D0];
	_ =	sdelay $0x3  }
0x22b: {  	v2 =	vshll.u32 v2, $0x9  }
0x22c: {  	v2 =	vadd.s32 v3, v2  }
0x22d: {  	[tilespmem:$0x13350] =	vst v2  }
0x22e: {  	v2 =	vld [tilespmem:s12+$0x11E0]  }
0x22f: {  	s11 =	sadd.s32 $0x800, s11;
	v3 =	vld [tilespmem:s12+$0x1E0]  }
0x230: {  	p2 =	sne.s32 s11, $0x3000  }
.Ltmp3:
0x231: {  	_ = 	snop;
	(pc) =	sbr.rel @p2 .LBB2_8-.Ltmp3, $4  }
0x232: {  	_ = 	snop  }
0x233: {  	v2 =	vshll.u32 v2, $0x9  }
0x234: {  	s9 =	sadd.s32 $0x2000, s9;
	v2 =	vadd.s32 v3, v2  }
0x235: {  	s24 =	sadd.s32 $0x4, s24;
	p3 =	sne.s32 s10, $0x0;
	s23 =	sadd.s32 $0x2000, s23;
	[tilespmem:$0x13360] =	vst v2  }
0x236: {  	v2 =	vld [tilespmem:s12+$0x11F0]  }
0x237: {  	v3 =	vld [tilespmem:s12+$0x1F0];
	_ =	sdelay $0x3  }
0x238: {  	v2 =	vshll.u32 v2, $0x9  }
0x239: {  	v2 =	vadd.s32 v3, v2  }
0x23a: {  	s3 =	rddreg [dreg:$0xd];
	s11 =	simm.s32 @p3 $0x6;
	[tilespmem:$0x13370] =	vst v2  }
0x23b: {  	[spmem:s20] =	stream.indirect.scatter.add.f32 [tilespmem:s29], [sflag:$0xD], $0x1, s3, s0, $0xb8;
	[tilespmem:$0x19400] =	vst v63  }
0x23c: {  	_ =	swait.ge @p3 [sflag:s11], $0x4000  }
0x23d: {  	[sflag:s11] =	ssyncset.done @p3 $0x0  }
0x23e: {  	s3 =	simm.s32 @p3 $0xA;
	[sflag:s11] =	ssyncadd.s32 @p3 $0xFFFFC000  }
0x23f: {  	_ =	swait.ge @p3 [sflag:s3], $0x80  }
0x240: {  	s13 =	sshra.s32 @p3 s10, $0x2;
	s12 =	simm.s32 @p3 $0x7;
	[sflag:s3] =	ssyncset.done @p3 $0x0  }
0x241: {  	s14 =	simm.s32 @p3 $0x80;
	s11 =	simm.s32 @p3 $0x2000;
	[sflag:s3] =	ssyncadd.s32 @p3 $0xFFFFFF80  }
0x242: {  	[tilespmem:s11], [sflag:$0x2] =	stream.indirect.gather @p3 [spmem:s18], $0x80, s13, s14, $0xb8;
	[tilespmem:$0x19400] =	vst v63  }
0x243: {  	_ =	swait.ge @p3 [sflag:s12], $0x4000  }
0x244: {  	[sflag:s12] =	ssyncset.done @p3 $0x0  }
0x245: {  	s3 =	simm.s32 @p3 $0xB;
	[sflag:s12] =	ssyncadd.s32 @p3 $0xFFFFC000  }
0x246: {  	_ =	swait.ge @p3 [sflag:s3], $0x80  }
0x247: {  	s15 =	simm.s32 @p3 $0x8;
	[sflag:s3] =	ssyncset.done @p3 $0x0  }
0x248: {  	s11 =	simm.s32 @p3 $0x6000;
	s12 =	sadd.s32 @p3 $0x80, s13;
	[sflag:s3] =	ssyncadd.s32 @p3 $0xFFFFFF80  }
0x249: {  	[tilespmem:s11], [sflag:$0x3] =	stream.indirect.gather @p3 [spmem:s18], $0x80, s12, s14, $0xb8;
	[tilespmem:$0x19400] =	vst v63  }
0x24a: {  	_ =	swait.ge @p3 [sflag:s15], $0x4000  }
0x24b: {  	[sflag:s15] =	ssyncset.done @p3 $0x0  }
0x24c: {  	s3 =	simm.s32 @p3 $0xC;
	[sflag:s15] =	ssyncadd.s32 @p3 $0xFFFFC000  }
0x24d: {  	_ =	swait.ge @p3 [sflag:s3], $0x80  }
0x24e: {  	s11 =	sadd.s32 @p3 $0x100, s13;
	[sflag:s3] =	ssyncset.done @p3 $0x0  }
0x24f: {  	s15 =	simm.s32 @p3 $0xA000;
	[sflag:s3] =	ssyncadd.s32 @p3 $0xFFFFFF80;
	s3 =	simm.s32 @p3 $0x9  }
0x250: {  	[tilespmem:s15], [sflag:$0x4] =	stream.indirect.gather @p3 [spmem:s18], $0x80, s11, s14, $0xb8;
	[tilespmem:$0x19400] =	vst v63  }
0x251: {  	_ =	swait.ge @p3 [sflag:s3], $0x4000  }
0x252: {  	[sflag:s3] =	ssyncset.done @p3 $0x0  }
0x253: {  	s14 =	simm.s32 @p3 $0xD;
	[sflag:s3] =	ssyncadd.s32 @p3 $0xFFFFC000  }
0x254: {  	_ =	swait.ge @p3 [sflag:s14], $0x80  }
0x255: {  	s15 =	simm.s32 @!p3 $0x80;
	[sflag:s14] =	ssyncset.done @p3 $0x0  }
0x256: {  	s3 =	simm.s32 @!p3 $0x2000;
	[sflag:s14] =	ssyncadd.s32 @p3 $0xFFFFFF80;
	s14 =	simm.s32 @!p3 $0x0  }
0x257: {  	[tilespmem:s3], [sflag:$0x2] =	stream.indirect.gather @!p3 [spmem:s18], $0x80, s14, s15, $0xb8;
	[tilespmem:$0x19400] =	vst v63  }
0x258: {  	s3 =	simm.s32 @!p3 $0x6000  }
0x259: {  	[tilespmem:s3], [sflag:$0x3] =	stream.indirect.gather @!p3 [spmem:s18], $0x80, s15, s15, $0xb8;
	[tilespmem:$0x19400] =	vst v63  }
0x25a: {  	s10 =	sshra.s32 s10, $0x2;
	s14 =	simm.s32 @!p3 $0xA000;
	s3 =	simm.s32 @!p3 $0x100  }
0x25b: {  	[tilespmem:s14], [sflag:$0x4] =	stream.indirect.gather @!p3 [spmem:s18], $0x80, s3, s15, $0xb8;
	[tilespmem:$0x19400] =	vst v63  }
0x25c: {  	s14 =	sadd.s32 $0x180, s10  }
0x25d: {  	[tilespmem:s2], [sflag:$0x5] =	stream.indirect.gather [spmem:s18], $0x80, s14, s0, $0xb8;
	[tilespmem:$0x19400] =	vst v63  }
0x25e: {  	s8 =	sadd.s32 $0x200, s8;
	_ =	swait.ge [sflag:s4], $0x4000  }
0x25f: {  	s3 =	smov.u32 s8;
	[sflag:s4] =	ssyncset.done $0x0  }
0x260: {  	s3 =	simm.s32 @!p3 $0x0;
	s15 =	rddreg [dreg:$0x7];
	[sflag:s4] =	ssyncadd.s32 $0xFFFFC000  }
0x261: {  	[hbm4b:s9+s1] =	stream.linear.scatter [tilespmem:s15], [sflag:$0x6], $0x4000, $0x38;
	[tilespmem:$0x19400] =	vst v63  }
0x262: {  	s13 =	simm.s32 @!p3 $0x0;
	v2 =	vld [tilespmem:s3+$0x1000]  }
0x263: {  	v3 =	vld [tilespmem:s13+$0x0];
	_ =	sdelay $0x3  }
0x264: {  	v2 =	vshll.u32 v2, $0x9  }
0x265: {  	v2 =	vadd.s32 v3, v2  }
0x266: {  	[tilespmem:$0x13180] =	vst v2  }
0x267: {  	s16 =	sor.u32 $0x10, s3;
	v2 =	vld [tilespmem:s3+$0x1010]  }
0x268: {  	v3 =	vld [tilespmem:s16+$0x0];
	_ =	sdelay $0x3  }
0x269: {  	v2 =	vshll.u32 v2, $0x9  }
0x26a: {  	v2 =	vadd.s32 v3, v2  }
0x26b: {  	[tilespmem:$0x13190] =	vst v2  }
0x26c: {  	s19 =	sor.u32 $0x20, s3;
	v2 =	vld [tilespmem:s3+$0x1020]  }
0x26d: {  	v3 =	vld [tilespmem:s19+$0x0];
	_ =	sdelay $0x3  }
0x26e: {  	v2 =	vshll.u32 v2, $0x9  }
0x26f: {  	v2 =	vadd.s32 v3, v2  }
0x270: {  	[tilespmem:$0x131A0] =	vst v2  }
0x271: {  	s21 =	sor.u32 $0x30, s3;
	v2 =	vld [tilespmem:s3+$0x1030]  }
0x272: {  	v3 =	vld [tilespmem:s21+$0x0];
	_ =	sdelay $0x3  }
0x273: {  	v2 =	vshll.u32 v2, $0x9  }
0x274: {  	v2 =	vadd.s32 v3, v2  }
0x275: {  	[tilespmem:$0x131B0] =	vst v2  }
0x276: {  	s25 =	sor.u32 $0x40, s3;
	v2 =	vld [tilespmem:s3+$0x1040]  }
0x277: {  	v3 =	vld [tilespmem:s25+$0x0];
	_ =	sdelay $0x3  }
0x278: {  	v2 =	vshll.u32 v2, $0x9  }
0x279: {  	v2 =	vadd.s32 v3, v2  }
0x27a: {  	[tilespmem:$0x131C0] =	vst v2  }
0x27b: {  	s26 =	sor.u32 $0x50, s3;
	v2 =	vld [tilespmem:s3+$0x1050]  }
0x27c: {  	v3 =	vld [tilespmem:s26+$0x0];
	_ =	sdelay $0x3  }
0x27d: {  	v2 =	vshll.u32 v2, $0x9  }
0x27e: {  	v2 =	vadd.s32 v3, v2  }
0x27f: {  	[tilespmem:$0x131D0] =	vst v2  }
0x280: {  	s28 =	sor.u32 $0x60, s3;
	v2 =	vld [tilespmem:s3+$0x1060]  }
0x281: {  	v3 =	vld [tilespmem:s28+$0x0];
	_ =	sdelay $0x3  }
0x282: {  	v2 =	vshll.u32 v2, $0x9  }
0x283: {  	v2 =	vadd.s32 v3, v2  }
0x284: {  	[tilespmem:$0x131E0] =	vst v2  }
0x285: {  	s13 =	sor.u32 $0x70, s3;
	v2 =	vld [tilespmem:s3+$0x1070]  }
0x286: {  	v3 =	vld [tilespmem:s13+$0x0];
	_ =	sdelay $0x3  }
0x287: {  	s9 =	sadd.s32 @p3 $0xFFFFFFFF, s24;
	v2 =	vshll.u32 v2, $0x9  }
0x288: {  	s9 =	simm.s32 @!p3 $0x1;
	v2 =	vadd.s32 v3, v2  }
0x289: {  	s14 =	rddreg [dreg:$0x8];
	s15 =	sadd.s32 s22, s9;
	[tilespmem:$0x131F0] =	vst v2  }
0x28a: {  	[spmem:s20] =	stream.indirect.scatter.add.f32 [tilespmem:s29], [sflag:$0xA], $0x1, s14, s0, $0xb8;
	[tilespmem:$0x19400] =	vst v63  }
0x28b: {  	s3 =	sshll.u32 s15, $0xB;
	_ =	swait.ge [sflag:s5], $0x4000  }
0x28c: {  	s3 =	sand.u32 $0x1FFFF800, s3;
	[sflag:s5] =	ssyncset.done $0x0  }
0x28d: {  	s3 =	sadd.s32 s30, s3;
	s16 =	rddreg [dreg:$0x9];
	[sflag:s5] =	ssyncadd.s32 $0xFFFFC000  }
0x28e: {  	[hbm4b:s3+s1] =	stream.linear.scatter [tilespmem:s16], [sflag:$0x7], $0x4000, $0x38;
	[tilespmem:$0x19400] =	vst v63  }
0x28f: {  	s3 =	sadd.s32 @p3 $0x80, s8  }
0x290: {  	s3 =	simm.s32 @!p3 $0x80  }
0x291: {  	s12 =	simm.s32 @!p3 $0x80;
	v2 =	vld [tilespmem:s3+$0x1000]  }
0x292: {  	v3 =	vld [tilespmem:s12+$0x0];
	_ =	sdelay $0x3  }
0x293: {  	v2 =	vshll.u32 v2, $0x9  }
0x294: {  	v2 =	vadd.s32 v3, v2  }
0x295: {  	[tilespmem:$0x13200] =	vst v2  }
0x296: {  	s19 =	sor.u32 $0x10, s3;
	v2 =	vld [tilespmem:s3+$0x1010]  }
0x297: {  	v3 =	vld [tilespmem:s19+$0x0];
	_ =	sdelay $0x3  }
0x298: {  	v2 =	vshll.u32 v2, $0x9  }
0x299: {  	v2 =	vadd.s32 v3, v2  }
0x29a: {  	[tilespmem:$0x13210] =	vst v2  }
0x29b: {  	s21 =	sor.u32 $0x20, s3;
	v2 =	vld [tilespmem:s3+$0x1020]  }
0x29c: {  	v3 =	vld [tilespmem:s21+$0x0];
	_ =	sdelay $0x3  }
0x29d: {  	v2 =	vshll.u32 v2, $0x9  }
0x29e: {  	v2 =	vadd.s32 v3, v2  }
0x29f: {  	[tilespmem:$0x13220] =	vst v2  }
0x2a0: {  	s25 =	sor.u32 $0x30, s3;
	v2 =	vld [tilespmem:s3+$0x1030]  }
0x2a1: {  	v3 =	vld [tilespmem:s25+$0x0];
	_ =	sdelay $0x3  }
0x2a2: {  	v2 =	vshll.u32 v2, $0x9  }
0x2a3: {  	v2 =	vadd.s32 v3, v2  }
0x2a4: {  	[tilespmem:$0x13230] =	vst v2  }
0x2a5: {  	s26 =	sor.u32 $0x40, s3;
	v2 =	vld [tilespmem:s3+$0x1040]  }
0x2a6: {  	v3 =	vld [tilespmem:s26+$0x0];
	_ =	sdelay $0x3  }
0x2a7: {  	v2 =	vshll.u32 v2, $0x9  }
0x2a8: {  	v2 =	vadd.s32 v3, v2  }
0x2a9: {  	[tilespmem:$0x13240] =	vst v2  }
0x2aa: {  	s28 =	sor.u32 $0x50, s3;
	v2 =	vld [tilespmem:s3+$0x1050]  }
0x2ab: {  	v3 =	vld [tilespmem:s28+$0x0];
	_ =	sdelay $0x3  }
0x2ac: {  	v2 =	vshll.u32 v2, $0x9  }
0x2ad: {  	v2 =	vadd.s32 v3, v2  }
0x2ae: {  	[tilespmem:$0x13250] =	vst v2  }
0x2af: {  	s12 =	sor.u32 $0x60, s3;
	v2 =	vld [tilespmem:s3+$0x1060]  }
0x2b0: {  	v3 =	vld [tilespmem:s12+$0x0];
	_ =	sdelay $0x3  }
0x2b1: {  	v2 =	vshll.u32 v2, $0x9  }
0x2b2: {  	v2 =	vadd.s32 v3, v2  }
0x2b3: {  	[tilespmem:$0x13260] =	vst v2  }
0x2b4: {  	v2 =	vld [tilespmem:s3+$0x1070];
	s3 =	sor.u32 $0x70, s3  }
0x2b5: {  	v3 =	vld [tilespmem:s3+$0x0];
	_ =	sdelay $0x3  }
0x2b6: {  	v2 =	vshll.u32 v2, $0x9  }
0x2b7: {  	s24 =	simm.s32 @!p3 $0x2;
	v2 =	vadd.s32 v3, v2  }
0x2b8: {  	s14 =	sadd.s32 s22, s24;
	s13 =	rddreg [dreg:$0xa];
	[tilespmem:$0x13270] =	vst v2  }
0x2b9: {  	[spmem:s20] =	stream.indirect.scatter.add.f32 [tilespmem:s29], [sflag:$0xB], $0x1, s13, s0, $0xb8;
	[tilespmem:$0x19400] =	vst v63  }
0x2ba: {  	s3 =	sshll.u32 s14, $0xB;
	_ =	swait.ge [sflag:s6], $0x4000  }
0x2bb: {  	s3 =	sand.u32 $0x1FFFF800, s3;
	[sflag:s6] =	ssyncset.done $0x0  }
0x2bc: {  	s3 =	sadd.s32 s30, s3;
	s15 =	rddreg [dreg:$0xb];
	[sflag:s6] =	ssyncadd.s32 $0xFFFFC000  }
0x2bd: {  	[hbm4b:s3+s1] =	stream.linear.scatter [tilespmem:s15], [sflag:$0x8], $0x4000, $0x38;
	[tilespmem:$0x19400] =	vst v63  }
0x2be: {  	s3 =	sadd.s32 @p3 $0x100, s8  }
0x2bf: {  	s3 =	simm.s32 @!p3 $0x100  }
0x2c0: {  	s11 =	simm.s32 @!p3 $0x100;
	v2 =	vld [tilespmem:s3+$0x1000]  }
0x2c1: {  	v3 =	vld [tilespmem:s11+$0x0];
	_ =	sdelay $0x3  }
0x2c2: {  	v2 =	vshll.u32 v2, $0x9  }
0x2c3: {  	v2 =	vadd.s32 v3, v2  }
0x2c4: {  	[tilespmem:$0x13280] =	vst v2  }
0x2c5: {  	s16 =	sor.u32 $0x10, s3;
	v2 =	vld [tilespmem:s3+$0x1010]  }
0x2c6: {  	v3 =	vld [tilespmem:s16+$0x0];
	_ =	sdelay $0x3  }
0x2c7: {  	v2 =	vshll.u32 v2, $0x9  }
0x2c8: {  	v2 =	vadd.s32 v3, v2  }
0x2c9: {  	[tilespmem:$0x13290] =	vst v2  }
0x2ca: {  	s19 =	sor.u32 $0x20, s3;
	v2 =	vld [tilespmem:s3+$0x1020]  }
0x2cb: {  	v3 =	vld [tilespmem:s19+$0x0];
	_ =	sdelay $0x3  }
0x2cc: {  	v2 =	vshll.u32 v2, $0x9  }
0x2cd: {  	v2 =	vadd.s32 v3, v2  }
0x2ce: {  	[tilespmem:$0x132A0] =	vst v2  }
0x2cf: {  	s21 =	sor.u32 $0x30, s3;
	v2 =	vld [tilespmem:s3+$0x1030]  }
0x2d0: {  	v3 =	vld [tilespmem:s21+$0x0];
	_ =	sdelay $0x3  }
0x2d1: {  	v2 =	vshll.u32 v2, $0x9  }
0x2d2: {  	v2 =	vadd.s32 v3, v2  }
0x2d3: {  	[tilespmem:$0x132B0] =	vst v2  }
0x2d4: {  	s24 =	sor.u32 $0x40, s3;
	v2 =	vld [tilespmem:s3+$0x1040]  }
0x2d5: {  	v3 =	vld [tilespmem:s24+$0x0];
	_ =	sdelay $0x3  }
0x2d6: {  	v2 =	vshll.u32 v2, $0x9  }
0x2d7: {  	v2 =	vadd.s32 v3, v2  }
0x2d8: {  	[tilespmem:$0x132C0] =	vst v2  }
0x2d9: {  	s25 =	sor.u32 $0x50, s3;
	v2 =	vld [tilespmem:s3+$0x1050]  }
0x2da: {  	v3 =	vld [tilespmem:s25+$0x0];
	_ =	sdelay $0x3  }
0x2db: {  	v2 =	vshll.u32 v2, $0x9  }
0x2dc: {  	v2 =	vadd.s32 v3, v2  }
0x2dd: {  	[tilespmem:$0x132D0] =	vst v2  }
0x2de: {  	s26 =	sor.u32 $0x60, s3;
	v2 =	vld [tilespmem:s3+$0x1060]  }
0x2df: {  	v3 =	vld [tilespmem:s26+$0x0];
	_ =	sdelay $0x3  }
0x2e0: {  	v2 =	vshll.u32 v2, $0x9  }
0x2e1: {  	v2 =	vadd.s32 v3, v2  }
0x2e2: {  	[tilespmem:$0x132E0] =	vst v2  }
0x2e3: {  	s28 =	sor.u32 $0x70, s3;
	v2 =	vld [tilespmem:s3+$0x1070]  }
0x2e4: {  	v3 =	vld [tilespmem:s28+$0x0];
	_ =	sdelay $0x3  }
0x2e5: {  	v2 =	vshll.u32 v2, $0x9  }
0x2e6: {  	v2 =	vadd.s32 v3, v2  }
0x2e7: {  	s8 =	rddreg [dreg:$0xc];
	[tilespmem:$0x132F0] =	vst v2  }
0x2e8: {  	[spmem:s20] =	stream.indirect.scatter.add.f32 [tilespmem:s29], [sflag:$0xC], $0x1, s8, s0, $0xb8;
	[tilespmem:$0x19400] =	vst v63  }
0x2e9: {  	_ =	swait.ge [sflag:s7], $0x4000  }
0x2ea: {  	[sflag:s7] =	ssyncset.done $0x0  }
0x2eb: {  	[sflag:s7] =	ssyncadd.s32 $0xFFFFC000  }
0x2ec: {  	[hbm4b:s23+s1] =	stream.linear.scatter [tilespmem:s2], [sflag:$0x9], $0x4000, $0x38;
	[tilespmem:$0x19400] =	vst v63  }
0x2ed: {  	v2 =	vld [tilespmem:s10+$0x1180]  }
0x2ee: {  	v3 =	vld [tilespmem:s10+$0x180];
	_ =	sdelay $0x3  }
0x2ef: {  	v2 =	vshll.u32 v2, $0x9  }
0x2f0: {  	v2 =	vadd.s32 v3, v2  }
0x2f1: {  	[tilespmem:$0x13300] =	vst v2  }
0x2f2: {  	v2 =	vld [tilespmem:s10+$0x1190]  }
0x2f3: {  	v3 =	vld [tilespmem:s10+$0x190];
	_ =	sdelay $0x3  }
0x2f4: {  	v2 =	vshll.u32 v2, $0x9  }
0x2f5: {  	v2 =	vadd.s32 v3, v2  }
0x2f6: {  	[tilespmem:$0x13310] =	vst v2  }
0x2f7: {  	v2 =	vld [tilespmem:s10+$0x11A0]  }
0x2f8: {  	v3 =	vld [tilespmem:s10+$0x1A0];
	_ =	sdelay $0x3  }
0x2f9: {  	v2 =	vshll.u32 v2, $0x9  }
0x2fa: {  	v2 =	vadd.s32 v3, v2  }
0x2fb: {  	[tilespmem:$0x13320] =	vst v2  }
0x2fc: {  	v2 =	vld [tilespmem:s10+$0x11B0]  }
0x2fd: {  	v3 =	vld [tilespmem:s10+$0x1B0];
	_ =	sdelay $0x3  }
0x2fe: {  	v2 =	vshll.u32 v2, $0x9  }
0x2ff: {  	v2 =	vadd.s32 v3, v2  }
0x300: {  	[tilespmem:$0x13330] =	vst v2  }
0x301: {  	v2 =	vld [tilespmem:s10+$0x11C0]  }
0x302: {  	v3 =	vld [tilespmem:s10+$0x1C0];
	_ =	sdelay $0x3  }
0x303: {  	v2 =	vshll.u32 v2, $0x9  }
0x304: {  	v2 =	vadd.s32 v3, v2  }
0x305: {  	[tilespmem:$0x13340] =	vst v2  }
0x306: {  	v2 =	vld [tilespmem:s10+$0x11D0]  }
0x307: {  	v3 =	vld [tilespmem:s10+$0x1D0];
	_ =	sdelay $0x3  }
0x308: {  	v2 =	vshll.u32 v2, $0x9  }
0x309: {  	v2 =	vadd.s32 v3, v2  }
0x30a: {  	[tilespmem:$0x13350] =	vst v2  }
0x30b: {  	v2 =	vld [tilespmem:s10+$0x11E0]  }
0x30c: {  	v3 =	vld [tilespmem:s10+$0x1E0];
	_ =	sdelay $0x3  }
0x30d: {  	v2 =	vshll.u32 v2, $0x9  }
0x30e: {  	v2 =	vadd.s32 v3, v2  }
0x30f: {  	[tilespmem:$0x13360] =	vst v2  }
0x310: {  	v2 =	vld [tilespmem:s10+$0x11F0]  }
0x311: {  	v3 =	vld [tilespmem:s10+$0x1F0];
	_ =	sdelay $0x3  }
0x312: {  	v2 =	vshll.u32 v2, $0x9  }
0x313: {  	v2 =	vadd.s32 v3, v2  }
0x314: {  	s9 =	rddreg [dreg:$0xd];
	s10 =	simm.s32 $0x6;
	[tilespmem:$0x13370] =	vst v2  }
0x315: {  	[spmem:s20] =	stream.indirect.scatter.add.f32 [tilespmem:s29], [sflag:$0xD], $0x1, s9, s0, $0xb8;
	[tilespmem:$0x19400] =	vst v63  }
0x316: {  	_ =	swait.ge [sflag:s10], $0x4000  }
0x317: {  	[sflag:s10] =	ssyncset.done $0x0  }
0x318: {  	s11 =	simm.s32 $0xA;
	[sflag:s10] =	ssyncadd.s32 $0xFFFFC000  }
0x319: {  	_ =	swait.ge [sflag:s11], $0x80  }
0x31a: {  	[sflag:s11] =	ssyncset.done $0x0  }
0x31b: {  	s12 =	simm.s32 $0x7;
	[sflag:s11] =	ssyncadd.s32 $0xFFFFFF80  }
0x31c: {  	_ =	swait.ge [sflag:s12], $0x4000  }
0x31d: {  	[sflag:s12] =	ssyncset.done $0x0  }
0x31e: {  	s13 =	simm.s32 $0xB;
	[sflag:s12] =	ssyncadd.s32 $0xFFFFC000  }
0x31f: {  	_ =	swait.ge [sflag:s13], $0x80  }
0x320: {  	[sflag:s13] =	ssyncset.done $0x0  }
0x321: {  	s14 =	simm.s32 $0x8;
	[sflag:s13] =	ssyncadd.s32 $0xFFFFFF80  }
0x322: {  	_ =	swait.ge [sflag:s14], $0x4000  }
0x323: {  	[sflag:s14] =	ssyncset.done $0x0  }
0x324: {  	s15 =	simm.s32 $0xC;
	[sflag:s14] =	ssyncadd.s32 $0xFFFFC000  }
0x325: {  	_ =	swait.ge [sflag:s15], $0x80  }
0x326: {  	[sflag:s15] =	ssyncset.done $0x0  }
0x327: {  	s16 =	simm.s32 $0x9;
	[sflag:s15] =	ssyncadd.s32 $0xFFFFFF80  }
0x328: {  	_ =	swait.ge [sflag:s16], $0x4000  }
0x329: {  	[sflag:s16] =	ssyncset.done $0x0  }
0x32a: {  	s19 =	simm.s32 $0xD;
	[sflag:s16] =	ssyncadd.s32 $0xFFFFC000  }
0x32b: {  	_ =	swait.ge [sflag:s19], $0x80  }
0x32c: {  	s9 =	sld [smem:$0x7E6]  }
0x32d: {  	[sflag:s19] =	ssyncset.done $0x0  }
0x32e: {  	s3 =	simm.s32 @!p1 $0x0;
	s8 =	simm.s32 @!p1 $0x12000;
	[sflag:s19] =	ssyncadd.s32 $0xFFFFFF80  }
0x32f: {  	[tilespmem:s8], [sflag:$0xE] =	stream.linear.gather @!p1 [hbm4b:s9+s3], $0x20, $0x38;
	[tilespmem:$0x19400] =	vst v63  }
0x330: {  	s9 =	simm.s32 @!p1 $0xE  }
0x331: {  	_ =	swait.ge @!p1 [sflag:s9], $0x20  }
0x332: {  	s11 =	sld [smem:$0x7E7]  }
0x333: {  	[sflag:s9] =	ssyncset.done @!p1 $0x0  }
0x334: {  	s10 =	simm.s32 @!p1 $0x12080;
	[sflag:s9] =	ssyncadd.s32 @!p1 $0xFFFFFFE0  }
0x335: {  	[tilespmem:s10], [sflag:$0xE] =	stream.linear.gather @!p1 [hbm4b:s11+s3], $0x20, $0x38;
	[tilespmem:$0x19400] =	vst v63  }
0x336: {  	_ =	swait.ge @!p1 [sflag:s9], $0x20  }
0x337: {  	[sflag:s9] =	ssyncset.done @!p1 $0x0  }
0x338: {  	s10 =	simm.s32 @!p1 $0x20;
	s11 =	simm.s32 @!p1 $0x12100;
	[sflag:s9] =	ssyncadd.s32 @!p1 $0xFFFFFFE0  }
0x339: {  	[tilespmem:s11], [sflag:$0xE] =	stream.indirect.gather @!p1 [spmem:s18], $0x80, s8, s10, $0xb8;
	[tilespmem:$0x19400] =	vst v63  }
0x33a: {  	_ =	swait.ge @!p1 [sflag:s9], $0x1000  }
0x33b: {  	s8 =	sld [smem:$0x7F9]  }
0x33c: {  	[sflag:s9] =	ssyncset.done @!p1 $0x0  }
0x33d: {  	[sflag:s9] =	ssyncadd.s32 @!p1 $0xFFFFF000  }
0x33e: {  	[hbm4b:s8+s3] =	stream.linear.scatter @!p1 [tilespmem:s11], [sflag:$0xE], $0x1000, $0x38;
	[tilespmem:$0x19400] =	vst v63  }
0x33f: {  	_ =	swait.ge @!p1 [sflag:s9], $0x1000  }
0x340: {  	[sflag:s9] =	ssyncset.done @!p1 $0x0  }
0x341: {  	[sflag:s9] =	ssyncadd.s32 @!p1 $0xFFFFF000  }
0x342: {  	v2 =	vld @!p1 [tilespmem:$0x12080]  }
0x343: {  	v3 =	vld @!p1 [tilespmem:$0x12000]  }
0x344: {  	v4 =	vld @!p1 [tilespmem:$0x12090]  }
0x345: {  	v5 =	vld @!p1 [tilespmem:$0x12010];
	_ =	sdelay $0x2  }
0x346: {  	v2 =	vshll.u32 @!p1 v2, $0x9  }
0x347: {  	v2 =	vadd.s32 @!p1 v3, v2;
	v3 =	vshll.u32 @!p1 v4, $0x9  }
0x348: {  	[tilespmem:$0x13100] =	vst @!p1 v2;
	v2 =	vadd.s32 @!p1 v5, v3  }
0x349: {  	s3 =	simm.s32 @!p1 $0x13100;
	s8 =	simm.s32 @!p1 $0x13380;
	[tilespmem:$0x13110] =	vst @!p1 v2  }
0x34a: {  	[spmem:s20] =	stream.indirect.scatter.add.f32 @!p1 [tilespmem:s8], [sflag:$0xE], $0x1, s3, s10, $0xb8;
	[tilespmem:$0x19400] =	vst v63  }
0x34b: {  	_ =	swait.ge @!p1 [sflag:s9], $0x20  }
0x34c: {  	s3 =	simm.s32 @!p0 $0x80;
	[sflag:s9] =	ssyncset.done @!p1 $0x0  }
0x34d: {  	s8 =	simm.s32 @!p0 $0xC00;
	[sflag:s9] =	ssyncadd.s32 @!p1 $0xFFFFFFE0;
	s9 =	simm.s32 @!p0 $0x2000  }
0x34e: {  	[tilespmem:s9], [sflag:$0x2] =	stream.indirect.gather @!p0 [spmem:s18], $0x80, s8, s3, $0xb8;
	[tilespmem:$0x19400] =	vst v63  }
0x34f: {  	s8 =	simm.s32 @!p0 $0x2  }
0x350: {  	_ =	swait.ge @!p0 [sflag:s8], $0x4000  }
0x351: {  	s10 =	sld [smem:$0x7E8]  }
0x352: {  	[sflag:s8] =	ssyncset.done @!p0 $0x0  }
0x353: {  	[sflag:s8] =	ssyncadd.s32 @!p0 $0xFFFFC000;
	s8 =	simm.s32 @!p0 $0x0  }
0x354: {  	[hbm4b:s10+s8] =	stream.linear.scatter @!p0 [tilespmem:s9], [sflag:$0x6], $0x4000, $0x38;
	[tilespmem:$0x19400] =	vst v63  }
0x355: {  	v2 =	vld @!p0 [tilespmem:$0x1C00]  }
0x356: {  	v3 =	vld @!p0 [tilespmem:$0xC00]  }
0x357: {  	v4 =	vld @!p0 [tilespmem:$0x1C10]  }
0x358: {  	v5 =	vld @!p0 [tilespmem:$0xC10]  }
0x359: {  	v6 =	vld @!p0 [tilespmem:$0x1C20]  }
0x35a: {  	v7 =	vld @!p0 [tilespmem:$0xC20]  }
0x35b: {  	v8 =	vld @!p0 [tilespmem:$0x1C30]  }
0x35c: {  	v9 =	vld @!p0 [tilespmem:$0xC30]  }
0x35d: {  	v10 =	vld @!p0 [tilespmem:$0x1C40]  }
0x35e: {  	v11 =	vld @!p0 [tilespmem:$0xC40]  }
0x35f: {  	v12 =	vld @!p0 [tilespmem:$0x1C50]  }
0x360: {  	v13 =	vld @!p0 [tilespmem:$0xC50]  }
0x361: {  	v14 =	vld @!p0 [tilespmem:$0x1C60];
	v2 =	vshll.u32 @!p0 v2, $0x9  }
0x362: {  	v2 =	vadd.s32 @!p0 v3, v2;
	v3 =	vshll.u32 @!p0 v4, $0x9;
	v4 =	vld @!p0 [tilespmem:$0xC60]  }
0x363: {  	[tilespmem:$0x13180] =	vst @!p0 v2;
	v2 =	vadd.s32 @!p0 v5, v3;
	v3 =	vshll.u32 @!p0 v6, $0x9;
	v5 =	vld @!p0 [tilespmem:$0x1C70]  }
0x364: {  	v6 =	vld @!p0 [tilespmem:$0xC70];
	[tilespmem:$0x13190] =	vst @!p0 v2;
	v2 =	vadd.s32 @!p0 v7, v3;
	v3 =	vshll.u32 @!p0 v8, $0x9  }
0x365: {  	[tilespmem:$0x131A0] =	vst @!p0 v2;
	v2 =	vadd.s32 @!p0 v9, v3;
	v3 =	vshll.u32 @!p0 v10, $0x9  }
0x366: {  	[tilespmem:$0x131B0] =	vst @!p0 v2;
	v2 =	vadd.s32 @!p0 v11, v3;
	v3 =	vshll.u32 @!p0 v12, $0x9  }
0x367: {  	[tilespmem:$0x131C0] =	vst @!p0 v2;
	v2 =	vadd.s32 @!p0 v13, v3;
	v3 =	vshll.u32 @!p0 v14, $0x9  }
0x368: {  	[tilespmem:$0x131D0] =	vst @!p0 v2;
	v2 =	vadd.s32 @!p0 v4, v3;
	v3 =	vshll.u32 @!p0 v5, $0x9  }
0x369: {  	[tilespmem:$0x131E0] =	vst @!p0 v2;
	v2 =	vadd.s32 @!p0 v6, v3  }
0x36a: {  	s8 =	simm.s32 @!p0 $0x13180;
	s9 =	simm.s32 @!p0 $0x13380;
	[tilespmem:$0x131F0] =	vst @!p0 v2  }
0x36b: {  	[spmem:s20] =	stream.indirect.scatter.add.f32 @!p0 [tilespmem:s9], [sflag:$0xA], $0x1, s8, s3, $0xb8;
	[tilespmem:$0x19400] =	vst v63  }
0x36c: {  	s3 =	simm.s32 @!p0 $0x6  }
0x36d: {  	_ =	swait.ge @!p0 [sflag:s3], $0x4000  }
0x36e: {  	[sflag:s3] =	ssyncset.done @!p0 $0x0  }
0x36f: {  	[sflag:s3] =	ssyncadd.s32 @!p0 $0xFFFFC000;
	s3 =	simm.s32 @!p0 $0xA  }
0x370: {  	_ =	swait.ge @!p0 [sflag:s3], $0x80  }
0x371: {  	[sflag:s3] =	ssyncset.done @!p0 $0x0  }
0x372: {  	[sflag:s3] =	ssyncadd.s32 @!p0 $0xFFFFFF80  }
0x373: {  	[bflag:$0x0] =	sbarrier.arrive $0xFFFF  }
0x374: {  	s13 =	sld [smem:$0x7FC]  }
0x375: {  	s21 =	stileid.u32  }
0x376: {  	s25 =	simm.s32 $0x10;
	s3 =	sshll.u32 s21, $0x6  }
0x377: {  	s3 =	sor.u32 $0x1C01, s3;
	s24 =	rddreg [dreg:$0xf];
	s23 =	sshrl.u32 s13, $0x3  }
0x378: {  	[hbm:s24@s0], [sflag:s3] =	dma.strided [spmem:s23@s25], $0x40, s17, $0x10   }
0x379: {  	s9 =	sld [smem:$0x7EA];
	_ =	sdelay $0x1  }
0x37a: {  	s8 =	rddreg [dreg:$0x11]  }
0x37b: {  	[hbm:s8@s0], [sflag:s3] =	dma.strided [spmem:s9@s25], $0x40, s17, $0x10   }
0x37c: {  	s9 =	sld [smem:$0x7EB];
	_ =	sdelay $0x1  }
0x37d: {  	s8 =	rddreg [dreg:$0x13]  }
0x37e: {  	[hbm:s8@s0], [sflag:s3] =	dma.strided [spmem:s9@s25], $0x40, s17, $0x10   }
0x37f: {  	s9 =	sld [smem:$0x7EC];
	_ =	sdelay $0x1  }
0x380: {  	s8 =	rddreg [dreg:$0x15]  }
0x381: {  	[hbm:s8@s0], [sflag:s3] =	dma.strided [spmem:s9@s25], $0x40, s17, $0x10   }
0x382: {  	s9 =	sld [smem:$0x7ED];
	_ =	sdelay $0x1  }
0x383: {  	s8 =	rddreg [dreg:$0x17]  }
0x384: {  	[hbm:s8@s0], [sflag:s3] =	dma.strided [spmem:s9@s25], $0x40, s17, $0x10   }
0x385: {  	s9 =	sld [smem:$0x7EE];
	_ =	sdelay $0x1  }
0x386: {  	s8 =	rddreg [dreg:$0x19]  }
0x387: {  	[hbm:s8@s0], [sflag:s3] =	dma.strided [spmem:s9@s25], $0x40, s17, $0x10   }
0x388: {  	s9 =	sld [smem:$0x7EF];
	_ =	sdelay $0x1  }
0x389: {  	s8 =	rddreg [dreg:$0x1b]  }
0x38a: {  	[hbm:s8@s0], [sflag:s3] =	dma.strided [spmem:s9@s25], $0x40, s17, $0x10   }
0x38b: {  	s9 =	sld [smem:$0x7F0];
	_ =	sdelay $0x1  }
0x38c: {  	s8 =	rddreg [dreg:$0x1c]  }
0x38d: {  	[hbm:s8@s0], [sflag:s3] =	dma.strided [spmem:s9@s25], $0x40, s17, $0x10   }
0x38e: {  	s9 =	sld [smem:$0x7F1];
	_ =	sdelay $0x1  }
0x38f: {  	s8 =	rddreg [dreg:$0xe]  }
0x390: {  	[hbm:s8@s0], [sflag:s3] =	dma.strided [spmem:s9@s25], $0x40, s17, $0x10   }
0x391: {  	s9 =	sld [smem:$0x7F2];
	_ =	sdelay $0x1  }
0x392: {  	s8 =	rddreg [dreg:$0x10]  }
0x393: {  	[hbm:s8@s0], [sflag:s3] =	dma.strided [spmem:s9@s25], $0x40, s17, $0x10   }
0x394: {  	s9 =	sld [smem:$0x7F3];
	_ =	sdelay $0x1  }
0x395: {  	s8 =	rddreg [dreg:$0x12]  }
0x396: {  	[hbm:s8@s0], [sflag:s3] =	dma.strided [spmem:s9@s25], $0x40, s17, $0x10   }
0x397: {  	s9 =	sld [smem:$0x7F4];
	_ =	sdelay $0x1  }
0x398: {  	s8 =	rddreg [dreg:$0x14]  }
0x399: {  	[hbm:s8@s0], [sflag:s3] =	dma.strided [spmem:s9@s25], $0x40, s17, $0x10   }
0x39a: {  	s9 =	sld [smem:$0x7F5];
	_ =	sdelay $0x1  }
0x39b: {  	s8 =	rddreg [dreg:$0x16]  }
0x39c: {  	[hbm:s8@s0], [sflag:s3] =	dma.strided [spmem:s9@s25], $0x40, s17, $0x10   }
0x39d: {  	s9 =	sld [smem:$0x7F6];
	_ =	sdelay $0x1  }
0x39e: {  	s8 =	rddreg [dreg:$0x18]  }
0x39f: {  	[hbm:s8@s0], [sflag:s3] =	dma.strided [spmem:s9@s25], $0x40, s17, $0x10   }
0x3a0: {  	s9 =	sld [smem:$0x7F7];
	_ =	sdelay $0x1  }
0x3a1: {  	s8 =	rddreg [dreg:$0x1a]  }
0x3a2: {  	[hbm:s8@s0], [sflag:s3] =	dma.strided [spmem:s9@s25], $0x40, s17, $0x10   }
0x3a3: {  	s9 =	sld [smem:$0x7F8];
	_ =	sdelay $0x1  }
0x3a4: {  	s8 =	rddreg [dreg:$0x1d]  }
0x3a5: {  	[hbm:s8@s0], [sflag:s3] =	dma.strided [spmem:s9@s25], $0x40, s17, $0x10   }
0x3a6: {  	_ =	swait.ge [sflag:s17], $0x40  }
0x3a7: {  	[sflag:s17] =	ssyncset.done $0x0  }
0x3a8: {  	[sflag:s17] =	ssyncadd.s32 $0xFFFFFFC0  }
0x3a9: {  	_ =	swait.ge [sflag:s17], $0x40  }
0x3aa: {  	[sflag:s17] =	ssyncset.done $0x0  }
0x3ab: {  	[sflag:s17] =	ssyncadd.s32 $0xFFFFFFC0  }
0x3ac: {  	_ =	swait.ge [sflag:s17], $0x40  }
0x3ad: {  	[sflag:s17] =	ssyncset.done $0x0  }
0x3ae: {  	[sflag:s17] =	ssyncadd.s32 $0xFFFFFFC0  }
0x3af: {  	_ =	swait.ge [sflag:s17], $0x40  }
0x3b0: {  	[sflag:s17] =	ssyncset.done $0x0  }
0x3b1: {  	[sflag:s17] =	ssyncadd.s32 $0xFFFFFFC0  }
0x3b2: {  	_ =	swait.ge [sflag:s17], $0x40  }
0x3b3: {  	[sflag:s17] =	ssyncset.done $0x0  }
0x3b4: {  	[sflag:s17] =	ssyncadd.s32 $0xFFFFFFC0  }
0x3b5: {  	_ =	swait.ge [sflag:s17], $0x40  }
0x3b6: {  	[sflag:s17] =	ssyncset.done $0x0  }
0x3b7: {  	[sflag:s17] =	ssyncadd.s32 $0xFFFFFFC0  }
0x3b8: {  	_ =	swait.ge [sflag:s17], $0x40  }
0x3b9: {  	[sflag:s17] =	ssyncset.done $0x0  }
0x3ba: {  	[sflag:s17] =	ssyncadd.s32 $0xFFFFFFC0  }
0x3bb: {  	_ =	swait.ge [sflag:s17], $0x40  }
0x3bc: {  	[sflag:s17] =	ssyncset.done $0x0  }
0x3bd: {  	[sflag:s17] =	ssyncadd.s32 $0xFFFFFFC0  }
0x3be: {  	_ =	swait.ge [sflag:s17], $0x40  }
0x3bf: {  	[sflag:s17] =	ssyncset.done $0x0  }
0x3c0: {  	[sflag:s17] =	ssyncadd.s32 $0xFFFFFFC0  }
0x3c1: {  	_ =	swait.ge [sflag:s17], $0x40  }
0x3c2: {  	[sflag:s17] =	ssyncset.done $0x0  }
0x3c3: {  	[sflag:s17] =	ssyncadd.s32 $0xFFFFFFC0  }
0x3c4: {  	_ =	swait.ge [sflag:s17], $0x40  }
0x3c5: {  	[sflag:s17] =	ssyncset.done $0x0  }
0x3c6: {  	[sflag:s17] =	ssyncadd.s32 $0xFFFFFFC0  }
0x3c7: {  	_ =	swait.ge [sflag:s17], $0x40  }
0x3c8: {  	[sflag:s17] =	ssyncset.done $0x0  }
0x3c9: {  	[sflag:s17] =	ssyncadd.s32 $0xFFFFFFC0  }
0x3ca: {  	_ =	swait.ge [sflag:s17], $0x40  }
0x3cb: {  	[sflag:s17] =	ssyncset.done $0x0  }
0x3cc: {  	[sflag:s17] =	ssyncadd.s32 $0xFFFFFFC0  }
0x3cd: {  	_ =	swait.ge [sflag:s17], $0x40  }
0x3ce: {  	[sflag:s17] =	ssyncset.done $0x0  }
0x3cf: {  	[sflag:s17] =	ssyncadd.s32 $0xFFFFFFC0  }
0x3d0: {  	_ =	swait.ge [sflag:s17], $0x40  }
0x3d1: {  	[sflag:s17] =	ssyncset.done $0x0  }
0x3d2: {  	[sflag:s17] =	ssyncadd.s32 $0xFFFFFFC0  }
0x3d3: {  	_ =	swait.ge [sflag:s17], $0x40  }
0x3d4: {  	s26 =	sld [smem:$0x7E3]  }
0x3d5: {  	s28 =	sld [smem:$0x7E9];
	_ =	sdelay $0x1  }
0x3d6: {  	s8 =	sadd.s32 $0x1, s26  }
0x3d7: {  	p2 =	sne.s32 s8, s28  }
.Ltmp4:
0x3d8: {  	_ = 	snop;
	(pc) =	sbr.rel @p2 .LBB2_1-.Ltmp4, $4  }
0x3d9: {  	_ = 	snop  }
0x3da: {  	s14 =	sld [smem:$0x7FD]  }
0x3db: {  	[sflag:s17] =	ssyncset.done $0x0  }
0x3dc: {  	[sflag:s17] =	ssyncadd.s32 $0xFFFFFFC0  }
0x3dd: {  	_ =	sfence.sel $0x180000  }
0x3de: {  	[bflag:$0x0] =	sbarrier.arrive $0xFFFF  }
0x3df: {  	_ =	strace $0x90000047  }
0x3e0: {  	s0 =	stileid.u32;
	[bflag:$0x2] =	sbarrier.arrive $0xFFFF  }
0x3e1: {  	p0 =	sne.s32 s0, $0x0;
	s0 =	rddreg [dreg:$0x6]  }
0x3e2: {  	s0 =	sadd.s32 @!p0 $0x100000, s0  }
0x3e3: {  	[sflag:s0] =	ssyncadd.tile.s32 @!p0 $0x1;
	_ =	shalt  }
.Lfunc_end2:
_tile_overlayer_lowered:
.L_overlay_start_2:
0x3e4: {  	(tag) =	ssettag $0x2  }
0x3e5: {  	s0 =	rddreg [dreg:$0x0];
	s2 =	stileid.u32  }
0x3e6: {  	s1 =	rddreg [dreg:$0x1];
	p0 =	sne.s32 s2, $0x0  }
0x3e7: {  	s3 =	rddreg [dreg:$0x2];
	[bflag:$0x3] =	sbarrier.arrive $0xFFFF;
	s2 =	simm.s32 @!p0 $0x1C0E  }
0x3e8: {  	[timem:s3], [sflag:s2] =	dma.local @!p0 [hbm:s0], s1  }
0x3e9: {  	s0 =	simm.s32 @!p0 $0xE  }
0x3ea: {  	_ =	swait.ge @!p0 [sflag:s0], s1  }
0x3eb: {  	s1 =	ssub.s32 @!p0 $0x0, s1;
	[sflag:s0] =	ssyncset.done @!p0 $0x0  }
0x3ec: {  	[sflag:s0] =	ssyncadd.s32 @!p0 s1  }
0x3ed: {  	[bflag:$0x3] =	sbarrier.arrive $0xFFFF  }
0x3ee: {  	_ =	shalt  }

</sc_bundles>
